<compile_context>
chip_gen: v7x
topology: tpu7x:2x2x1
jax: 0.10.2.dev20260603
libtpu: 0.0.44.dev20260713+nightly
codegen_flags: <defaults>
</compile_context>

<pallas_src>
import jax
import jax.numpy as jnp
from jax import lax
from jax.experimental import pallas as pl
from jax.experimental.pallas import tpu as pltpu
from jax.experimental.pallas import tpu_sc as plsc

N = 10000
NP = 10240
E = 320000
R = 4
D = 128
CW = 32
KG = 2
G = 80
KGC = 8
GC = 10
T = G // 2
EP = 16 * G * KG * 128
ACC_ROWS = R * NP + 16
SLICE = ACC_ROWS // 16
BN_EPS = 1e-5
BLK = 512


def _sc_edge_pass(table, pidx, zeros):
    mesh = plsc.VectorSubcoreMesh(core_axis_name="c", subcore_axis_name="s",
                                  num_cores=2, num_subcores=16)

    def body(table_ref, pidx_ref, zeros_ref,
             acc_out, idxb0, idxb1, rowb0, rowb1,
             accsh, tablesh, semg0, semg1, semi0, semi1, sems0, sems1):
        cid = lax.axis_index("c")
        sid = lax.axis_index("s")
        trows = NP // 16
        for ci in range(2):
            chunk = cid * 2 + ci
            dz = pltpu.async_copy(zeros_ref,
                                  accsh.at[pl.ds(sid * SLICE, SLICE)], semi0)
            ds_ = pltpu.async_copy(table_ref.at[pl.ds(sid * trows, trows),
                                                pl.ds(chunk * CW, CW)],
                                   tablesh.at[pl.ds(sid * trows, trows)],
                                   semi1)
            dz.wait()
            ds_.wait()
            plsc.subcore_barrier()

            gbase = sid * G

            def fire_gathers(idxb, rowb, sem):
                for j in range(KG):
                    pltpu.async_copy(tablesh.at[idxb.at[j]],
                                     rowb.at[pl.ds(j * 128, 128)], sem)

            def drain(rowb, sem):
                pltpu.make_async_copy(table_ref.at[pl.ds(0, KG * 128),
                                                   pl.ds(0, CW)],
                                      rowb, sem).wait()

            def load_idx(g, idxb, sem):
                pltpu.async_copy(pidx_ref.at[gbase + g], idxb, sem)

            def wait_idx(idxb, sem):
                pltpu.make_async_copy(pidx_ref.at[gbase], idxb,
                                      sem).wait()

            def fire_scatters(idxb, rowb, sem):
                for j in range(KG):
                    pltpu.async_copy(rowb.at[pl.ds(j * 128, 128)],
                                     accsh.at[idxb.at[KG + j]], sem,
                                     add=True)

            pltpu.sync_copy(pidx_ref.at[gbase], idxb0)
            fire_gathers(idxb0, rowb0, semg0)
            load_idx(1, idxb1, semi1)

            def step(t, carry):
                nlast = t < T - 1
                wait_idx(idxb1, semi1)
                fire_gathers(idxb1, rowb1, semg1)
                drain(rowb0, semg0)
                fire_scatters(idxb0, rowb0, sems0)
                drain(rowb0, sems0)
                pl.when(nlast)(lambda: load_idx(2 * t + 2, idxb0, semi0))
                drain(rowb1, semg1)
                fire_scatters(idxb1, rowb1, sems1)

                def refill_a():
                    wait_idx(idxb0, semi0)
                    fire_gathers(idxb0, rowb0, semg0)
                pl.when(nlast)(refill_a)
                drain(rowb1, sems1)
                pl.when(nlast)(lambda: load_idx(2 * t + 3, idxb1, semi1))
                return carry

            lax.fori_loop(0, T, step, 0)
            plsc.subcore_barrier()
            pltpu.sync_copy(accsh.at[pl.ds(sid * SLICE, SLICE)],
                            acc_out.at[pl.ds(sid * SLICE, SLICE),
                                       pl.ds(chunk * CW, CW)])

    run = pl.kernel(
        body,
        out_type=jax.ShapeDtypeStruct((ACC_ROWS, D), jnp.float32),
        mesh=mesh,
        scratch_types=(
            pltpu.VMEM((2 * KG, 128), jnp.int32),
            pltpu.VMEM((2 * KG, 128), jnp.int32),
            pltpu.VMEM((KG * 128, CW), jnp.float32),
            pltpu.VMEM((KG * 128, CW), jnp.float32),
            pltpu.VMEM_SHARED((ACC_ROWS, CW), jnp.float32),
            pltpu.VMEM_SHARED((NP, CW), jnp.float32),
            pltpu.SemaphoreType.DMA,
            pltpu.SemaphoreType.DMA,
            pltpu.SemaphoreType.DMA,
            pltpu.SemaphoreType.DMA,
            pltpu.SemaphoreType.DMA,
            pltpu.SemaphoreType.DMA,
        ),
        compiler_params=pltpu.CompilerParams(use_tc_tiling_on_sc=False),
    )
    return run(table, pidx, zeros)


def _sc_count_pass(cidx, zeros16, ones):
    mesh = plsc.VectorSubcoreMesh(core_axis_name="c", subcore_axis_name="s",
                                  num_cores=2, num_subcores=16)

    def body(cidx_ref, zeros16_ref, ones_ref, cnt_out,
             idxb0, idxb1, onesv, cntsh, semi0, semi1):
        cid = lax.axis_index("c")
        sid = lax.axis_index("s")
        wid = cid * 16 + sid
        pltpu.sync_copy(ones_ref, onesv)
        pltpu.sync_copy(zeros16_ref, cntsh.at[pl.ds(sid * SLICE, SLICE)])
        plsc.subcore_barrier()

        def scatter(idxb):
            for j in range(KGC):
                pltpu.sync_copy(onesv, cntsh.at[idxb.at[j]], add=True)

        def load_idx(g, idxb, sem):
            pltpu.async_copy(cidx_ref.at[wid, g], idxb, sem)

        def wait_idx(idxb, sem):
            pltpu.make_async_copy(cidx_ref.at[wid, 0], idxb, sem).wait()

        pltpu.sync_copy(cidx_ref.at[wid, 0], idxb0)
        load_idx(1, idxb1, semi1)

        def step(t, carry):
            last = t >= GC // 2 - 1
            scatter(idxb0)
            pl.when(~last)(lambda: load_idx(2 * t + 2, idxb0, semi0))
            wait_idx(idxb1, semi1)
            scatter(idxb1)
            pl.when(~last)(lambda: load_idx(2 * t + 3, idxb1, semi1))
            pl.when(~last)(lambda: wait_idx(idxb0, semi0))
            return carry

        lax.fori_loop(0, GC // 2, step, 0)
        plsc.subcore_barrier()
        pltpu.sync_copy(cntsh.at[pl.ds(sid * SLICE, SLICE)],
                        cnt_out.at[cid, pl.ds(sid * SLICE, SLICE)])

    run = pl.kernel(
        body,
        out_type=jax.ShapeDtypeStruct((2, ACC_ROWS, 16), jnp.float32),
        mesh=mesh,
        scratch_types=(
            pltpu.VMEM((KGC, 128), jnp.int32),
            pltpu.VMEM((KGC, 128), jnp.int32),
            pltpu.VMEM((128, 16), jnp.float32),
            pltpu.VMEM_SHARED((ACC_ROWS, 16), jnp.float32),
            pltpu.SemaphoreType.DMA,
            pltpu.SemaphoreType.DMA,
        ),
        compiler_params=pltpu.CompilerParams(use_tc_tiling_on_sc=False),
    )
    return run(cidx, zeros16, ones)


def _tc_dense(xp, accf, cnt, wstack, gs, bs, relu):
    def body(x_ref, acc_ref, cnt_ref, w_ref, gs_ref, bs_ref, o_ref):
        inv = 1.0 / jnp.maximum(cnt_ref[...], 1.0)
        invb = lax.broadcast_in_dim(inv, (R, BLK, D), (0, 1))
        scaled = acc_ref[...] * invb
        parts = [x_ref[...]] + [scaled[r] for r in range(R)]
        inp = jnp.concatenate(parts, axis=1)
        out = jnp.dot(inp, w_ref[...], preferred_element_type=jnp.float32)
        out = out * gs_ref[...] + bs_ref[...]
        if relu:
            out = jnp.maximum(out, 0.0)
        o_ref[...] = out

    grid = (NP // BLK,)
    return pl.pallas_call(
        body,
        grid=grid,
        in_specs=[
            pl.BlockSpec((BLK, D), lambda i: (i, 0)),
            pl.BlockSpec((R, BLK, D), lambda i: (0, i, 0)),
            pl.BlockSpec((R, BLK), lambda i: (0, i)),
            pl.BlockSpec((5 * D, D), lambda i: (0, 0)),
            pl.BlockSpec((1, D), lambda i: (0, 0)),
            pl.BlockSpec((1, D), lambda i: (0, 0)),
        ],
        out_specs=pl.BlockSpec((BLK, D), lambda i: (i, 0)),
        out_shape=jax.ShapeDtypeStruct((NP, D), jnp.float32),
    )(xp, accf, cnt, wstack, gs, bs)


def kernel(x, edge_index, edge_type, W0, root0, b0, bn_gamma, bn_beta,
           bn_mean, bn_var, W1, root1, b1):
    f32 = jnp.float32
    src = edge_index[0].astype(jnp.int32)
    dst = edge_index[1].astype(jnp.int32)
    et = edge_type.astype(jnp.int32)

    ar = jnp.arange(EP - E, dtype=jnp.int32)
    gflat = jnp.concatenate([src, ar % N]).reshape(16 * G, KG, 128)
    sflat = jnp.concatenate([et * NP + dst, R * NP + (ar % 16)])
    pidx = jnp.concatenate([gflat, sflat.reshape(16 * G, KG, 128)], axis=1)
    cidx = sflat.reshape(32, GC, KGC, 128)

    zeros = jnp.zeros((SLICE, CW), f32)
    zeros16 = jnp.zeros((SLICE, 16), f32)
    ones = jnp.ones((128, 16), f32)

    xp = jnp.pad(x, ((0, NP - N), (0, 0)))

    gp = bn_gamma / jnp.sqrt(bn_var + BN_EPS)
    gs0 = gp.reshape(1, D)
    bs0 = ((b0 - bn_mean) * gp + bn_beta).reshape(1, D)
    gs1 = jnp.ones((1, D), f32)
    bs1 = b1.reshape(1, D)
    wstack0 = jnp.concatenate([root0] + [W0[r] for r in range(R)], axis=0)
    wstack1 = jnp.concatenate([root1] + [W1[r] for r in range(R)], axis=0)

    cnt2 = _sc_count_pass(cidx, zeros16, ones)
    cnt = (cnt2[0, :R * NP, 0] + cnt2[1, :R * NP, 0]).reshape(R, NP)
    acc0 = _sc_edge_pass(xp, pidx, zeros)
    h = _tc_dense(xp, acc0[:R * NP].reshape(R, NP, D), cnt,
                  wstack0, gs0, bs0, relu=True)
    acc1 = _sc_edge_pass(h, pidx, zeros)
    out = _tc_dense(h, acc1[:R * NP].reshape(R, NP, D), cnt,
                    wstack1, gs1, bs1, relu=False)
    return out[:N]

# --- scband reference (transcript-rebuilt; emitter-appended) ---
"""Pipeline reference for scband-rgcnmodel-87299505258751 (READ-ONLY COPY).

The authoritative reference and input builder live on the scoring server;
editing this copy changes nothing except your own understanding.
"""

import jax, jax.numpy as jnp
import numpy as np

N = 10000
E = 320000
DIN = 128
DH = 128
DOUT = 128
R = 4
BN_EPS = 1e-5


def setup_inputs(seed: int = 0) -> dict:
    key = jax.random.key(seed)
    ks = jax.random.split(key, 12)
    x = jax.random.normal(ks[0], (N, DIN), dtype=jnp.float32)
    edge_index = jax.random.randint(ks[1], (2, E), 0, N, dtype=jnp.int32)
    edge_type = jax.random.randint(ks[2], (E,), 0, R, dtype=jnp.int32)
    # Layer 0: RGCNConv(DIN -> DH), per-relation weights + root weight + bias
    s0 = 1.0 / np.sqrt(DIN)
    W0 = jax.random.normal(ks[3], (R, DIN, DH), dtype=jnp.float32) * s0
    root0 = jax.random.normal(ks[4], (DIN, DH), dtype=jnp.float32) * s0
    b0 = jnp.zeros((DH,), dtype=jnp.float32)
    # BatchNorm1d(DH) in eval mode (running stats)
    bn_gamma = jnp.ones((DH,), dtype=jnp.float32)
    bn_beta = jnp.zeros((DH,), dtype=jnp.float32)
    bn_mean = jnp.zeros((DH,), dtype=jnp.float32)
    bn_var = jnp.ones((DH,), dtype=jnp.float32)
    # Layer 1: RGCNConv(DH -> DOUT)
    s1 = 1.0 / np.sqrt(DH)
    W1 = jax.random.normal(ks[5], (R, DH, DOUT), dtype=jnp.float32) * s1
    root1 = jax.random.normal(ks[6], (DH, DOUT), dtype=jnp.float32) * s1
    b1 = jnp.zeros((DOUT,), dtype=jnp.float32)
    return {
        "x": x, "edge_index": edge_index, "edge_type": edge_type,
        "W0": W0, "root0": root0, "b0": b0,
        "bn_gamma": bn_gamma, "bn_beta": bn_beta, "bn_mean": bn_mean, "bn_var": bn_var,
        "W1": W1, "root1": root1, "b1": b1,
    }


def rgcn_conv(x, edge_index, edge_type, W, root, bias):
    # PyG-style RGCNConv with aggr='mean': for each relation, mean-aggregate
    # neighbor features over masked edges, then apply the relation weight.
    src = edge_index[0]
    dst = edge_index[1]
    n = x.shape[0]
    out = x @ root + bias
    xg = jnp.take(x, src, axis=0)  # gather source features [E, d_in]
    for r in range(R):
        mask = (edge_type == r).astype(x.dtype)
        msg = xg * mask[:, None]
        s = jax.ops.segment_sum(msg, dst, num_segments=n)
        c = jax.ops.segment_sum(mask, dst, num_segments=n)
        h = s / jnp.clip(c, 1.0, None)[:, None]
        out = out + h @ W[r]
    return out


def reference(x, edge_index, edge_type, W0, root0, b0, bn_gamma, bn_beta, bn_mean, bn_var, W1, root1, b1):
    h = rgcn_conv(x, edge_index, edge_type, W0, root0, b0)
    h = (h - bn_mean) / jnp.sqrt(bn_var + BN_EPS) * bn_gamma + bn_beta
    h = jax.nn.relu(h)
    # dropout is identity in eval mode
    out = rgcn_conv(h, edge_index, edge_type, W1, root1, b1)
    return out

if __name__ == "__main__":
    import jax
    _d = setup_inputs()
    print(jax.jit(kernel)(*tuple(_d.values())))

</pallas_src>

<mosaic_0001>
#map = affine_map<(d0, d1) -> (0, 0)>
#map1 = affine_map<(d0, d1) -> (0, 0, 0)>
module attributes {stable_mosaic.version = 14 : i64} {
  func.func @body(%arg0: i32, %arg1: i32, %arg2: memref<10240x128xf32, #tpu.memory_space<hbm>>, %arg3: memref<1280x4x128xi32, #tpu.memory_space<hbm>>, %arg4: memref<2561x32xf32, #tpu.memory_space<hbm>>, %arg5: memref<40976x128xf32, #tpu.memory_space<hbm>>, %arg6: memref<4x128xi32, #tpu.memory_space<vmem>>, %arg7: memref<4x128xi32, #tpu.memory_space<vmem>>, %arg8: memref<256x32xf32, #tpu.memory_space<vmem>>, %arg9: memref<256x32xf32, #tpu.memory_space<vmem>>, %arg10: memref<40976x32xf32, #tpu.memory_space<vmem_shared>>, %arg11: memref<10240x32xf32, #tpu.memory_space<vmem_shared>>, %arg12: memref<!tpu.dma_semaphore, #tpu.memory_space<semaphore_mem>>, %arg13: memref<!tpu.dma_semaphore, #tpu.memory_space<semaphore_mem>>, %arg14: memref<!tpu.dma_semaphore, #tpu.memory_space<semaphore_mem>>, %arg15: memref<!tpu.dma_semaphore, #tpu.memory_space<semaphore_mem>>, %arg16: memref<!tpu.dma_semaphore, #tpu.memory_space<semaphore_mem>>, %arg17: memref<!tpu.dma_semaphore, #tpu.memory_space<semaphore_mem>>) attributes {dimension_semantics = [#tpu.dimension_semantics<core_parallel>, #tpu.dimension_semantics<subcore_parallel>], iteration_bounds = array<i64: 2, 16>, scalar_prefetch = 0 : i64, scratch_operands = 12 : i64, tpu.core_type = #tpu.core_type<sc_vector_subcore>, window_params = [{transform_indices = #map}, {transform_indices = #map1}, {transform_indices = #map}, {transform_indices = #map}]} {
    %mul3A = arith.constant 2 : i32
    %mul3A_0 = arith.muli %arg0, %mul3A : i32
    %add3A = arith.constant 0 : i32
    %add3A_1 = arith.addi %mul3A_0, %add3A : i32
    %mul3A_2 = arith.constant 2561 : i32
    %mul3A_3 = arith.muli %arg1, %mul3A_2 : i32
    %dma_start3A = arith.constant 0 : i32
    %dma_start3A_4 = tpu.memref_slice %arg10[%mul3A_3, %dma_start3A] : memref<40976x32xf32, #tpu.memory_space<vmem_shared>> -> memref<2561x32xf32, #tpu.memory_space<vmem_shared>>
    tpu.enqueue_dma source(%arg4 : memref<2561x32xf32, #tpu.memory_space<hbm>>) target(%dma_start3A_4 : memref<2561x32xf32, #tpu.memory_space<vmem_shared>>) target_semaphore(%arg14 : memref<!tpu.dma_semaphore, #tpu.memory_space<semaphore_mem>>)
    %mul3A_5 = arith.constant 640 : i32
    %mul3A_6 = arith.muli %arg1, %mul3A_5 : i32
    %mul3A_7 = arith.constant 32 : i32
    %mul3A_8 = arith.muli %add3A_1, %mul3A_7 : i32
    %mul3A_9 = arith.constant 640 : i32
    %mul3A_10 = arith.muli %arg1, %mul3A_9 : i32
    %dma_start3A_11 = arith.constant 0 : i32
    %dma_start3A_12 = tpu.memref_slice %arg11[%mul3A_10, %dma_start3A_11] : memref<10240x32xf32, #tpu.memory_space<vmem_shared>> -> memref<640x32xf32, #tpu.memory_space<vmem_shared>>
    %dma_start3A_13 = tpu.memref_slice %arg2[%mul3A_6, %mul3A_8] : memref<10240x128xf32, #tpu.memory_space<hbm>> -> memref<640x32xf32, #tpu.memory_space<hbm>>
    tpu.enqueue_dma source(%dma_start3A_13 : memref<640x32xf32, #tpu.memory_space<hbm>>) target(%dma_start3A_12 : memref<640x32xf32, #tpu.memory_space<vmem_shared>>) target_semaphore(%arg15 : memref<!tpu.dma_semaphore, #tpu.memory_space<semaphore_mem>>)
    %dma_wait3A = arith.constant 0 : i32
    %dma_wait3A_14 = tpu.memref_slice %arg10[%mul3A_3, %dma_wait3A] : memref<40976x32xf32, #tpu.memory_space<vmem_shared>> -> memref<2561x32xf32, #tpu.memory_space<vmem_shared>>
    tpu.wait_dma2 semaphore(%arg14 : memref<!tpu.dma_semaphore, #tpu.memory_space<semaphore_mem>>) src(%arg4 : memref<2561x32xf32, #tpu.memory_space<hbm>>) dst(%dma_wait3A_14 : memref<2561x32xf32, #tpu.memory_space<vmem_shared>>)
    %dma_wait3A_15 = arith.constant 0 : i32
    %dma_wait3A_16 = tpu.memref_slice %arg11[%mul3A_10, %dma_wait3A_15] : memref<10240x32xf32, #tpu.memory_space<vmem_shared>> -> memref<640x32xf32, #tpu.memory_space<vmem_shared>>
    %dma_wait3A_17 = tpu.memref_slice %arg2[%mul3A_6, %mul3A_8] : memref<10240x128xf32, #tpu.memory_space<hbm>> -> memref<640x32xf32, #tpu.memory_space<hbm>>
    tpu.wait_dma2 semaphore(%arg15 : memref<!tpu.dma_semaphore, #tpu.memory_space<semaphore_mem>>) src(%dma_wait3A_17 : memref<640x32xf32, #tpu.memory_space<hbm>>) dst(%dma_wait3A_16 : memref<640x32xf32, #tpu.memory_space<vmem_shared>>)
    %barrier3A = arith.constant 0 : index
    tpu.barrier barrier_id(%barrier3A)
    %mul3A_18 = arith.constant 80 : i32
    %mul3A_19 = arith.muli %arg1, %mul3A_18 : i32
    "tpu.region"() ({
      %run_scoped3A = tpu.sem_alloc : memref<!tpu.dma_semaphore, #tpu.memory_space<semaphore_mem>>
      %dma_start3A_130 = arith.constant 0 : i32
      %dma_start3A_131 = arith.constant 0 : i32
      %dma_start3A_132 = tpu.memref_slice %arg3[%mul3A_19, %dma_start3A_130, %dma_start3A_131] : memref<1280x4x128xi32, #tpu.memory_space<hbm>> -> memref<1x4x128xi32, #tpu.memory_space<hbm>>
      %dma_start3A_133 = tpu.memref_squeeze %dma_start3A_132 : memref<1x4x128xi32, #tpu.memory_space<hbm>> -> memref<4x128xi32, #tpu.memory_space<hbm>>
      %dma_start3A_134 = arith.constant 0 : i32
      %dma_start3A_135 = arith.constant 0 : i32
      %dma_start3A_136 = tpu.memref_slice %arg3[%mul3A_19, %dma_start3A_134, %dma_start3A_135] : memref<1280x4x128xi32, #tpu.memory_space<hbm>> -> memref<1x4x128xi32, #tpu.memory_space<hbm>>
      %dma_start3A_137 = tpu.memref_squeeze %dma_start3A_136 : memref<1x4x128xi32, #tpu.memory_space<hbm>> -> memref<4x128xi32, #tpu.memory_space<hbm>>
      tpu.enqueue_dma source(%dma_start3A_137 : memref<4x128xi32, #tpu.memory_space<hbm>>) target(%arg6 : memref<4x128xi32, #tpu.memory_space<vmem>>) target_semaphore(%run_scoped3A : memref<!tpu.dma_semaphore, #tpu.memory_space<semaphore_mem>>)
      %dma_wait3A_138 = arith.constant 0 : i32
      %dma_wait3A_139 = arith.constant 0 : i32
      %dma_wait3A_140 = tpu.memref_slice %arg3[%mul3A_19, %dma_wait3A_138, %dma_wait3A_139] : memref<1280x4x128xi32, #tpu.memory_space<hbm>> -> memref<1x4x128xi32, #tpu.memory_space<hbm>>
      %dma_wait3A_141 = tpu.memref_squeeze %dma_wait3A_140 : memref<1x4x128xi32, #tpu.memory_space<hbm>> -> memref<4x128xi32, #tpu.memory_space<hbm>>
      %dma_wait3A_142 = arith.constant 0 : i32
      %dma_wait3A_143 = arith.constant 0 : i32
      %dma_wait3A_144 = tpu.memref_slice %arg3[%mul3A_19, %dma_wait3A_142, %dma_wait3A_143] : memref<1280x4x128xi32, #tpu.memory_space<hbm>> -> memref<1x4x128xi32, #tpu.memory_space<hbm>>
      %dma_wait3A_145 = tpu.memref_squeeze %dma_wait3A_144 : memref<1x4x128xi32, #tpu.memory_space<hbm>> -> memref<4x128xi32, #tpu.memory_space<hbm>>
      tpu.wait_dma2 semaphore(%run_scoped3A : memref<!tpu.dma_semaphore, #tpu.memory_space<semaphore_mem>>) src(%dma_wait3A_145 : memref<4x128xi32, #tpu.memory_space<hbm>>) dst(%arg6 : memref<4x128xi32, #tpu.memory_space<vmem>>)
      tpu.yield
    }) : () -> ()
    %dma_start3A_20 = arith.constant 0 : i32
    %dma_start3A_21 = arith.constant 0 : i32
    %dma_start3A_22 = arith.constant 0 : i32
    %dma_start3A_23 = tpu.memref_slice %arg8[%dma_start3A_21, %dma_start3A_22] : memref<256x32xf32, #tpu.memory_space<vmem>> -> memref<128x32xf32, #tpu.memory_space<vmem>>
    %dma_start3A_24 = arith.constant 0 : i32
    %dma_start3A_25 = tpu.memref_slice %arg6[%dma_start3A_20, %dma_start3A_24] : memref<4x128xi32, #tpu.memory_space<vmem>> -> memref<1x128xi32, #tpu.memory_space<vmem>>
    %dma_start3A_26 = tpu.memref_squeeze %dma_start3A_25 : memref<1x128xi32, #tpu.memory_space<vmem>> -> memref<128xi32, #tpu.memory_space<vmem>>
    %dma_start3A_27 = arith.constant 0 : i32
    %dma_start3A_28 = arith.constant 0 : i32
    %dma_start3A_29 = tpu.memref_slice %arg11[%dma_start3A_27, %dma_start3A_28] : memref<10240x32xf32, #tpu.memory_space<vmem_shared>> -> memref<10240x32xf32, #tpu.memory_space<vmem_shared>>
    tpu.enqueue_indirect_dma source(%dma_start3A_29 : memref<10240x32xf32, #tpu.memory_space<vmem_shared>>) target(%dma_start3A_23 : memref<128x32xf32, #tpu.memory_space<vmem>>) offsets(%dma_start3A_26 : memref<128xi32, #tpu.memory_space<vmem>>) semaphore(%arg12 : memref<!tpu.dma_semaphore, #tpu.memory_space<semaphore_mem>>)
    %dma_start3A_30 = arith.constant 1 : i32
    %dma_start3A_31 = arith.constant 128 : i32
    %dma_start3A_32 = arith.constant 0 : i32
    %dma_start3A_33 = tpu.memref_slice %arg8[%dma_start3A_31, %dma_start3A_32] : memref<256x32xf32, #tpu.memory_space<vmem>> -> memref<128x32xf32, #tpu.memory_space<vmem>>
    %dma_start3A_34 = arith.constant 0 : i32
    %dma_start3A_35 = tpu.memref_slice %arg6[%dma_start3A_30, %dma_start3A_34] : memref<4x128xi32, #tpu.memory_space<vmem>> -> memref<1x128xi32, #tpu.memory_space<vmem>>
    %dma_start3A_36 = tpu.memref_squeeze %dma_start3A_35 : memref<1x128xi32, #tpu.memory_space<vmem>> -> memref<128xi32, #tpu.memory_space<vmem>>
    %dma_start3A_37 = arith.constant 0 : i32
    %dma_start3A_38 = arith.constant 0 : i32
    %dma_start3A_39 = tpu.memref_slice %arg11[%dma_start3A_37, %dma_start3A_38] : memref<10240x32xf32, #tpu.memory_space<vmem_shared>> -> memref<10240x32xf32, #tpu.memory_space<vmem_shared>>
    tpu.enqueue_indirect_dma source(%dma_start3A_39 : memref<10240x32xf32, #tpu.memory_space<vmem_shared>>) target(%dma_start3A_33 : memref<128x32xf32, #tpu.memory_space<vmem>>) offsets(%dma_start3A_36 : memref<128xi32, #tpu.memory_space<vmem>>) semaphore(%arg12 : memref<!tpu.dma_semaphore, #tpu.memory_space<semaphore_mem>>)
    %add3A_40 = arith.constant 1 : i32
    %add3A_41 = arith.addi %mul3A_19, %add3A_40 : i32
    %dma_start3A_42 = arith.constant 0 : i32
    %dma_start3A_43 = arith.constant 0 : i32
    %dma_start3A_44 = tpu.memref_slice %arg3[%add3A_41, %dma_start3A_42, %dma_start3A_43] : memref<1280x4x128xi32, #tpu.memory_space<hbm>> -> memref<1x4x128xi32, #tpu.memory_space<hbm>>
    %dma_start3A_45 = tpu.memref_squeeze %dma_start3A_44 : memref<1x4x128xi32, #tpu.memory_space<hbm>> -> memref<4x128xi32, #tpu.memory_space<hbm>>
    %dma_start3A_46 = arith.constant 0 : i32
    %dma_start3A_47 = arith.constant 0 : i32
    %dma_start3A_48 = tpu.memref_slice %arg3[%add3A_41, %dma_start3A_46, %dma_start3A_47] : memref<1280x4x128xi32, #tpu.memory_space<hbm>> -> memref<1x4x128xi32, #tpu.memory_space<hbm>>
    %dma_start3A_49 = tpu.memref_squeeze %dma_start3A_48 : memref<1x4x128xi32, #tpu.memory_space<hbm>> -> memref<4x128xi32, #tpu.memory_space<hbm>>
    tpu.enqueue_dma source(%dma_start3A_49 : memref<4x128xi32, #tpu.memory_space<hbm>>) target(%arg7 : memref<4x128xi32, #tpu.memory_space<vmem>>) target_semaphore(%arg15 : memref<!tpu.dma_semaphore, #tpu.memory_space<semaphore_mem>>)
    %scan3A = arith.constant 0 : i32
    %scan3A_50 = arith.constant 0 : i32
    %scan3A_51 = arith.constant 40 : i32
    %scan3A_52 = arith.addi %scan3A_50, %scan3A_51 : i32
    %scan3A_53 = arith.constant 1 : i32
    scf.for %scan3A_130 = %scan3A_50 to %scan3A_52 step %scan3A_53  : i32 {
      %lt3A = arith.constant 39 : i32
      %lt3A_131 = arith.cmpi slt, %scan3A_130, %lt3A : i32
      %dma_wait3A_132 = arith.constant 0 : i32
      %dma_wait3A_133 = arith.constant 0 : i32
      %dma_wait3A_134 = tpu.memref_slice %arg3[%mul3A_19, %dma_wait3A_132, %dma_wait3A_133] : memref<1280x4x128xi32, #tpu.memory_space<hbm>> -> memref<1x4x128xi32, #tpu.memory_space<hbm>>
      %dma_wait3A_135 = tpu.memref_squeeze %dma_wait3A_134 : memref<1x4x128xi32, #tpu.memory_space<hbm>> -> memref<4x128xi32, #tpu.memory_space<hbm>>
      %dma_wait3A_136 = arith.constant 0 : i32
      %dma_wait3A_137 = arith.constant 0 : i32
      %dma_wait3A_138 = tpu.memref_slice %arg3[%mul3A_19, %dma_wait3A_136, %dma_wait3A_137] : memref<1280x4x128xi32, #tpu.memory_space<hbm>> -> memref<1x4x128xi32, #tpu.memory_space<hbm>>
      %dma_wait3A_139 = tpu.memref_squeeze %dma_wait3A_138 : memref<1x4x128xi32, #tpu.memory_space<hbm>> -> memref<4x128xi32, #tpu.memory_space<hbm>>
      tpu.wait_dma2 semaphore(%arg15 : memref<!tpu.dma_semaphore, #tpu.memory_space<semaphore_mem>>) src(%dma_wait3A_139 : memref<4x128xi32, #tpu.memory_space<hbm>>) dst(%arg7 : memref<4x128xi32, #tpu.memory_space<vmem>>)
      %dma_start3A_140 = arith.constant 0 : i32
      %dma_start3A_141 = arith.constant 0 : i32
      %dma_start3A_142 = arith.constant 0 : i32
      %dma_start3A_143 = tpu.memref_slice %arg9[%dma_start3A_141, %dma_start3A_142] : memref<256x32xf32, #tpu.memory_space<vmem>> -> memref<128x32xf32, #tpu.memory_space<vmem>>
      %dma_start3A_144 = arith.constant 0 : i32
      %dma_start3A_145 = tpu.memref_slice %arg7[%dma_start3A_140, %dma_start3A_144] : memref<4x128xi32, #tpu.memory_space<vmem>> -> memref<1x128xi32, #tpu.memory_space<vmem>>
      %dma_start3A_146 = tpu.memref_squeeze %dma_start3A_145 : memref<1x128xi32, #tpu.memory_space<vmem>> -> memref<128xi32, #tpu.memory_space<vmem>>
      %dma_start3A_147 = arith.constant 0 : i32
      %dma_start3A_148 = arith.constant 0 : i32
      %dma_start3A_149 = tpu.memref_slice %arg11[%dma_start3A_147, %dma_start3A_148] : memref<10240x32xf32, #tpu.memory_space<vmem_shared>> -> memref<10240x32xf32, #tpu.memory_space<vmem_shared>>
      tpu.enqueue_indirect_dma source(%dma_start3A_149 : memref<10240x32xf32, #tpu.memory_space<vmem_shared>>) target(%dma_start3A_143 : memref<128x32xf32, #tpu.memory_space<vmem>>) offsets(%dma_start3A_146 : memref<128xi32, #tpu.memory_space<vmem>>) semaphore(%arg13 : memref<!tpu.dma_semaphore, #tpu.memory_space<semaphore_mem>>)
      %dma_start3A_150 = arith.constant 1 : i32
      %dma_start3A_151 = arith.constant 128 : i32
      %dma_start3A_152 = arith.constant 0 : i32
      %dma_start3A_153 = tpu.memref_slice %arg9[%dma_start3A_151, %dma_start3A_152] : memref<256x32xf32, #tpu.memory_space<vmem>> -> memref<128x32xf32, #tpu.memory_space<vmem>>
      %dma_start3A_154 = arith.constant 0 : i32
      %dma_start3A_155 = tpu.memref_slice %arg7[%dma_start3A_150, %dma_start3A_154] : memref<4x128xi32, #tpu.memory_space<vmem>> -> memref<1x128xi32, #tpu.memory_space<vmem>>
      %dma_start3A_156 = tpu.memref_squeeze %dma_start3A_155 : memref<1x128xi32, #tpu.memory_space<vmem>> -> memref<128xi32, #tpu.memory_space<vmem>>
      %dma_start3A_157 = arith.constant 0 : i32
      %dma_start3A_158 = arith.constant 0 : i32
      %dma_start3A_159 = tpu.memref_slice %arg11[%dma_start3A_157, %dma_start3A_158] : memref<10240x32xf32, #tpu.memory_space<vmem_shared>> -> memref<10240x32xf32, #tpu.memory_space<vmem_shared>>
      tpu.enqueue_indirect_dma source(%dma_start3A_159 : memref<10240x32xf32, #tpu.memory_space<vmem_shared>>) target(%dma_start3A_153 : memref<128x32xf32, #tpu.memory_space<vmem>>) offsets(%dma_start3A_156 : memref<128xi32, #tpu.memory_space<vmem>>) semaphore(%arg13 : memref<!tpu.dma_semaphore, #tpu.memory_space<semaphore_mem>>)
      %dma_wait3A_160 = arith.constant 0 : i32
      %dma_wait3A_161 = arith.constant 0 : i32
      %dma_wait3A_162 = tpu.memref_slice %arg2[%dma_wait3A_160, %dma_wait3A_161] : memref<10240x128xf32, #tpu.memory_space<hbm>> -> memref<256x32xf32, #tpu.memory_space<hbm>>
      %dma_wait3A_163 = arith.constant 0 : i32
      %dma_wait3A_164 = arith.constant 0 : i32
      %dma_wait3A_165 = tpu.memref_slice %arg2[%dma_wait3A_163, %dma_wait3A_164] : memref<10240x128xf32, #tpu.memory_space<hbm>> -> memref<256x32xf32, #tpu.memory_space<hbm>>
      tpu.wait_dma2 semaphore(%arg12 : memref<!tpu.dma_semaphore, #tpu.memory_space<semaphore_mem>>) src(%dma_wait3A_165 : memref<256x32xf32, #tpu.memory_space<hbm>>) dst(%arg8 : memref<256x32xf32, #tpu.memory_space<vmem>>)
      %dma_start3A_166 = arith.constant 2 : i32
      %dma_start3A_167 = arith.constant 0 : i32
      %dma_start3A_168 = arith.constant 0 : i32
      %dma_start3A_169 = tpu.memref_slice %arg8[%dma_start3A_167, %dma_start3A_168] : memref<256x32xf32, #tpu.memory_space<vmem>> -> memref<128x32xf32, #tpu.memory_space<vmem>>
      %dma_start3A_170 = arith.constant 0 : i32
      %dma_start3A_171 = tpu.memref_slice %arg6[%dma_start3A_166, %dma_start3A_170] : memref<4x128xi32, #tpu.memory_space<vmem>> -> memref<1x128xi32, #tpu.memory_space<vmem>>
      %dma_start3A_172 = tpu.memref_squeeze %dma_start3A_171 : memref<1x128xi32, #tpu.memory_space<vmem>> -> memref<128xi32, #tpu.memory_space<vmem>>
      %dma_start3A_173 = arith.constant 0 : i32
      %dma_start3A_174 = arith.constant 0 : i32
      %dma_start3A_175 = tpu.memref_slice %arg10[%dma_start3A_173, %dma_start3A_174] : memref<40976x32xf32, #tpu.memory_space<vmem_shared>> -> memref<40976x32xf32, #tpu.memory_space<vmem_shared>>
      tpu.enqueue_indirect_dma source(%dma_start3A_169 : memref<128x32xf32, #tpu.memory_space<vmem>>) target(%dma_start3A_175 : memref<40976x32xf32, #tpu.memory_space<vmem_shared>>) offsets(%dma_start3A_172 : memref<128xi32, #tpu.memory_space<vmem>>) semaphore(%arg16 : memref<!tpu.dma_semaphore, #tpu.memory_space<semaphore_mem>>) {add = true}
      %dma_start3A_176 = arith.constant 3 : i32
      %dma_start3A_177 = arith.constant 128 : i32
      %dma_start3A_178 = arith.constant 0 : i32
      %dma_start3A_179 = tpu.memref_slice %arg8[%dma_start3A_177, %dma_start3A_178] : memref<256x32xf32, #tpu.memory_space<vmem>> -> memref<128x32xf32, #tpu.memory_space<vmem>>
      %dma_start3A_180 = arith.constant 0 : i32
      %dma_start3A_181 = tpu.memref_slice %arg6[%dma_start3A_176, %dma_start3A_180] : memref<4x128xi32, #tpu.memory_space<vmem>> -> memref<1x128xi32, #tpu.memory_space<vmem>>
      %dma_start3A_182 = tpu.memref_squeeze %dma_start3A_181 : memref<1x128xi32, #tpu.memory_space<vmem>> -> memref<128xi32, #tpu.memory_space<vmem>>
      %dma_start3A_183 = arith.constant 0 : i32
      %dma_start3A_184 = arith.constant 0 : i32
      %dma_start3A_185 = tpu.memref_slice %arg10[%dma_start3A_183, %dma_start3A_184] : memref<40976x32xf32, #tpu.memory_space<vmem_shared>> -> memref<40976x32xf32, #tpu.memory_space<vmem_shared>>
      tpu.enqueue_indirect_dma source(%dma_start3A_179 : memref<128x32xf32, #tpu.memory_space<vmem>>) target(%dma_start3A_185 : memref<40976x32xf32, #tpu.memory_space<vmem_shared>>) offsets(%dma_start3A_182 : memref<128xi32, #tpu.memory_space<vmem>>) semaphore(%arg16 : memref<!tpu.dma_semaphore, #tpu.memory_space<semaphore_mem>>) {add = true}
      %dma_wait3A_186 = arith.constant 0 : i32
      %dma_wait3A_187 = arith.constant 0 : i32
      %dma_wait3A_188 = tpu.memref_slice %arg2[%dma_wait3A_186, %dma_wait3A_187] : memref<10240x128xf32, #tpu.memory_space<hbm>> -> memref<256x32xf32, #tpu.memory_space<hbm>>
      %dma_wait3A_189 = arith.constant 0 : i32
      %dma_wait3A_190 = arith.constant 0 : i32
      %dma_wait3A_191 = tpu.memref_slice %arg2[%dma_wait3A_189, %dma_wait3A_190] : memref<10240x128xf32, #tpu.memory_space<hbm>> -> memref<256x32xf32, #tpu.memory_space<hbm>>
      tpu.wait_dma2 semaphore(%arg16 : memref<!tpu.dma_semaphore, #tpu.memory_space<semaphore_mem>>) src(%dma_wait3A_191 : memref<256x32xf32, #tpu.memory_space<hbm>>) dst(%arg8 : memref<256x32xf32, #tpu.memory_space<vmem>>)
      %convert_element_type3A = arith.extui %lt3A_131 : i1 to i32
      %cond3A = arith.constant 0 : i32
      %cond3A_192 = arith.cmpi ne, %convert_element_type3A, %cond3A : i32
      scf.if %cond3A_192 {
        %mul3A_231 = arith.constant 2 : i32
        %mul3A_232 = arith.muli %mul3A_231, %scan3A_130 : i32
        %add3A_233 = arith.constant 2 : i32
        %add3A_234 = arith.addi %mul3A_232, %add3A_233 : i32
        %add3A_235 = arith.addi %mul3A_19, %add3A_234 : i32
        %dma_start3A_236 = arith.constant 0 : i32
        %dma_start3A_237 = arith.constant 0 : i32
        %dma_start3A_238 = tpu.memref_slice %arg3[%add3A_235, %dma_start3A_236, %dma_start3A_237] : memref<1280x4x128xi32, #tpu.memory_space<hbm>> -> memref<1x4x128xi32, #tpu.memory_space<hbm>>
        %dma_start3A_239 = tpu.memref_squeeze %dma_start3A_238 : memref<1x4x128xi32, #tpu.memory_space<hbm>> -> memref<4x128xi32, #tpu.memory_space<hbm>>
        %dma_start3A_240 = arith.constant 0 : i32
        %dma_start3A_241 = arith.constant 0 : i32
        %dma_start3A_242 = tpu.memref_slice %arg3[%add3A_235, %dma_start3A_240, %dma_start3A_241] : memref<1280x4x128xi32, #tpu.memory_space<hbm>> -> memref<1x4x128xi32, #tpu.memory_space<hbm>>
        %dma_start3A_243 = tpu.memref_squeeze %dma_start3A_242 : memref<1x4x128xi32, #tpu.memory_space<hbm>> -> memref<4x128xi32, #tpu.memory_space<hbm>>
        tpu.enqueue_dma source(%dma_start3A_243 : memref<4x128xi32, #tpu.memory_space<hbm>>) target(%arg6 : memref<4x128xi32, #tpu.memory_space<vmem>>) target_semaphore(%arg14 : memref<!tpu.dma_semaphore, #tpu.memory_space<semaphore_mem>>)
      } else {
      }
      %dma_wait3A_193 = arith.constant 0 : i32
      %dma_wait3A_194 = arith.constant 0 : i32
      %dma_wait3A_195 = tpu.memref_slice %arg2[%dma_wait3A_193, %dma_wait3A_194] : memref<10240x128xf32, #tpu.memory_space<hbm>> -> memref<256x32xf32, #tpu.memory_space<hbm>>
      %dma_wait3A_196 = arith.constant 0 : i32
      %dma_wait3A_197 = arith.constant 0 : i32
      %dma_wait3A_198 = tpu.memref_slice %arg2[%dma_wait3A_196, %dma_wait3A_197] : memref<10240x128xf32, #tpu.memory_space<hbm>> -> memref<256x32xf32, #tpu.memory_space<hbm>>
      tpu.wait_dma2 semaphore(%arg13 : memref<!tpu.dma_semaphore, #tpu.memory_space<semaphore_mem>>) src(%dma_wait3A_198 : memref<256x32xf32, #tpu.memory_space<hbm>>) dst(%arg9 : memref<256x32xf32, #tpu.memory_space<vmem>>)
      %dma_start3A_199 = arith.constant 2 : i32
      %dma_start3A_200 = arith.constant 0 : i32
      %dma_start3A_201 = arith.constant 0 : i32
      %dma_start3A_202 = tpu.memref_slice %arg9[%dma_start3A_200, %dma_start3A_201] : memref<256x32xf32, #tpu.memory_space<vmem>> -> memref<128x32xf32, #tpu.memory_space<vmem>>
      %dma_start3A_203 = arith.constant 0 : i32
      %dma_start3A_204 = tpu.memref_slice %arg7[%dma_start3A_199, %dma_start3A_203] : memref<4x128xi32, #tpu.memory_space<vmem>> -> memref<1x128xi32, #tpu.memory_space<vmem>>
      %dma_start3A_205 = tpu.memref_squeeze %dma_start3A_204 : memref<1x128xi32, #tpu.memory_space<vmem>> -> memref<128xi32, #tpu.memory_space<vmem>>
      %dma_start3A_206 = arith.constant 0 : i32
      %dma_start3A_207 = arith.constant 0 : i32
      %dma_start3A_208 = tpu.memref_slice %arg10[%dma_start3A_206, %dma_start3A_207] : memref<40976x32xf32, #tpu.memory_space<vmem_shared>> -> memref<40976x32xf32, #tpu.memory_space<vmem_shared>>
      tpu.enqueue_indirect_dma source(%dma_start3A_202 : memref<128x32xf32, #tpu.memory_space<vmem>>) target(%dma_start3A_208 : memref<40976x32xf32, #tpu.memory_space<vmem_shared>>) offsets(%dma_start3A_205 : memref<128xi32, #tpu.memory_space<vmem>>) semaphore(%arg17 : memref<!tpu.dma_semaphore, #tpu.memory_space<semaphore_mem>>) {add = true}
      %dma_start3A_209 = arith.constant 3 : i32
      %dma_start3A_210 = arith.constant 128 : i32
      %dma_start3A_211 = arith.constant 0 : i32
      %dma_start3A_212 = tpu.memref_slice %arg9[%dma_start3A_210, %dma_start3A_211] : memref<256x32xf32, #tpu.memory_space<vmem>> -> memref<128x32xf32, #tpu.memory_space<vmem>>
      %dma_start3A_213 = arith.constant 0 : i32
      %dma_start3A_214 = tpu.memref_slice %arg7[%dma_start3A_209, %dma_start3A_213] : memref<4x128xi32, #tpu.memory_space<vmem>> -> memref<1x128xi32, #tpu.memory_space<vmem>>
      %dma_start3A_215 = tpu.memref_squeeze %dma_start3A_214 : memref<1x128xi32, #tpu.memory_space<vmem>> -> memref<128xi32, #tpu.memory_space<vmem>>
      %dma_start3A_216 = arith.constant 0 : i32
      %dma_start3A_217 = arith.constant 0 : i32
      %dma_start3A_218 = tpu.memref_slice %arg10[%dma_start3A_216, %dma_start3A_217] : memref<40976x32xf32, #tpu.memory_space<vmem_shared>> -> memref<40976x32xf32, #tpu.memory_space<vmem_shared>>
      tpu.enqueue_indirect_dma source(%dma_start3A_212 : memref<128x32xf32, #tpu.memory_space<vmem>>) target(%dma_start3A_218 : memref<40976x32xf32, #tpu.memory_space<vmem_shared>>) offsets(%dma_start3A_215 : memref<128xi32, #tpu.memory_space<vmem>>) semaphore(%arg17 : memref<!tpu.dma_semaphore, #tpu.memory_space<semaphore_mem>>) {add = true}
      %convert_element_type3A_219 = arith.extui %lt3A_131 : i1 to i32
      %cond3A_220 = arith.constant 0 : i32
      %cond3A_221 = arith.cmpi ne, %convert_element_type3A_219, %cond3A_220 : i32
      scf.if %cond3A_221 {
        %dma_wait3A_231 = arith.constant 0 : i32
        %dma_wait3A_232 = arith.constant 0 : i32
        %dma_wait3A_233 = tpu.memref_slice %arg3[%mul3A_19, %dma_wait3A_231, %dma_wait3A_232] : memref<1280x4x128xi32, #tpu.memory_space<hbm>> -> memref<1x4x128xi32, #tpu.memory_space<hbm>>
        %dma_wait3A_234 = tpu.memref_squeeze %dma_wait3A_233 : memref<1x4x128xi32, #tpu.memory_space<hbm>> -> memref<4x128xi32, #tpu.memory_space<hbm>>
        %dma_wait3A_235 = arith.constant 0 : i32
        %dma_wait3A_236 = arith.constant 0 : i32
        %dma_wait3A_237 = tpu.memref_slice %arg3[%mul3A_19, %dma_wait3A_235, %dma_wait3A_236] : memref<1280x4x128xi32, #tpu.memory_space<hbm>> -> memref<1x4x128xi32, #tpu.memory_space<hbm>>
        %dma_wait3A_238 = tpu.memref_squeeze %dma_wait3A_237 : memref<1x4x128xi32, #tpu.memory_space<hbm>> -> memref<4x128xi32, #tpu.memory_space<hbm>>
        tpu.wait_dma2 semaphore(%arg14 : memref<!tpu.dma_semaphore, #tpu.memory_space<semaphore_mem>>) src(%dma_wait3A_238 : memref<4x128xi32, #tpu.memory_space<hbm>>) dst(%arg6 : memref<4x128xi32, #tpu.memory_space<vmem>>)
        %dma_start3A_239 = arith.constant 0 : i32
        %dma_start3A_240 = arith.constant 0 : i32
        %dma_start3A_241 = arith.constant 0 : i32
        %dma_start3A_242 = tpu.memref_slice %arg8[%dma_start3A_240, %dma_start3A_241] : memref<256x32xf32, #tpu.memory_space<vmem>> -> memref<128x32xf32, #tpu.memory_space<vmem>>
        %dma_start3A_243 = arith.constant 0 : i32
        %dma_start3A_244 = tpu.memref_slice %arg6[%dma_start3A_239, %dma_start3A_243] : memref<4x128xi32, #tpu.memory_space<vmem>> -> memref<1x128xi32, #tpu.memory_space<vmem>>
        %dma_start3A_245 = tpu.memref_squeeze %dma_start3A_244 : memref<1x128xi32, #tpu.memory_space<vmem>> -> memref<128xi32, #tpu.memory_space<vmem>>
        %dma_start3A_246 = arith.constant 0 : i32
        %dma_start3A_247 = arith.constant 0 : i32
        %dma_start3A_248 = tpu.memref_slice %arg11[%dma_start3A_246, %dma_start3A_247] : memref<10240x32xf32, #tpu.memory_space<vmem_shared>> -> memref<10240x32xf32, #tpu.memory_space<vmem_shared>>
        tpu.enqueue_indirect_dma source(%dma_start3A_248 : memref<10240x32xf32, #tpu.memory_space<vmem_shared>>) target(%dma_start3A_242 : memref<128x32xf32, #tpu.memory_space<vmem>>) offsets(%dma_start3A_245 : memref<128xi32, #tpu.memory_space<vmem>>) semaphore(%arg12 : memref<!tpu.dma_semaphore, #tpu.memory_space<semaphore_mem>>)
        %dma_start3A_249 = arith.constant 1 : i32
        %dma_start3A_250 = arith.constant 128 : i32
        %dma_start3A_251 = arith.constant 0 : i32
        %dma_start3A_252 = tpu.memref_slice %arg8[%dma_start3A_250, %dma_start3A_251] : memref<256x32xf32, #tpu.memory_space<vmem>> -> memref<128x32xf32, #tpu.memory_space<vmem>>
        %dma_start3A_253 = arith.constant 0 : i32
        %dma_start3A_254 = tpu.memref_slice %arg6[%dma_start3A_249, %dma_start3A_253] : memref<4x128xi32, #tpu.memory_space<vmem>> -> memref<1x128xi32, #tpu.memory_space<vmem>>
        %dma_start3A_255 = tpu.memref_squeeze %dma_start3A_254 : memref<1x128xi32, #tpu.memory_space<vmem>> -> memref<128xi32, #tpu.memory_space<vmem>>
        %dma_start3A_256 = arith.constant 0 : i32
        %dma_start3A_257 = arith.constant 0 : i32
        %dma_start3A_258 = tpu.memref_slice %arg11[%dma_start3A_256, %dma_start3A_257] : memref<10240x32xf32, #tpu.memory_space<vmem_shared>> -> memref<10240x32xf32, #tpu.memory_space<vmem_shared>>
        tpu.enqueue_indirect_dma source(%dma_start3A_258 : memref<10240x32xf32, #tpu.memory_space<vmem_shared>>) target(%dma_start3A_252 : memref<128x32xf32, #tpu.memory_space<vmem>>) offsets(%dma_start3A_255 : memref<128xi32, #tpu.memory_space<vmem>>) semaphore(%arg12 : memref<!tpu.dma_semaphore, #tpu.memory_space<semaphore_mem>>)
      } else {
      }
      %dma_wait3A_222 = arith.constant 0 : i32
      %dma_wait3A_223 = arith.constant 0 : i32
      %dma_wait3A_224 = tpu.memref_slice %arg2[%dma_wait3A_222, %dma_wait3A_223] : memref<10240x128xf32, #tpu.memory_space<hbm>> -> memref<256x32xf32, #tpu.memory_space<hbm>>
      %dma_wait3A_225 = arith.constant 0 : i32
      %dma_wait3A_226 = arith.constant 0 : i32
      %dma_wait3A_227 = tpu.memref_slice %arg2[%dma_wait3A_225, %dma_wait3A_226] : memref<10240x128xf32, #tpu.memory_space<hbm>> -> memref<256x32xf32, #tpu.memory_space<hbm>>
      tpu.wait_dma2 semaphore(%arg17 : memref<!tpu.dma_semaphore, #tpu.memory_space<semaphore_mem>>) src(%dma_wait3A_227 : memref<256x32xf32, #tpu.memory_space<hbm>>) dst(%arg9 : memref<256x32xf32, #tpu.memory_space<vmem>>)
      %convert_element_type3A_228 = arith.extui %lt3A_131 : i1 to i32
      %cond3A_229 = arith.constant 0 : i32
      %cond3A_230 = arith.cmpi ne, %convert_element_type3A_228, %cond3A_229 : i32
      scf.if %cond3A_230 {
        %mul3A_231 = arith.constant 2 : i32
        %mul3A_232 = arith.muli %mul3A_231, %scan3A_130 : i32
        %add3A_233 = arith.constant 3 : i32
        %add3A_234 = arith.addi %mul3A_232, %add3A_233 : i32
        %add3A_235 = arith.addi %mul3A_19, %add3A_234 : i32
        %dma_start3A_236 = arith.constant 0 : i32
        %dma_start3A_237 = arith.constant 0 : i32
        %dma_start3A_238 = tpu.memref_slice %arg3[%add3A_235, %dma_start3A_236, %dma_start3A_237] : memref<1280x4x128xi32, #tpu.memory_space<hbm>> -> memref<1x4x128xi32, #tpu.memory_space<hbm>>
        %dma_start3A_239 = tpu.memref_squeeze %dma_start3A_238 : memref<1x4x128xi32, #tpu.memory_space<hbm>> -> memref<4x128xi32, #tpu.memory_space<hbm>>
        %dma_start3A_240 = arith.constant 0 : i32
        %dma_start3A_241 = arith.constant 0 : i32
        %dma_start3A_242 = tpu.memref_slice %arg3[%add3A_235, %dma_start3A_240, %dma_start3A_241] : memref<1280x4x128xi32, #tpu.memory_space<hbm>> -> memref<1x4x128xi32, #tpu.memory_space<hbm>>
        %dma_start3A_243 = tpu.memref_squeeze %dma_start3A_242 : memref<1x4x128xi32, #tpu.memory_space<hbm>> -> memref<4x128xi32, #tpu.memory_space<hbm>>
        tpu.enqueue_dma source(%dma_start3A_243 : memref<4x128xi32, #tpu.memory_space<hbm>>) target(%arg7 : memref<4x128xi32, #tpu.memory_space<vmem>>) target_semaphore(%arg15 : memref<!tpu.dma_semaphore, #tpu.memory_space<semaphore_mem>>)
      } else {
      }
    }
    %scan3A_54 = arith.constant 40 : i32
    %barrier3A_55 = arith.constant 0 : index
    tpu.barrier barrier_id(%barrier3A_55)
    %mul3A_56 = arith.constant 2561 : i32
    %mul3A_57 = arith.muli %arg1, %mul3A_56 : i32
    %mul3A_58 = arith.constant 2561 : i32
    %mul3A_59 = arith.muli %arg1, %mul3A_58 : i32
    %mul3A_60 = arith.constant 32 : i32
    %mul3A_61 = arith.muli %add3A_1, %mul3A_60 : i32
    "tpu.region"() ({
      %run_scoped3A = tpu.sem_alloc : memref<!tpu.dma_semaphore, #tpu.memory_space<semaphore_mem>>
      %dma_start3A_130 = tpu.memref_slice %arg5[%mul3A_59, %mul3A_61] : memref<40976x128xf32, #tpu.memory_space<hbm>> -> memref<2561x32xf32, #tpu.memory_space<hbm>>
      %dma_start3A_131 = arith.constant 0 : i32
      %dma_start3A_132 = tpu.memref_slice %arg10[%mul3A_57, %dma_start3A_131] : memref<40976x32xf32, #tpu.memory_space<vmem_shared>> -> memref<2561x32xf32, #tpu.memory_space<vmem_shared>>
      tpu.enqueue_dma source(%dma_start3A_132 : memref<2561x32xf32, #tpu.memory_space<vmem_shared>>) target(%dma_start3A_130 : memref<2561x32xf32, #tpu.memory_space<hbm>>) target_semaphore(%run_scoped3A : memref<!tpu.dma_semaphore, #tpu.memory_space<semaphore_mem>>)
      %dma_wait3A_133 = tpu.memref_slice %arg5[%mul3A_59, %mul3A_61] : memref<40976x128xf32, #tpu.memory_space<hbm>> -> memref<2561x32xf32, #tpu.memory_space<hbm>>
      %dma_wait3A_134 = arith.constant 0 : i32
      %dma_wait3A_135 = tpu.memref_slice %arg10[%mul3A_57, %dma_wait3A_134] : memref<40976x32xf32, #tpu.memory_space<vmem_shared>> -> memref<2561x32xf32, #tpu.memory_space<vmem_shared>>
      tpu.wait_dma2 semaphore(%run_scoped3A : memref<!tpu.dma_semaphore, #tpu.memory_space<semaphore_mem>>) src(%dma_wait3A_135 : memref<2561x32xf32, #tpu.memory_space<vmem_shared>>) dst(%dma_wait3A_133 : memref<2561x32xf32, #tpu.memory_space<hbm>>)
      tpu.yield
    }) : () -> ()
    %mul3A_62 = arith.constant 2 : i32
    %mul3A_63 = arith.muli %arg0, %mul3A_62 : i32
    %add3A_64 = arith.constant 1 : i32
    %add3A_65 = arith.addi %mul3A_63, %add3A_64 : i32
    %mul3A_66 = arith.constant 2561 : i32
    %mul3A_67 = arith.muli %arg1, %mul3A_66 : i32
    %dma_start3A_68 = arith.constant 0 : i32
    %dma_start3A_69 = tpu.memref_slice %arg10[%mul3A_67, %dma_start3A_68] : memref<40976x32xf32, #tpu.memory_space<vmem_shared>> -> memref<2561x32xf32, #tpu.memory_space<vmem_shared>>
    tpu.enqueue_dma source(%arg4 : memref<2561x32xf32, #tpu.memory_space<hbm>>) target(%dma_start3A_69 : memref<2561x32xf32, #tpu.memory_space<vmem_shared>>) target_semaphore(%arg14 : memref<!tpu.dma_semaphore, #tpu.memory_space<semaphore_mem>>)
    %mul3A_70 = arith.constant 640 : i32
    %mul3A_71 = arith.muli %arg1, %mul3A_70 : i32
    %mul3A_72 = arith.constant 32 : i32
    %mul3A_73 = arith.muli %add3A_65, %mul3A_72 : i32
    %mul3A_74 = arith.constant 640 : i32
    %mul3A_75 = arith.muli %arg1, %mul3A_74 : i32
    %dma_start3A_76 = arith.constant 0 : i32
    %dma_start3A_77 = tpu.memref_slice %arg11[%mul3A_75, %dma_start3A_76] : memref<10240x32xf32, #tpu.memory_space<vmem_shared>> -> memref<640x32xf32, #tpu.memory_space<vmem_shared>>
    %dma_start3A_78 = tpu.memref_slice %arg2[%mul3A_71, %mul3A_73] : memref<10240x128xf32, #tpu.memory_space<hbm>> -> memref<640x32xf32, #tpu.memory_space<hbm>>
    tpu.enqueue_dma source(%dma_start3A_78 : memref<640x32xf32, #tpu.memory_space<hbm>>) target(%dma_start3A_77 : memref<640x32xf32, #tpu.memory_space<vmem_shared>>) target_semaphore(%arg15 : memref<!tpu.dma_semaphore, #tpu.memory_space<semaphore_mem>>)
    %dma_wait3A_79 = arith.constant 0 : i32
    %dma_wait3A_80 = tpu.memref_slice %arg10[%mul3A_67, %dma_wait3A_79] : memref<40976x32xf32, #tpu.memory_space<vmem_shared>> -> memref<2561x32xf32, #tpu.memory_space<vmem_shared>>
    tpu.wait_dma2 semaphore(%arg14 : memref<!tpu.dma_semaphore, #tpu.memory_space<semaphore_mem>>) src(%arg4 : memref<2561x32xf32, #tpu.memory_space<hbm>>) dst(%dma_wait3A_80 : memref<2561x32xf32, #tpu.memory_space<vmem_shared>>)
    %dma_wait3A_81 = arith.constant 0 : i32
    %dma_wait3A_82 = tpu.memref_slice %arg11[%mul3A_75, %dma_wait3A_81] : memref<10240x32xf32, #tpu.memory_space<vmem_shared>> -> memref<640x32xf32, #tpu.memory_space<vmem_shared>>
    %dma_wait3A_83 = tpu.memref_slice %arg2[%mul3A_71, %mul3A_73] : memref<10240x128xf32, #tpu.memory_space<hbm>> -> memref<640x32xf32, #tpu.memory_space<hbm>>
    tpu.wait_dma2 semaphore(%arg15 : memref<!tpu.dma_semaphore, #tpu.memory_space<semaphore_mem>>) src(%dma_wait3A_83 : memref<640x32xf32, #tpu.memory_space<hbm>>) dst(%dma_wait3A_82 : memref<640x32xf32, #tpu.memory_space<vmem_shared>>)
    %barrier3A_84 = arith.constant 0 : index
    tpu.barrier barrier_id(%barrier3A_84)
    %mul3A_85 = arith.constant 80 : i32
    %mul3A_86 = arith.muli %arg1, %mul3A_85 : i32
    "tpu.region"() ({
      %run_scoped3A = tpu.sem_alloc : memref<!tpu.dma_semaphore, #tpu.memory_space<semaphore_mem>>
      %dma_start3A_130 = arith.constant 0 : i32
      %dma_start3A_131 = arith.constant 0 : i32
      %dma_start3A_132 = tpu.memref_slice %arg3[%mul3A_86, %dma_start3A_130, %dma_start3A_131] : memref<1280x4x128xi32, #tpu.memory_space<hbm>> -> memref<1x4x128xi32, #tpu.memory_space<hbm>>
      %dma_start3A_133 = tpu.memref_squeeze %dma_start3A_132 : memref<1x4x128xi32, #tpu.memory_space<hbm>> -> memref<4x128xi32, #tpu.memory_space<hbm>>
      %dma_start3A_134 = arith.constant 0 : i32
      %dma_start3A_135 = arith.constant 0 : i32
      %dma_start3A_136 = tpu.memref_slice %arg3[%mul3A_86, %dma_start3A_134, %dma_start3A_135] : memref<1280x4x128xi32, #tpu.memory_space<hbm>> -> memref<1x4x128xi32, #tpu.memory_space<hbm>>
      %dma_start3A_137 = tpu.memref_squeeze %dma_start3A_136 : memref<1x4x128xi32, #tpu.memory_space<hbm>> -> memref<4x128xi32, #tpu.memory_space<hbm>>
      tpu.enqueue_dma source(%dma_start3A_137 : memref<4x128xi32, #tpu.memory_space<hbm>>) target(%arg6 : memref<4x128xi32, #tpu.memory_space<vmem>>) target_semaphore(%run_scoped3A : memref<!tpu.dma_semaphore, #tpu.memory_space<semaphore_mem>>)
      %dma_wait3A_138 = arith.constant 0 : i32
      %dma_wait3A_139 = arith.constant 0 : i32
      %dma_wait3A_140 = tpu.memref_slice %arg3[%mul3A_86, %dma_wait3A_138, %dma_wait3A_139] : memref<1280x4x128xi32, #tpu.memory_space<hbm>> -> memref<1x4x128xi32, #tpu.memory_space<hbm>>
      %dma_wait3A_141 = tpu.memref_squeeze %dma_wait3A_140 : memref<1x4x128xi32, #tpu.memory_space<hbm>> -> memref<4x128xi32, #tpu.memory_space<hbm>>
      %dma_wait3A_142 = arith.constant 0 : i32
      %dma_wait3A_143 = arith.constant 0 : i32
      %dma_wait3A_144 = tpu.memref_slice %arg3[%mul3A_86, %dma_wait3A_142, %dma_wait3A_143] : memref<1280x4x128xi32, #tpu.memory_space<hbm>> -> memref<1x4x128xi32, #tpu.memory_space<hbm>>
      %dma_wait3A_145 = tpu.memref_squeeze %dma_wait3A_144 : memref<1x4x128xi32, #tpu.memory_space<hbm>> -> memref<4x128xi32, #tpu.memory_space<hbm>>
      tpu.wait_dma2 semaphore(%run_scoped3A : memref<!tpu.dma_semaphore, #tpu.memory_space<semaphore_mem>>) src(%dma_wait3A_145 : memref<4x128xi32, #tpu.memory_space<hbm>>) dst(%arg6 : memref<4x128xi32, #tpu.memory_space<vmem>>)
      tpu.yield
    }) : () -> ()
    %dma_start3A_87 = arith.constant 0 : i32
    %dma_start3A_88 = arith.constant 0 : i32
    %dma_start3A_89 = arith.constant 0 : i32
    %dma_start3A_90 = tpu.memref_slice %arg8[%dma_start3A_88, %dma_start3A_89] : memref<256x32xf32, #tpu.memory_space<vmem>> -> memref<128x32xf32, #tpu.memory_space<vmem>>
    %dma_start3A_91 = arith.constant 0 : i32
    %dma_start3A_92 = tpu.memref_slice %arg6[%dma_start3A_87, %dma_start3A_91] : memref<4x128xi32, #tpu.memory_space<vmem>> -> memref<1x128xi32, #tpu.memory_space<vmem>>
    %dma_start3A_93 = tpu.memref_squeeze %dma_start3A_92 : memref<1x128xi32, #tpu.memory_space<vmem>> -> memref<128xi32, #tpu.memory_space<vmem>>
    %dma_start3A_94 = arith.constant 0 : i32
    %dma_start3A_95 = arith.constant 0 : i32
    %dma_start3A_96 = tpu.memref_slice %arg11[%dma_start3A_94, %dma_start3A_95] : memref<10240x32xf32, #tpu.memory_space<vmem_shared>> -> memref<10240x32xf32, #tpu.memory_space<vmem_shared>>
    tpu.enqueue_indirect_dma source(%dma_start3A_96 : memref<10240x32xf32, #tpu.memory_space<vmem_shared>>) target(%dma_start3A_90 : memref<128x32xf32, #tpu.memory_space<vmem>>) offsets(%dma_start3A_93 : memref<128xi32, #tpu.memory_space<vmem>>) semaphore(%arg12 : memref<!tpu.dma_semaphore, #tpu.memory_space<semaphore_mem>>)
    %dma_start3A_97 = arith.constant 1 : i32
    %dma_start3A_98 = arith.constant 128 : i32
    %dma_start3A_99 = arith.constant 0 : i32
    %dma_start3A_100 = tpu.memref_slice %arg8[%dma_start3A_98, %dma_start3A_99] : memref<256x32xf32, #tpu.memory_space<vmem>> -> memref<128x32xf32, #tpu.memory_space<vmem>>
    %dma_start3A_101 = arith.constant 0 : i32
    %dma_start3A_102 = tpu.memref_slice %arg6[%dma_start3A_97, %dma_start3A_101] : memref<4x128xi32, #tpu.memory_space<vmem>> -> memref<1x128xi32, #tpu.memory_space<vmem>>
    %dma_start3A_103 = tpu.memref_squeeze %dma_start3A_102 : memref<1x128xi32, #tpu.memory_space<vmem>> -> memref<128xi32, #tpu.memory_space<vmem>>
    %dma_start3A_104 = arith.constant 0 : i32
    %dma_start3A_105 = arith.constant 0 : i32
    %dma_start3A_106 = tpu.memref_slice %arg11[%dma_start3A_104, %dma_start3A_105] : memref<10240x32xf32, #tpu.memory_space<vmem_shared>> -> memref<10240x32xf32, #tpu.memory_space<vmem_shared>>
    tpu.enqueue_indirect_dma source(%dma_start3A_106 : memref<10240x32xf32, #tpu.memory_space<vmem_shared>>) target(%dma_start3A_100 : memref<128x32xf32, #tpu.memory_space<vmem>>) offsets(%dma_start3A_103 : memref<128xi32, #tpu.memory_space<vmem>>) semaphore(%arg12 : memref<!tpu.dma_semaphore, #tpu.memory_space<semaphore_mem>>)
    %add3A_107 = arith.constant 1 : i32
    %add3A_108 = arith.addi %mul3A_86, %add3A_107 : i32
    %dma_start3A_109 = arith.constant 0 : i32
    %dma_start3A_110 = arith.constant 0 : i32
    %dma_start3A_111 = tpu.memref_slice %arg3[%add3A_108, %dma_start3A_109, %dma_start3A_110] : memref<1280x4x128xi32, #tpu.memory_space<hbm>> -> memref<1x4x128xi32, #tpu.memory_space<hbm>>
    %dma_start3A_112 = tpu.memref_squeeze %dma_start3A_111 : memref<1x4x128xi32, #tpu.memory_space<hbm>> -> memref<4x128xi32, #tpu.memory_space<hbm>>
    %dma_start3A_113 = arith.constant 0 : i32
    %dma_start3A_114 = arith.constant 0 : i32
    %dma_start3A_115 = tpu.memref_slice %arg3[%add3A_108, %dma_start3A_113, %dma_start3A_114] : memref<1280x4x128xi32, #tpu.memory_space<hbm>> -> memref<1x4x128xi32, #tpu.memory_space<hbm>>
    %dma_start3A_116 = tpu.memref_squeeze %dma_start3A_115 : memref<1x4x128xi32, #tpu.memory_space<hbm>> -> memref<4x128xi32, #tpu.memory_space<hbm>>
    tpu.enqueue_dma source(%dma_start3A_116 : memref<4x128xi32, #tpu.memory_space<hbm>>) target(%arg7 : memref<4x128xi32, #tpu.memory_space<vmem>>) target_semaphore(%arg15 : memref<!tpu.dma_semaphore, #tpu.memory_space<semaphore_mem>>)
    %scan3A_117 = arith.constant 0 : i32
    %scan3A_118 = arith.constant 0 : i32
    %scan3A_119 = arith.constant 40 : i32
    %scan3A_120 = arith.addi %scan3A_118, %scan3A_119 : i32
    %scan3A_121 = arith.constant 1 : i32
    scf.for %scan3A_130 = %scan3A_118 to %scan3A_120 step %scan3A_121  : i32 {
      %lt3A = arith.constant 39 : i32
      %lt3A_131 = arith.cmpi slt, %scan3A_130, %lt3A : i32
      %dma_wait3A_132 = arith.constant 0 : i32
      %dma_wait3A_133 = arith.constant 0 : i32
      %dma_wait3A_134 = tpu.memref_slice %arg3[%mul3A_86, %dma_wait3A_132, %dma_wait3A_133] : memref<1280x4x128xi32, #tpu.memory_space<hbm>> -> memref<1x4x128xi32, #tpu.memory_space<hbm>>
      %dma_wait3A_135 = tpu.memref_squeeze %dma_wait3A_134 : memref<1x4x128xi32, #tpu.memory_space<hbm>> -> memref<4x128xi32, #tpu.memory_space<hbm>>
      %dma_wait3A_136 = arith.constant 0 : i32
      %dma_wait3A_137 = arith.constant 0 : i32
      %dma_wait3A_138 = tpu.memref_slice %arg3[%mul3A_86, %dma_wait3A_136, %dma_wait3A_137] : memref<1280x4x128xi32, #tpu.memory_space<hbm>> -> memref<1x4x128xi32, #tpu.memory_space<hbm>>
      %dma_wait3A_139 = tpu.memref_squeeze %dma_wait3A_138 : memref<1x4x128xi32, #tpu.memory_space<hbm>> -> memref<4x128xi32, #tpu.memory_space<hbm>>
      tpu.wait_dma2 semaphore(%arg15 : memref<!tpu.dma_semaphore, #tpu.memory_space<semaphore_mem>>) src(%dma_wait3A_139 : memref<4x128xi32, #tpu.memory_space<hbm>>) dst(%arg7 : memref<4x128xi32, #tpu.memory_space<vmem>>)
      %dma_start3A_140 = arith.constant 0 : i32
      %dma_start3A_141 = arith.constant 0 : i32
      %dma_start3A_142 = arith.constant 0 : i32
      %dma_start3A_143 = tpu.memref_slice %arg9[%dma_start3A_141, %dma_start3A_142] : memref<256x32xf32, #tpu.memory_space<vmem>> -> memref<128x32xf32, #tpu.memory_space<vmem>>
      %dma_start3A_144 = arith.constant 0 : i32
      %dma_start3A_145 = tpu.memref_slice %arg7[%dma_start3A_140, %dma_start3A_144] : memref<4x128xi32, #tpu.memory_space<vmem>> -> memref<1x128xi32, #tpu.memory_space<vmem>>
      %dma_start3A_146 = tpu.memref_squeeze %dma_start3A_145 : memref<1x128xi32, #tpu.memory_space<vmem>> -> memref<128xi32, #tpu.memory_space<vmem>>
      %dma_start3A_147 = arith.constant 0 : i32
      %dma_start3A_148 = arith.constant 0 : i32
      %dma_start3A_149 = tpu.memref_slice %arg11[%dma_start3A_147, %dma_start3A_148] : memref<10240x32xf32, #tpu.memory_space<vmem_shared>> -> memref<10240x32xf32, #tpu.memory_space<vmem_shared>>
      tpu.enqueue_indirect_dma source(%dma_start3A_149 : memref<10240x32xf32, #tpu.memory_space<vmem_shared>>) target(%dma_start3A_143 : memref<128x32xf32, #tpu.memory_space<vmem>>) offsets(%dma_start3A_146 : memref<128xi32, #tpu.memory_space<vmem>>) semaphore(%arg13 : memref<!tpu.dma_semaphore, #tpu.memory_space<semaphore_mem>>)
      %dma_start3A_150 = arith.constant 1 : i32
      %dma_start3A_151 = arith.constant 128 : i32
      %dma_start3A_152 = arith.constant 0 : i32
      %dma_start3A_153 = tpu.memref_slice %arg9[%dma_start3A_151, %dma_start3A_152] : memref<256x32xf32, #tpu.memory_space<vmem>> -> memref<128x32xf32, #tpu.memory_space<vmem>>
      %dma_start3A_154 = arith.constant 0 : i32
      %dma_start3A_155 = tpu.memref_slice %arg7[%dma_start3A_150, %dma_start3A_154] : memref<4x128xi32, #tpu.memory_space<vmem>> -> memref<1x128xi32, #tpu.memory_space<vmem>>
      %dma_start3A_156 = tpu.memref_squeeze %dma_start3A_155 : memref<1x128xi32, #tpu.memory_space<vmem>> -> memref<128xi32, #tpu.memory_space<vmem>>
      %dma_start3A_157 = arith.constant 0 : i32
      %dma_start3A_158 = arith.constant 0 : i32
      %dma_start3A_159 = tpu.memref_slice %arg11[%dma_start3A_157, %dma_start3A_158] : memref<10240x32xf32, #tpu.memory_space<vmem_shared>> -> memref<10240x32xf32, #tpu.memory_space<vmem_shared>>
      tpu.enqueue_indirect_dma source(%dma_start3A_159 : memref<10240x32xf32, #tpu.memory_space<vmem_shared>>) target(%dma_start3A_153 : memref<128x32xf32, #tpu.memory_space<vmem>>) offsets(%dma_start3A_156 : memref<128xi32, #tpu.memory_space<vmem>>) semaphore(%arg13 : memref<!tpu.dma_semaphore, #tpu.memory_space<semaphore_mem>>)
      %dma_wait3A_160 = arith.constant 0 : i32
      %dma_wait3A_161 = arith.constant 0 : i32
      %dma_wait3A_162 = tpu.memref_slice %arg2[%dma_wait3A_160, %dma_wait3A_161] : memref<10240x128xf32, #tpu.memory_space<hbm>> -> memref<256x32xf32, #tpu.memory_space<hbm>>
      %dma_wait3A_163 = arith.constant 0 : i32
      %dma_wait3A_164 = arith.constant 0 : i32
      %dma_wait3A_165 = tpu.memref_slice %arg2[%dma_wait3A_163, %dma_wait3A_164] : memref<10240x128xf32, #tpu.memory_space<hbm>> -> memref<256x32xf32, #tpu.memory_space<hbm>>
      tpu.wait_dma2 semaphore(%arg12 : memref<!tpu.dma_semaphore, #tpu.memory_space<semaphore_mem>>) src(%dma_wait3A_165 : memref<256x32xf32, #tpu.memory_space<hbm>>) dst(%arg8 : memref<256x32xf32, #tpu.memory_space<vmem>>)
      %dma_start3A_166 = arith.constant 2 : i32
      %dma_start3A_167 = arith.constant 0 : i32
      %dma_start3A_168 = arith.constant 0 : i32
      %dma_start3A_169 = tpu.memref_slice %arg8[%dma_start3A_167, %dma_start3A_168] : memref<256x32xf32, #tpu.memory_space<vmem>> -> memref<128x32xf32, #tpu.memory_space<vmem>>
      %dma_start3A_170 = arith.constant 0 : i32
      %dma_start3A_171 = tpu.memref_slice %arg6[%dma_start3A_166, %dma_start3A_170] : memref<4x128xi32, #tpu.memory_space<vmem>> -> memref<1x128xi32, #tpu.memory_space<vmem>>
      %dma_start3A_172 = tpu.memref_squeeze %dma_start3A_171 : memref<1x128xi32, #tpu.memory_space<vmem>> -> memref<128xi32, #tpu.memory_space<vmem>>
      %dma_start3A_173 = arith.constant 0 : i32
      %dma_start3A_174 = arith.constant 0 : i32
      %dma_start3A_175 = tpu.memref_slice %arg10[%dma_start3A_173, %dma_start3A_174] : memref<40976x32xf32, #tpu.memory_space<vmem_shared>> -> memref<40976x32xf32, #tpu.memory_space<vmem_shared>>
      tpu.enqueue_indirect_dma source(%dma_start3A_169 : memref<128x32xf32, #tpu.memory_space<vmem>>) target(%dma_start3A_175 : memref<40976x32xf32, #tpu.memory_space<vmem_shared>>) offsets(%dma_start3A_172 : memref<128xi32, #tpu.memory_space<vmem>>) semaphore(%arg16 : memref<!tpu.dma_semaphore, #tpu.memory_space<semaphore_mem>>) {add = true}
      %dma_start3A_176 = arith.constant 3 : i32
      %dma_start3A_177 = arith.constant 128 : i32
      %dma_start3A_178 = arith.constant 0 : i32
      %dma_start3A_179 = tpu.memref_slice %arg8[%dma_start3A_177, %dma_start3A_178] : memref<256x32xf32, #tpu.memory_space<vmem>> -> memref<128x32xf32, #tpu.memory_space<vmem>>
      %dma_start3A_180 = arith.constant 0 : i32
      %dma_start3A_181 = tpu.memref_slice %arg6[%dma_start3A_176, %dma_start3A_180] : memref<4x128xi32, #tpu.memory_space<vmem>> -> memref<1x128xi32, #tpu.memory_space<vmem>>
      %dma_start3A_182 = tpu.memref_squeeze %dma_start3A_181 : memref<1x128xi32, #tpu.memory_space<vmem>> -> memref<128xi32, #tpu.memory_space<vmem>>
      %dma_start3A_183 = arith.constant 0 : i32
      %dma_start3A_184 = arith.constant 0 : i32
      %dma_start3A_185 = tpu.memref_slice %arg10[%dma_start3A_183, %dma_start3A_184] : memref<40976x32xf32, #tpu.memory_space<vmem_shared>> -> memref<40976x32xf32, #tpu.memory_space<vmem_shared>>
      tpu.enqueue_indirect_dma source(%dma_start3A_179 : memref<128x32xf32, #tpu.memory_space<vmem>>) target(%dma_start3A_185 : memref<40976x32xf32, #tpu.memory_space<vmem_shared>>) offsets(%dma_start3A_182 : memref<128xi32, #tpu.memory_space<vmem>>) semaphore(%arg16 : memref<!tpu.dma_semaphore, #tpu.memory_space<semaphore_mem>>) {add = true}
      %dma_wait3A_186 = arith.constant 0 : i32
      %dma_wait3A_187 = arith.constant 0 : i32
      %dma_wait3A_188 = tpu.memref_slice %arg2[%dma_wait3A_186, %dma_wait3A_187] : memref<10240x128xf32, #tpu.memory_space<hbm>> -> memref<256x32xf32, #tpu.memory_space<hbm>>
      %dma_wait3A_189 = arith.constant 0 : i32
      %dma_wait3A_190 = arith.constant 0 : i32
      %dma_wait3A_191 = tpu.memref_slice %arg2[%dma_wait3A_189, %dma_wait3A_190] : memref<10240x128xf32, #tpu.memory_space<hbm>> -> memref<256x32xf32, #tpu.memory_space<hbm>>
      tpu.wait_dma2 semaphore(%arg16 : memref<!tpu.dma_semaphore, #tpu.memory_space<semaphore_mem>>) src(%dma_wait3A_191 : memref<256x32xf32, #tpu.memory_space<hbm>>) dst(%arg8 : memref<256x32xf32, #tpu.memory_space<vmem>>)
      %convert_element_type3A = arith.extui %lt3A_131 : i1 to i32
      %cond3A = arith.constant 0 : i32
      %cond3A_192 = arith.cmpi ne, %convert_element_type3A, %cond3A : i32
      scf.if %cond3A_192 {
        %mul3A_231 = arith.constant 2 : i32
        %mul3A_232 = arith.muli %mul3A_231, %scan3A_130 : i32
        %add3A_233 = arith.constant 2 : i32
        %add3A_234 = arith.addi %mul3A_232, %add3A_233 : i32
        %add3A_235 = arith.addi %mul3A_86, %add3A_234 : i32
        %dma_start3A_236 = arith.constant 0 : i32
        %dma_start3A_237 = arith.constant 0 : i32
        %dma_start3A_238 = tpu.memref_slice %arg3[%add3A_235, %dma_start3A_236, %dma_start3A_237] : memref<1280x4x128xi32, #tpu.memory_space<hbm>> -> memref<1x4x128xi32, #tpu.memory_space<hbm>>
        %dma_start3A_239 = tpu.memref_squeeze %dma_start3A_238 : memref<1x4x128xi32, #tpu.memory_space<hbm>> -> memref<4x128xi32, #tpu.memory_space<hbm>>
        %dma_start3A_240 = arith.constant 0 : i32
        %dma_start3A_241 = arith.constant 0 : i32
        %dma_start3A_242 = tpu.memref_slice %arg3[%add3A_235, %dma_start3A_240, %dma_start3A_241] : memref<1280x4x128xi32, #tpu.memory_space<hbm>> -> memref<1x4x128xi32, #tpu.memory_space<hbm>>
        %dma_start3A_243 = tpu.memref_squeeze %dma_start3A_242 : memref<1x4x128xi32, #tpu.memory_space<hbm>> -> memref<4x128xi32, #tpu.memory_space<hbm>>
        tpu.enqueue_dma source(%dma_start3A_243 : memref<4x128xi32, #tpu.memory_space<hbm>>) target(%arg6 : memref<4x128xi32, #tpu.memory_space<vmem>>) target_semaphore(%arg14 : memref<!tpu.dma_semaphore, #tpu.memory_space<semaphore_mem>>)
      } else {
      }
      %dma_wait3A_193 = arith.constant 0 : i32
      %dma_wait3A_194 = arith.constant 0 : i32
      %dma_wait3A_195 = tpu.memref_slice %arg2[%dma_wait3A_193, %dma_wait3A_194] : memref<10240x128xf32, #tpu.memory_space<hbm>> -> memref<256x32xf32, #tpu.memory_space<hbm>>
      %dma_wait3A_196 = arith.constant 0 : i32
      %dma_wait3A_197 = arith.constant 0 : i32
      %dma_wait3A_198 = tpu.memref_slice %arg2[%dma_wait3A_196, %dma_wait3A_197] : memref<10240x128xf32, #tpu.memory_space<hbm>> -> memref<256x32xf32, #tpu.memory_space<hbm>>
      tpu.wait_dma2 semaphore(%arg13 : memref<!tpu.dma_semaphore, #tpu.memory_space<semaphore_mem>>) src(%dma_wait3A_198 : memref<256x32xf32, #tpu.memory_space<hbm>>) dst(%arg9 : memref<256x32xf32, #tpu.memory_space<vmem>>)
      %dma_start3A_199 = arith.constant 2 : i32
      %dma_start3A_200 = arith.constant 0 : i32
      %dma_start3A_201 = arith.constant 0 : i32
      %dma_start3A_202 = tpu.memref_slice %arg9[%dma_start3A_200, %dma_start3A_201] : memref<256x32xf32, #tpu.memory_space<vmem>> -> memref<128x32xf32, #tpu.memory_space<vmem>>
      %dma_start3A_203 = arith.constant 0 : i32
      %dma_start3A_204 = tpu.memref_slice %arg7[%dma_start3A_199, %dma_start3A_203] : memref<4x128xi32, #tpu.memory_space<vmem>> -> memref<1x128xi32, #tpu.memory_space<vmem>>
      %dma_start3A_205 = tpu.memref_squeeze %dma_start3A_204 : memref<1x128xi32, #tpu.memory_space<vmem>> -> memref<128xi32, #tpu.memory_space<vmem>>
      %dma_start3A_206 = arith.constant 0 : i32
      %dma_start3A_207 = arith.constant 0 : i32
      %dma_start3A_208 = tpu.memref_slice %arg10[%dma_start3A_206, %dma_start3A_207] : memref<40976x32xf32, #tpu.memory_space<vmem_shared>> -> memref<40976x32xf32, #tpu.memory_space<vmem_shared>>
      tpu.enqueue_indirect_dma source(%dma_start3A_202 : memref<128x32xf32, #tpu.memory_space<vmem>>) target(%dma_start3A_208 : memref<40976x32xf32, #tpu.memory_space<vmem_shared>>) offsets(%dma_start3A_205 : memref<128xi32, #tpu.memory_space<vmem>>) semaphore(%arg17 : memref<!tpu.dma_semaphore, #tpu.memory_space<semaphore_mem>>) {add = true}
      %dma_start3A_209 = arith.constant 3 : i32
      %dma_start3A_210 = arith.constant 128 : i32
      %dma_start3A_211 = arith.constant 0 : i32
      %dma_start3A_212 = tpu.memref_slice %arg9[%dma_start3A_210, %dma_start3A_211] : memref<256x32xf32, #tpu.memory_space<vmem>> -> memref<128x32xf32, #tpu.memory_space<vmem>>
      %dma_start3A_213 = arith.constant 0 : i32
      %dma_start3A_214 = tpu.memref_slice %arg7[%dma_start3A_209, %dma_start3A_213] : memref<4x128xi32, #tpu.memory_space<vmem>> -> memref<1x128xi32, #tpu.memory_space<vmem>>
      %dma_start3A_215 = tpu.memref_squeeze %dma_start3A_214 : memref<1x128xi32, #tpu.memory_space<vmem>> -> memref<128xi32, #tpu.memory_space<vmem>>
      %dma_start3A_216 = arith.constant 0 : i32
      %dma_start3A_217 = arith.constant 0 : i32
      %dma_start3A_218 = tpu.memref_slice %arg10[%dma_start3A_216, %dma_start3A_217] : memref<40976x32xf32, #tpu.memory_space<vmem_shared>> -> memref<40976x32xf32, #tpu.memory_space<vmem_shared>>
      tpu.enqueue_indirect_dma source(%dma_start3A_212 : memref<128x32xf32, #tpu.memory_space<vmem>>) target(%dma_start3A_218 : memref<40976x32xf32, #tpu.memory_space<vmem_shared>>) offsets(%dma_start3A_215 : memref<128xi32, #tpu.memory_space<vmem>>) semaphore(%arg17 : memref<!tpu.dma_semaphore, #tpu.memory_space<semaphore_mem>>) {add = true}
      %convert_element_type3A_219 = arith.extui %lt3A_131 : i1 to i32
      %cond3A_220 = arith.constant 0 : i32
      %cond3A_221 = arith.cmpi ne, %convert_element_type3A_219, %cond3A_220 : i32
      scf.if %cond3A_221 {
        %dma_wait3A_231 = arith.constant 0 : i32
        %dma_wait3A_232 = arith.constant 0 : i32
        %dma_wait3A_233 = tpu.memref_slice %arg3[%mul3A_86, %dma_wait3A_231, %dma_wait3A_232] : memref<1280x4x128xi32, #tpu.memory_space<hbm>> -> memref<1x4x128xi32, #tpu.memory_space<hbm>>
        %dma_wait3A_234 = tpu.memref_squeeze %dma_wait3A_233 : memref<1x4x128xi32, #tpu.memory_space<hbm>> -> memref<4x128xi32, #tpu.memory_space<hbm>>
        %dma_wait3A_235 = arith.constant 0 : i32
        %dma_wait3A_236 = arith.constant 0 : i32
        %dma_wait3A_237 = tpu.memref_slice %arg3[%mul3A_86, %dma_wait3A_235, %dma_wait3A_236] : memref<1280x4x128xi32, #tpu.memory_space<hbm>> -> memref<1x4x128xi32, #tpu.memory_space<hbm>>
        %dma_wait3A_238 = tpu.memref_squeeze %dma_wait3A_237 : memref<1x4x128xi32, #tpu.memory_space<hbm>> -> memref<4x128xi32, #tpu.memory_space<hbm>>
        tpu.wait_dma2 semaphore(%arg14 : memref<!tpu.dma_semaphore, #tpu.memory_space<semaphore_mem>>) src(%dma_wait3A_238 : memref<4x128xi32, #tpu.memory_space<hbm>>) dst(%arg6 : memref<4x128xi32, #tpu.memory_space<vmem>>)
        %dma_start3A_239 = arith.constant 0 : i32
        %dma_start3A_240 = arith.constant 0 : i32
        %dma_start3A_241 = arith.constant 0 : i32
        %dma_start3A_242 = tpu.memref_slice %arg8[%dma_start3A_240, %dma_start3A_241] : memref<256x32xf32, #tpu.memory_space<vmem>> -> memref<128x32xf32, #tpu.memory_space<vmem>>
        %dma_start3A_243 = arith.constant 0 : i32
        %dma_start3A_244 = tpu.memref_slice %arg6[%dma_start3A_239, %dma_start3A_243] : memref<4x128xi32, #tpu.memory_space<vmem>> -> memref<1x128xi32, #tpu.memory_space<vmem>>
        %dma_start3A_245 = tpu.memref_squeeze %dma_start3A_244 : memref<1x128xi32, #tpu.memory_space<vmem>> -> memref<128xi32, #tpu.memory_space<vmem>>
        %dma_start3A_246 = arith.constant 0 : i32
        %dma_start3A_247 = arith.constant 0 : i32
        %dma_start3A_248 = tpu.memref_slice %arg11[%dma_start3A_246, %dma_start3A_247] : memref<10240x32xf32, #tpu.memory_space<vmem_shared>> -> memref<10240x32xf32, #tpu.memory_space<vmem_shared>>
        tpu.enqueue_indirect_dma source(%dma_start3A_248 : memref<10240x32xf32, #tpu.memory_space<vmem_shared>>) target(%dma_start3A_242 : memref<128x32xf32, #tpu.memory_space<vmem>>) offsets(%dma_start3A_245 : memref<128xi32, #tpu.memory_space<vmem>>) semaphore(%arg12 : memref<!tpu.dma_semaphore, #tpu.memory_space<semaphore_mem>>)
        %dma_start3A_249 = arith.constant 1 : i32
        %dma_start3A_250 = arith.constant 128 : i32
        %dma_start3A_251 = arith.constant 0 : i32
        %dma_start3A_252 = tpu.memref_slice %arg8[%dma_start3A_250, %dma_start3A_251] : memref<256x32xf32, #tpu.memory_space<vmem>> -> memref<128x32xf32, #tpu.memory_space<vmem>>
        %dma_start3A_253 = arith.constant 0 : i32
        %dma_start3A_254 = tpu.memref_slice %arg6[%dma_start3A_249, %dma_start3A_253] : memref<4x128xi32, #tpu.memory_space<vmem>> -> memref<1x128xi32, #tpu.memory_space<vmem>>
        %dma_start3A_255 = tpu.memref_squeeze %dma_start3A_254 : memref<1x128xi32, #tpu.memory_space<vmem>> -> memref<128xi32, #tpu.memory_space<vmem>>
        %dma_start3A_256 = arith.constant 0 : i32
        %dma_start3A_257 = arith.constant 0 : i32
        %dma_start3A_258 = tpu.memref_slice %arg11[%dma_start3A_256, %dma_start3A_257] : memref<10240x32xf32, #tpu.memory_space<vmem_shared>> -> memref<10240x32xf32, #tpu.memory_space<vmem_shared>>
        tpu.enqueue_indirect_dma source(%dma_start3A_258 : memref<10240x32xf32, #tpu.memory_space<vmem_shared>>) target(%dma_start3A_252 : memref<128x32xf32, #tpu.memory_space<vmem>>) offsets(%dma_start3A_255 : memref<128xi32, #tpu.memory_space<vmem>>) semaphore(%arg12 : memref<!tpu.dma_semaphore, #tpu.memory_space<semaphore_mem>>)
      } else {
      }
      %dma_wait3A_222 = arith.constant 0 : i32
      %dma_wait3A_223 = arith.constant 0 : i32
      %dma_wait3A_224 = tpu.memref_slice %arg2[%dma_wait3A_222, %dma_wait3A_223] : memref<10240x128xf32, #tpu.memory_space<hbm>> -> memref<256x32xf32, #tpu.memory_space<hbm>>
      %dma_wait3A_225 = arith.constant 0 : i32
      %dma_wait3A_226 = arith.constant 0 : i32
      %dma_wait3A_227 = tpu.memref_slice %arg2[%dma_wait3A_225, %dma_wait3A_226] : memref<10240x128xf32, #tpu.memory_space<hbm>> -> memref<256x32xf32, #tpu.memory_space<hbm>>
      tpu.wait_dma2 semaphore(%arg17 : memref<!tpu.dma_semaphore, #tpu.memory_space<semaphore_mem>>) src(%dma_wait3A_227 : memref<256x32xf32, #tpu.memory_space<hbm>>) dst(%arg9 : memref<256x32xf32, #tpu.memory_space<vmem>>)
      %convert_element_type3A_228 = arith.extui %lt3A_131 : i1 to i32
      %cond3A_229 = arith.constant 0 : i32
      %cond3A_230 = arith.cmpi ne, %convert_element_type3A_228, %cond3A_229 : i32
      scf.if %cond3A_230 {
        %mul3A_231 = arith.constant 2 : i32
        %mul3A_232 = arith.muli %mul3A_231, %scan3A_130 : i32
        %add3A_233 = arith.constant 3 : i32
        %add3A_234 = arith.addi %mul3A_232, %add3A_233 : i32
        %add3A_235 = arith.addi %mul3A_86, %add3A_234 : i32
        %dma_start3A_236 = arith.constant 0 : i32
        %dma_start3A_237 = arith.constant 0 : i32
        %dma_start3A_238 = tpu.memref_slice %arg3[%add3A_235, %dma_start3A_236, %dma_start3A_237] : memref<1280x4x128xi32, #tpu.memory_space<hbm>> -> memref<1x4x128xi32, #tpu.memory_space<hbm>>
        %dma_start3A_239 = tpu.memref_squeeze %dma_start3A_238 : memref<1x4x128xi32, #tpu.memory_space<hbm>> -> memref<4x128xi32, #tpu.memory_space<hbm>>
        %dma_start3A_240 = arith.constant 0 : i32
        %dma_start3A_241 = arith.constant 0 : i32
        %dma_start3A_242 = tpu.memref_slice %arg3[%add3A_235, %dma_start3A_240, %dma_start3A_241] : memref<1280x4x128xi32, #tpu.memory_space<hbm>> -> memref<1x4x128xi32, #tpu.memory_space<hbm>>
        %dma_start3A_243 = tpu.memref_squeeze %dma_start3A_242 : memref<1x4x128xi32, #tpu.memory_space<hbm>> -> memref<4x128xi32, #tpu.memory_space<hbm>>
        tpu.enqueue_dma source(%dma_start3A_243 : memref<4x128xi32, #tpu.memory_space<hbm>>) target(%arg7 : memref<4x128xi32, #tpu.memory_space<vmem>>) target_semaphore(%arg15 : memref<!tpu.dma_semaphore, #tpu.memory_space<semaphore_mem>>)
      } else {
      }
    }
    %scan3A_122 = arith.constant 40 : i32
    %barrier3A_123 = arith.constant 0 : index
    tpu.barrier barrier_id(%barrier3A_123)
    %mul3A_124 = arith.constant 2561 : i32
    %mul3A_125 = arith.muli %arg1, %mul3A_124 : i32
    %mul3A_126 = arith.constant 2561 : i32
    %mul3A_127 = arith.muli %arg1, %mul3A_126 : i32
    %mul3A_128 = arith.constant 32 : i32
    %mul3A_129 = arith.muli %add3A_65, %mul3A_128 : i32
    "tpu.region"() ({
      %run_scoped3A = tpu.sem_alloc : memref<!tpu.dma_semaphore, #tpu.memory_space<semaphore_mem>>
      %dma_start3A_130 = tpu.memref_slice %arg5[%mul3A_127, %mul3A_129] : memref<40976x128xf32, #tpu.memory_space<hbm>> -> memref<2561x32xf32, #tpu.memory_space<hbm>>
      %dma_start3A_131 = arith.constant 0 : i32
      %dma_start3A_132 = tpu.memref_slice %arg10[%mul3A_125, %dma_start3A_131] : memref<40976x32xf32, #tpu.memory_space<vmem_shared>> -> memref<2561x32xf32, #tpu.memory_space<vmem_shared>>
      tpu.enqueue_dma source(%dma_start3A_132 : memref<2561x32xf32, #tpu.memory_space<vmem_shared>>) target(%dma_start3A_130 : memref<2561x32xf32, #tpu.memory_space<hbm>>) target_semaphore(%run_scoped3A : memref<!tpu.dma_semaphore, #tpu.memory_space<semaphore_mem>>)
      %dma_wait3A_133 = tpu.memref_slice %arg5[%mul3A_127, %mul3A_129] : memref<40976x128xf32, #tpu.memory_space<hbm>> -> memref<2561x32xf32, #tpu.memory_space<hbm>>
      %dma_wait3A_134 = arith.constant 0 : i32
      %dma_wait3A_135 = tpu.memref_slice %arg10[%mul3A_125, %dma_wait3A_134] : memref<40976x32xf32, #tpu.memory_space<vmem_shared>> -> memref<2561x32xf32, #tpu.memory_space<vmem_shared>>
      tpu.wait_dma2 semaphore(%run_scoped3A : memref<!tpu.dma_semaphore, #tpu.memory_space<semaphore_mem>>) src(%dma_wait3A_135 : memref<2561x32xf32, #tpu.memory_space<vmem_shared>>) dst(%dma_wait3A_133 : memref<2561x32xf32, #tpu.memory_space<hbm>>)
      tpu.yield
    }) : () -> ()
    return
  }
}

#map = affine_map<(d0, d1) -> (0, 0)>
#map1 = affine_map<(d0, d1) -> (0, 0, 0)>
module attributes {stable_mosaic.version = 14 : i64} {
  func.func @body(%arg0: i32, %arg1: i32, %arg2: memref<10240x128xf32, #tpu.memory_space<hbm>>, %arg3: memref<1280x4x128xi32, #tpu.memory_space<hbm>>, %arg4: memref<2561x32xf32, #tpu.memory_space<hbm>>, %arg5: memref<40976x128xf32, #tpu.memory_space<hbm>>, %arg6: memref<4x128xi32, #tpu.memory_space<vmem>>, %arg7: memref<4x128xi32, #tpu.memory_space<vmem>>, %arg8: memref<256x32xf32, #tpu.memory_space<vmem>>, %arg9: memref<256x32xf32, #tpu.memory_space<vmem>>, %arg10: memref<40976x32xf32, #tpu.memory_space<vmem_shared>>, %arg11: memref<10240x32xf32, #tpu.memory_space<vmem_shared>>, %arg12: memref<!tpu.dma_semaphore, #tpu.memory_space<semaphore_mem>>, %arg13: memref<!tpu.dma_semaphore, #tpu.memory_space<semaphore_mem>>, %arg14: memref<!tpu.dma_semaphore, #tpu.memory_space<semaphore_mem>>, %arg15: memref<!tpu.dma_semaphore, #tpu.memory_space<semaphore_mem>>, %arg16: memref<!tpu.dma_semaphore, #tpu.memory_space<semaphore_mem>>, %arg17: memref<!tpu.dma_semaphore, #tpu.memory_space<semaphore_mem>>) attributes {dimension_semantics = [#tpu.dimension_semantics<core_parallel>, #tpu.dimension_semantics<subcore_parallel>], iteration_bounds = array<i64: 2, 16>, scalar_prefetch = 0 : i64, scratch_operands = 12 : i64, tpu.core_type = #tpu.core_type<sc_vector_subcore>, window_params = [{transform_indices = #map}, {transform_indices = #map1}, {transform_indices = #map}, {transform_indices = #map}]} {
    %mul3A = arith.constant 2 : i32
    %mul3A_0 = arith.muli %arg0, %mul3A : i32
    %add3A = arith.constant 0 : i32
    %add3A_1 = arith.addi %mul3A_0, %add3A : i32
    %mul3A_2 = arith.constant 2561 : i32
    %mul3A_3 = arith.muli %arg1, %mul3A_2 : i32
    %dma_start3A = arith.constant 0 : i32
    %dma_start3A_4 = tpu.memref_slice %arg10[%mul3A_3, %dma_start3A] : memref<40976x32xf32, #tpu.memory_space<vmem_shared>> -> memref<2561x32xf32, #tpu.memory_space<vmem_shared>>
    tpu.enqueue_dma source(%arg4 : memref<2561x32xf32, #tpu.memory_space<hbm>>) target(%dma_start3A_4 : memref<2561x32xf32, #tpu.memory_space<vmem_shared>>) target_semaphore(%arg14 : memref<!tpu.dma_semaphore, #tpu.memory_space<semaphore_mem>>)
    %mul3A_5 = arith.constant 640 : i32
    %mul3A_6 = arith.muli %arg1, %mul3A_5 : i32
    %mul3A_7 = arith.constant 32 : i32
    %mul3A_8 = arith.muli %add3A_1, %mul3A_7 : i32
    %mul3A_9 = arith.constant 640 : i32
    %mul3A_10 = arith.muli %arg1, %mul3A_9 : i32
    %dma_start3A_11 = arith.constant 0 : i32
    %dma_start3A_12 = tpu.memref_slice %arg11[%mul3A_10, %dma_start3A_11] : memref<10240x32xf32, #tpu.memory_space<vmem_shared>> -> memref<640x32xf32, #tpu.memory_space<vmem_shared>>
    %dma_start3A_13 = tpu.memref_slice %arg2[%mul3A_6, %mul3A_8] : memref<10240x128xf32, #tpu.memory_space<hbm>> -> memref<640x32xf32, #tpu.memory_space<hbm>>
    tpu.enqueue_dma source(%dma_start3A_13 : memref<640x32xf32, #tpu.memory_space<hbm>>) target(%dma_start3A_12 : memref<640x32xf32, #tpu.memory_space<vmem_shared>>) target_semaphore(%arg15 : memref<!tpu.dma_semaphore, #tpu.memory_space<semaphore_mem>>)
    %dma_wait3A = arith.constant 0 : i32
    %dma_wait3A_14 = tpu.memref_slice %arg10[%mul3A_3, %dma_wait3A] : memref<40976x32xf32, #tpu.memory_space<vmem_shared>> -> memref<2561x32xf32, #tpu.memory_space<vmem_shared>>
    tpu.wait_dma2 semaphore(%arg14 : memref<!tpu.dma_semaphore, #tpu.memory_space<semaphore_mem>>) src(%arg4 : memref<2561x32xf32, #tpu.memory_space<hbm>>) dst(%dma_wait3A_14 : memref<2561x32xf32, #tpu.memory_space<vmem_shared>>)
    %dma_wait3A_15 = arith.constant 0 : i32
    %dma_wait3A_16 = tpu.memref_slice %arg11[%mul3A_10, %dma_wait3A_15] : memref<10240x32xf32, #tpu.memory_space<vmem_shared>> -> memref<640x32xf32, #tpu.memory_space<vmem_shared>>
    %dma_wait3A_17 = tpu.memref_slice %arg2[%mul3A_6, %mul3A_8] : memref<10240x128xf32, #tpu.memory_space<hbm>> -> memref<640x32xf32, #tpu.memory_space<hbm>>
    tpu.wait_dma2 semaphore(%arg15 : memref<!tpu.dma_semaphore, #tpu.memory_space<semaphore_mem>>) src(%dma_wait3A_17 : memref<640x32xf32, #tpu.memory_space<hbm>>) dst(%dma_wait3A_16 : memref<640x32xf32, #tpu.memory_space<vmem_shared>>)
    %barrier3A = arith.constant 0 : index
    tpu.barrier barrier_id(%barrier3A)
    %mul3A_18 = arith.constant 80 : i32
    %mul3A_19 = arith.muli %arg1, %mul3A_18 : i32
    "tpu.region"() ({
      %run_scoped3A = tpu.sem_alloc : memref<!tpu.dma_semaphore, #tpu.memory_space<semaphore_mem>>
      %dma_start3A_130 = arith.constant 0 : i32
      %dma_start3A_131 = arith.constant 0 : i32
      %dma_start3A_132 = tpu.memref_slice %arg3[%mul3A_19, %dma_start3A_130, %dma_start3A_131] : memref<1280x4x128xi32, #tpu.memory_space<hbm>> -> memref<1x4x128xi32, #tpu.memory_space<hbm>>
      %dma_start3A_133 = tpu.memref_squeeze %dma_start3A_132 : memref<1x4x128xi32, #tpu.memory_space<hbm>> -> memref<4x128xi32, #tpu.memory_space<hbm>>
      %dma_start3A_134 = arith.constant 0 : i32
      %dma_start3A_135 = arith.constant 0 : i32
      %dma_start3A_136 = tpu.memref_slice %arg3[%mul3A_19, %dma_start3A_134, %dma_start3A_135] : memref<1280x4x128xi32, #tpu.memory_space<hbm>> -> memref<1x4x128xi32, #tpu.memory_space<hbm>>
      %dma_start3A_137 = tpu.memref_squeeze %dma_start3A_136 : memref<1x4x128xi32, #tpu.memory_space<hbm>> -> memref<4x128xi32, #tpu.memory_space<hbm>>
      tpu.enqueue_dma source(%dma_start3A_137 : memref<4x128xi32, #tpu.memory_space<hbm>>) target(%arg6 : memref<4x128xi32, #tpu.memory_space<vmem>>) target_semaphore(%run_scoped3A : memref<!tpu.dma_semaphore, #tpu.memory_space<semaphore_mem>>)
      %dma_wait3A_138 = arith.constant 0 : i32
      %dma_wait3A_139 = arith.constant 0 : i32
      %dma_wait3A_140 = tpu.memref_slice %arg3[%mul3A_19, %dma_wait3A_138, %dma_wait3A_139] : memref<1280x4x128xi32, #tpu.memory_space<hbm>> -> memref<1x4x128xi32, #tpu.memory_space<hbm>>
      %dma_wait3A_141 = tpu.memref_squeeze %dma_wait3A_140 : memref<1x4x128xi32, #tpu.memory_space<hbm>> -> memref<4x128xi32, #tpu.memory_space<hbm>>
      %dma_wait3A_142 = arith.constant 0 : i32
      %dma_wait3A_143 = arith.constant 0 : i32
      %dma_wait3A_144 = tpu.memref_slice %arg3[%mul3A_19, %dma_wait3A_142, %dma_wait3A_143] : memref<1280x4x128xi32, #tpu.memory_space<hbm>> -> memref<1x4x128xi32, #tpu.memory_space<hbm>>
      %dma_wait3A_145 = tpu.memref_squeeze %dma_wait3A_144 : memref<1x4x128xi32, #tpu.memory_space<hbm>> -> memref<4x128xi32, #tpu.memory_space<hbm>>
      tpu.wait_dma2 semaphore(%run_scoped3A : memref<!tpu.dma_semaphore, #tpu.memory_space<semaphore_mem>>) src(%dma_wait3A_145 : memref<4x128xi32, #tpu.memory_space<hbm>>) dst(%arg6 : memref<4x128xi32, #tpu.memory_space<vmem>>)
      tpu.yield
    }) : () -> ()
    %dma_start3A_20 = arith.constant 0 : i32
    %dma_start3A_21 = arith.constant 0 : i32
    %dma_start3A_22 = arith.constant 0 : i32
    %dma_start3A_23 = tpu.memref_slice %arg8[%dma_start3A_21, %dma_start3A_22] : memref<256x32xf32, #tpu.memory_space<vmem>> -> memref<128x32xf32, #tpu.memory_space<vmem>>
    %dma_start3A_24 = arith.constant 0 : i32
    %dma_start3A_25 = tpu.memref_slice %arg6[%dma_start3A_20, %dma_start3A_24] : memref<4x128xi32, #tpu.memory_space<vmem>> -> memref<1x128xi32, #tpu.memory_space<vmem>>
    %dma_start3A_26 = tpu.memref_squeeze %dma_start3A_25 : memref<1x128xi32, #tpu.memory_space<vmem>> -> memref<128xi32, #tpu.memory_space<vmem>>
    %dma_start3A_27 = arith.constant 0 : i32
    %dma_start3A_28 = arith.constant 0 : i32
    %dma_start3A_29 = tpu.memref_slice %arg11[%dma_start3A_27, %dma_start3A_28] : memref<10240x32xf32, #tpu.memory_space<vmem_shared>> -> memref<10240x32xf32, #tpu.memory_space<vmem_shared>>
    tpu.enqueue_indirect_dma source(%dma_start3A_29 : memref<10240x32xf32, #tpu.memory_space<vmem_shared>>) target(%dma_start3A_23 : memref<128x32xf32, #tpu.memory_space<vmem>>) offsets(%dma_start3A_26 : memref<128xi32, #tpu.memory_space<vmem>>) semaphore(%arg12 : memref<!tpu.dma_semaphore, #tpu.memory_space<semaphore_mem>>)
    %dma_start3A_30 = arith.constant 1 : i32
    %dma_start3A_31 = arith.constant 128 : i32
    %dma_start3A_32 = arith.constant 0 : i32
    %dma_start3A_33 = tpu.memref_slice %arg8[%dma_start3A_31, %dma_start3A_32] : memref<256x32xf32, #tpu.memory_space<vmem>> -> memref<128x32xf32, #tpu.memory_space<vmem>>
    %dma_start3A_34 = arith.constant 0 : i32
    %dma_start3A_35 = tpu.memref_slice %arg6[%dma_start3A_30, %dma_start3A_34] : memref<4x128xi32, #tpu.memory_space<vmem>> -> memref<1x128xi32, #tpu.memory_space<vmem>>
    %dma_start3A_36 = tpu.memref_squeeze %dma_start3A_35 : memref<1x128xi32, #tpu.memory_space<vmem>> -> memref<128xi32, #tpu.memory_space<vmem>>
    %dma_start3A_37 = arith.constant 0 : i32
    %dma_start3A_38 = arith.constant 0 : i32
    %dma_start3A_39 = tpu.memref_slice %arg11[%dma_start3A_37, %dma_start3A_38] : memref<10240x32xf32, #tpu.memory_space<vmem_shared>> -> memref<10240x32xf32, #tpu.memory_space<vmem_shared>>
    tpu.enqueue_indirect_dma source(%dma_start3A_39 : memref<10240x32xf32, #tpu.memory_space<vmem_shared>>) target(%dma_start3A_33 : memref<128x32xf32, #tpu.memory_space<vmem>>) offsets(%dma_start3A_36 : memref<128xi32, #tpu.memory_space<vmem>>) semaphore(%arg12 : memref<!tpu.dma_semaphore, #tpu.memory_space<semaphore_mem>>)
    %add3A_40 = arith.constant 1 : i32
    %add3A_41 = arith.addi %mul3A_19, %add3A_40 : i32
    %dma_start3A_42 = arith.constant 0 : i32
    %dma_start3A_43 = arith.constant 0 : i32
    %dma_start3A_44 = tpu.memref_slice %arg3[%add3A_41, %dma_start3A_42, %dma_start3A_43] : memref<1280x4x128xi32, #tpu.memory_space<hbm>> -> memref<1x4x128xi32, #tpu.memory_space<hbm>>
    %dma_start3A_45 = tpu.memref_squeeze %dma_start3A_44 : memref<1x4x128xi32, #tpu.memory_space<hbm>> -> memref<4x128xi32, #tpu.memory_space<hbm>>
    %dma_start3A_46 = arith.constant 0 : i32
    %dma_start3A_47 = arith.constant 0 : i32
    %dma_start3A_48 = tpu.memref_slice %arg3[%add3A_41, %dma_start3A_46, %dma_start3A_47] : memref<1280x4x128xi32, #tpu.memory_space<hbm>> -> memref<1x4x128xi32, #tpu.memory_space<hbm>>
    %dma_start3A_49 = tpu.memref_squeeze %dma_start3A_48 : memref<1x4x128xi32, #tpu.memory_space<hbm>> -> memref<4x128xi32, #tpu.memory_space<hbm>>
    tpu.enqueue_dma source(%dma_start3A_49 : memref<4x128xi32, #tpu.memory_space<hbm>>) target(%arg7 : memref<4x128xi32, #tpu.memory_space<vmem>>) target_semaphore(%arg15 : memref<!tpu.dma_semaphore, #tpu.memory_space<semaphore_mem>>)
    %scan3A = arith.constant 0 : i32
    %scan3A_50 = arith.constant 0 : i32
    %scan3A_51 = arith.constant 40 : i32
    %scan3A_52 = arith.addi %scan3A_50, %scan3A_51 : i32
    %scan3A_53 = arith.constant 1 : i32
    scf.for %scan3A_130 = %scan3A_50 to %scan3A_52 step %scan3A_53  : i32 {
      %lt3A = arith.constant 39 : i32
      %lt3A_131 = arith.cmpi slt, %scan3A_130, %lt3A : i32
      %dma_wait3A_132 = arith.constant 0 : i32
      %dma_wait3A_133 = arith.constant 0 : i32
      %dma_wait3A_134 = tpu.memref_slice %arg3[%mul3A_19, %dma_wait3A_132, %dma_wait3A_133] : memref<1280x4x128xi32, #tpu.memory_space<hbm>> -> memref<1x4x128xi32, #tpu.memory_space<hbm>>
      %dma_wait3A_135 = tpu.memref_squeeze %dma_wait3A_134 : memref<1x4x128xi32, #tpu.memory_space<hbm>> -> memref<4x128xi32, #tpu.memory_space<hbm>>
      %dma_wait3A_136 = arith.constant 0 : i32
      %dma_wait3A_137 = arith.constant 0 : i32
      %dma_wait3A_138 = tpu.memref_slice %arg3[%mul3A_19, %dma_wait3A_136, %dma_wait3A_137] : memref<1280x4x128xi32, #tpu.memory_space<hbm>> -> memref<1x4x128xi32, #tpu.memory_space<hbm>>
      %dma_wait3A_139 = tpu.memref_squeeze %dma_wait3A_138 : memref<1x4x128xi32, #tpu.memory_space<hbm>> -> memref<4x128xi32, #tpu.memory_space<hbm>>
      tpu.wait_dma2 semaphore(%arg15 : memref<!tpu.dma_semaphore, #tpu.memory_space<semaphore_mem>>) src(%dma_wait3A_139 : memref<4x128xi32, #tpu.memory_space<hbm>>) dst(%arg7 : memref<4x128xi32, #tpu.memory_space<vmem>>)
      %dma_start3A_140 = arith.constant 0 : i32
      %dma_start3A_141 = arith.constant 0 : i32
      %dma_start3A_142 = arith.constant 0 : i32
      %dma_start3A_143 = tpu.memref_slice %arg9[%dma_start3A_141, %dma_start3A_142] : memref<256x32xf32, #tpu.memory_space<vmem>> -> memref<128x32xf32, #tpu.memory_space<vmem>>
      %dma_start3A_144 = arith.constant 0 : i32
      %dma_start3A_145 = tpu.memref_slice %arg7[%dma_start3A_140, %dma_start3A_144] : memref<4x128xi32, #tpu.memory_space<vmem>> -> memref<1x128xi32, #tpu.memory_space<vmem>>
      %dma_start3A_146 = tpu.memref_squeeze %dma_start3A_145 : memref<1x128xi32, #tpu.memory_space<vmem>> -> memref<128xi32, #tpu.memory_space<vmem>>
      %dma_start3A_147 = arith.constant 0 : i32
      %dma_start3A_148 = arith.constant 0 : i32
      %dma_start3A_149 = tpu.memref_slice %arg11[%dma_start3A_147, %dma_start3A_148] : memref<10240x32xf32, #tpu.memory_space<vmem_shared>> -> memref<10240x32xf32, #tpu.memory_space<vmem_shared>>
      tpu.enqueue_indirect_dma source(%dma_start3A_149 : memref<10240x32xf32, #tpu.memory_space<vmem_shared>>) target(%dma_start3A_143 : memref<128x32xf32, #tpu.memory_space<vmem>>) offsets(%dma_start3A_146 : memref<128xi32, #tpu.memory_space<vmem>>) semaphore(%arg13 : memref<!tpu.dma_semaphore, #tpu.memory_space<semaphore_mem>>)
      %dma_start3A_150 = arith.constant 1 : i32
      %dma_start3A_151 = arith.constant 128 : i32
      %dma_start3A_152 = arith.constant 0 : i32
      %dma_start3A_153 = tpu.memref_slice %arg9[%dma_start3A_151, %dma_start3A_152] : memref<256x32xf32, #tpu.memory_space<vmem>> -> memref<128x32xf32, #tpu.memory_space<vmem>>
      %dma_start3A_154 = arith.constant 0 : i32
      %dma_start3A_155 = tpu.memref_slice %arg7[%dma_start3A_150, %dma_start3A_154] : memref<4x128xi32, #tpu.memory_space<vmem>> -> memref<1x128xi32, #tpu.memory_space<vmem>>
      %dma_start3A_156 = tpu.memref_squeeze %dma_start3A_155 : memref<1x128xi32, #tpu.memory_space<vmem>> -> memref<128xi32, #tpu.memory_space<vmem>>
      %dma_start3A_157 = arith.constant 0 : i32
      %dma_start3A_158 = arith.constant 0 : i32
      %dma_start3A_159 = tpu.memref_slice %arg11[%dma_start3A_157, %dma_start3A_158] : memref<10240x32xf32, #tpu.memory_space<vmem_shared>> -> memref<10240x32xf32, #tpu.memory_space<vmem_shared>>
      tpu.enqueue_indirect_dma source(%dma_start3A_159 : memref<10240x32xf32, #tpu.memory_space<vmem_shared>>) target(%dma_start3A_153 : memref<128x32xf32, #tpu.memory_space<vmem>>) offsets(%dma_start3A_156 : memref<128xi32, #tpu.memory_space<vmem>>) semaphore(%arg13 : memref<!tpu.dma_semaphore, #tpu.memory_space<semaphore_mem>>)
      %dma_wait3A_160 = arith.constant 0 : i32
      %dma_wait3A_161 = arith.constant 0 : i32
      %dma_wait3A_162 = tpu.memref_slice %arg2[%dma_wait3A_160, %dma_wait3A_161] : memref<10240x128xf32, #tpu.memory_space<hbm>> -> memref<256x32xf32, #tpu.memory_space<hbm>>
      %dma_wait3A_163 = arith.constant 0 : i32
      %dma_wait3A_164 = arith.constant 0 : i32
      %dma_wait3A_165 = tpu.memref_slice %arg2[%dma_wait3A_163, %dma_wait3A_164] : memref<10240x128xf32, #tpu.memory_space<hbm>> -> memref<256x32xf32, #tpu.memory_space<hbm>>
      tpu.wait_dma2 semaphore(%arg12 : memref<!tpu.dma_semaphore, #tpu.memory_space<semaphore_mem>>) src(%dma_wait3A_165 : memref<256x32xf32, #tpu.memory_space<hbm>>) dst(%arg8 : memref<256x32xf32, #tpu.memory_space<vmem>>)
      %dma_start3A_166 = arith.constant 2 : i32
      %dma_start3A_167 = arith.constant 0 : i32
      %dma_start3A_168 = arith.constant 0 : i32
      %dma_start3A_169 = tpu.memref_slice %arg8[%dma_start3A_167, %dma_start3A_168] : memref<256x32xf32, #tpu.memory_space<vmem>> -> memref<128x32xf32, #tpu.memory_space<vmem>>
      %dma_start3A_170 = arith.constant 0 : i32
      %dma_start3A_171 = tpu.memref_slice %arg6[%dma_start3A_166, %dma_start3A_170] : memref<4x128xi32, #tpu.memory_space<vmem>> -> memref<1x128xi32, #tpu.memory_space<vmem>>
      %dma_start3A_172 = tpu.memref_squeeze %dma_start3A_171 : memref<1x128xi32, #tpu.memory_space<vmem>> -> memref<128xi32, #tpu.memory_space<vmem>>
      %dma_start3A_173 = arith.constant 0 : i32
      %dma_start3A_174 = arith.constant 0 : i32
      %dma_start3A_175 = tpu.memref_slice %arg10[%dma_start3A_173, %dma_start3A_174] : memref<40976x32xf32, #tpu.memory_space<vmem_shared>> -> memref<40976x32xf32, #tpu.memory_space<vmem_shared>>
      tpu.enqueue_indirect_dma source(%dma_start3A_169 : memref<128x32xf32, #tpu.memory_space<vmem>>) target(%dma_start3A_175 : memref<40976x32xf32, #tpu.memory_space<vmem_shared>>) offsets(%dma_start3A_172 : memref<128xi32, #tpu.memory_space<vmem>>) semaphore(%arg16 : memref<!tpu.dma_semaphore, #tpu.memory_space<semaphore_mem>>) {add = true}
      %dma_start3A_176 = arith.constant 3 : i32
      %dma_start3A_177 = arith.constant 128 : i32
      %dma_start3A_178 = arith.constant 0 : i32
      %dma_start3A_179 = tpu.memref_slice %arg8[%dma_start3A_177, %dma_start3A_178] : memref<256x32xf32, #tpu.memory_space<vmem>> -> memref<128x32xf32, #tpu.memory_space<vmem>>
      %dma_start3A_180 = arith.constant 0 : i32
      %dma_start3A_181 = tpu.memref_slice %arg6[%dma_start3A_176, %dma_start3A_180] : memref<4x128xi32, #tpu.memory_space<vmem>> -> memref<1x128xi32, #tpu.memory_space<vmem>>
      %dma_start3A_182 = tpu.memref_squeeze %dma_start3A_181 : memref<1x128xi32, #tpu.memory_space<vmem>> -> memref<128xi32, #tpu.memory_space<vmem>>
      %dma_start3A_183 = arith.constant 0 : i32
      %dma_start3A_184 = arith.constant 0 : i32
      %dma_start3A_185 = tpu.memref_slice %arg10[%dma_start3A_183, %dma_start3A_184] : memref<40976x32xf32, #tpu.memory_space<vmem_shared>> -> memref<40976x32xf32, #tpu.memory_space<vmem_shared>>
      tpu.enqueue_indirect_dma source(%dma_start3A_179 : memref<128x32xf32, #tpu.memory_space<vmem>>) target(%dma_start3A_185 : memref<40976x32xf32, #tpu.memory_space<vmem_shared>>) offsets(%dma_start3A_182 : memref<128xi32, #tpu.memory_space<vmem>>) semaphore(%arg16 : memref<!tpu.dma_semaphore, #tpu.memory_space<semaphore_mem>>) {add = true}
      %dma_wait3A_186 = arith.constant 0 : i32
      %dma_wait3A_187 = arith.constant 0 : i32
      %dma_wait3A_188 = tpu.memref_slice %arg2[%dma_wait3A_186, %dma_wait3A_187] : memref<10240x128xf32, #tpu.memory_space<hbm>> -> memref<256x32xf32, #tpu.memory_space<hbm>>
      %dma_wait3A_189 = arith.constant 0 : i32
      %dma_wait3A_190 = arith.constant 0 : i32
      %dma_wait3A_191 = tpu.memref_slice %arg2[%dma_wait3A_189, %dma_wait3A_190] : memref<10240x128xf32, #tpu.memory_space<hbm>> -> memref<256x32xf32, #tpu.memory_space<hbm>>
      tpu.wait_dma2 semaphore(%arg16 : memref<!tpu.dma_semaphore, #tpu.memory_space<semaphore_mem>>) src(%dma_wait3A_191 : memref<256x32xf32, #tpu.memory_space<hbm>>) dst(%arg8 : memref<256x32xf32, #tpu.memory_space<vmem>>)
      %convert_element_type3A = arith.extui %lt3A_131 : i1 to i32
      %cond3A = arith.constant 0 : i32
      %cond3A_192 = arith.cmpi ne, %convert_element_type3A, %cond3A : i32
      scf.if %cond3A_192 {
        %mul3A_231 = arith.constant 2 : i32
        %mul3A_232 = arith.muli %mul3A_231, %scan3A_130 : i32
        %add3A_233 = arith.constant 2 : i32
        %add3A_234 = arith.addi %mul3A_232, %add3A_233 : i32
        %add3A_235 = arith.addi %mul3A_19, %add3A_234 : i32
        %dma_start3A_236 = arith.constant 0 : i32
        %dma_start3A_237 = arith.constant 0 : i32
        %dma_start3A_238 = tpu.memref_slice %arg3[%add3A_235, %dma_start3A_236, %dma_start3A_237] : memref<1280x4x128xi32, #tpu.memory_space<hbm>> -> memref<1x4x128xi32, #tpu.memory_space<hbm>>
        %dma_start3A_239 = tpu.memref_squeeze %dma_start3A_238 : memref<1x4x128xi32, #tpu.memory_space<hbm>> -> memref<4x128xi32, #tpu.memory_space<hbm>>
        %dma_start3A_240 = arith.constant 0 : i32
        %dma_start3A_241 = arith.constant 0 : i32
        %dma_start3A_242 = tpu.memref_slice %arg3[%add3A_235, %dma_start3A_240, %dma_start3A_241] : memref<1280x4x128xi32, #tpu.memory_space<hbm>> -> memref<1x4x128xi32, #tpu.memory_space<hbm>>
        %dma_start3A_243 = tpu.memref_squeeze %dma_start3A_242 : memref<1x4x128xi32, #tpu.memory_space<hbm>> -> memref<4x128xi32, #tpu.memory_space<hbm>>
        tpu.enqueue_dma source(%dma_start3A_243 : memref<4x128xi32, #tpu.memory_space<hbm>>) target(%arg6 : memref<4x128xi32, #tpu.memory_space<vmem>>) target_semaphore(%arg14 : memref<!tpu.dma_semaphore, #tpu.memory_space<semaphore_mem>>)
      } else {
      }
      %dma_wait3A_193 = arith.constant 0 : i32
      %dma_wait3A_194 = arith.constant 0 : i32
      %dma_wait3A_195 = tpu.memref_slice %arg2[%dma_wait3A_193, %dma_wait3A_194] : memref<10240x128xf32, #tpu.memory_space<hbm>> -> memref<256x32xf32, #tpu.memory_space<hbm>>
      %dma_wait3A_196 = arith.constant 0 : i32
      %dma_wait3A_197 = arith.constant 0 : i32
      %dma_wait3A_198 = tpu.memref_slice %arg2[%dma_wait3A_196, %dma_wait3A_197] : memref<10240x128xf32, #tpu.memory_space<hbm>> -> memref<256x32xf32, #tpu.memory_space<hbm>>
      tpu.wait_dma2 semaphore(%arg13 : memref<!tpu.dma_semaphore, #tpu.memory_space<semaphore_mem>>) src(%dma_wait3A_198 : memref<256x32xf32, #tpu.memory_space<hbm>>) dst(%arg9 : memref<256x32xf32, #tpu.memory_space<vmem>>)
      %dma_start3A_199 = arith.constant 2 : i32
      %dma_start3A_200 = arith.constant 0 : i32
      %dma_start3A_201 = arith.constant 0 : i32
      %dma_start3A_202 = tpu.memref_slice %arg9[%dma_start3A_200, %dma_start3A_201] : memref<256x32xf32, #tpu.memory_space<vmem>> -> memref<128x32xf32, #tpu.memory_space<vmem>>
      %dma_start3A_203 = arith.constant 0 : i32
      %dma_start3A_204 = tpu.memref_slice %arg7[%dma_start3A_199, %dma_start3A_203] : memref<4x128xi32, #tpu.memory_space<vmem>> -> memref<1x128xi32, #tpu.memory_space<vmem>>
      %dma_start3A_205 = tpu.memref_squeeze %dma_start3A_204 : memref<1x128xi32, #tpu.memory_space<vmem>> -> memref<128xi32, #tpu.memory_space<vmem>>
      %dma_start3A_206 = arith.constant 0 : i32
      %dma_start3A_207 = arith.constant 0 : i32
      %dma_start3A_208 = tpu.memref_slice %arg10[%dma_start3A_206, %dma_start3A_207] : memref<40976x32xf32, #tpu.memory_space<vmem_shared>> -> memref<40976x32xf32, #tpu.memory_space<vmem_shared>>
      tpu.enqueue_indirect_dma source(%dma_start3A_202 : memref<128x32xf32, #tpu.memory_space<vmem>>) target(%dma_start3A_208 : memref<40976x32xf32, #tpu.memory_space<vmem_shared>>) offsets(%dma_start3A_205 : memref<128xi32, #tpu.memory_space<vmem>>) semaphore(%arg17 : memref<!tpu.dma_semaphore, #tpu.memory_space<semaphore_mem>>) {add = true}
      %dma_start3A_209 = arith.constant 3 : i32
      %dma_start3A_210 = arith.constant 128 : i32
      %dma_start3A_211 = arith.constant 0 : i32
      %dma_start3A_212 = tpu.memref_slice %arg9[%dma_start3A_210, %dma_start3A_211] : memref<256x32xf32, #tpu.memory_space<vmem>> -> memref<128x32xf32, #tpu.memory_space<vmem>>
      %dma_start3A_213 = arith.constant 0 : i32
      %dma_start3A_214 = tpu.memref_slice %arg7[%dma_start3A_209, %dma_start3A_213] : memref<4x128xi32, #tpu.memory_space<vmem>> -> memref<1x128xi32, #tpu.memory_space<vmem>>
      %dma_start3A_215 = tpu.memref_squeeze %dma_start3A_214 : memref<1x128xi32, #tpu.memory_space<vmem>> -> memref<128xi32, #tpu.memory_space<vmem>>
      %dma_start3A_216 = arith.constant 0 : i32
      %dma_start3A_217 = arith.constant 0 : i32
      %dma_start3A_218 = tpu.memref_slice %arg10[%dma_start3A_216, %dma_start3A_217] : memref<40976x32xf32, #tpu.memory_space<vmem_shared>> -> memref<40976x32xf32, #tpu.memory_space<vmem_shared>>
      tpu.enqueue_indirect_dma source(%dma_start3A_212 : memref<128x32xf32, #tpu.memory_space<vmem>>) target(%dma_start3A_218 : memref<40976x32xf32, #tpu.memory_space<vmem_shared>>) offsets(%dma_start3A_215 : memref<128xi32, #tpu.memory_space<vmem>>) semaphore(%arg17 : memref<!tpu.dma_semaphore, #tpu.memory_space<semaphore_mem>>) {add = true}
      %convert_element_type3A_219 = arith.extui %lt3A_131 : i1 to i32
      %cond3A_220 = arith.constant 0 : i32
      %cond3A_221 = arith.cmpi ne, %convert_element_type3A_219, %cond3A_220 : i32
      scf.if %cond3A_221 {
        %dma_wait3A_231 = arith.constant 0 : i32
        %dma_wait3A_232 = arith.constant 0 : i32
        %dma_wait3A_233 = tpu.memref_slice %arg3[%mul3A_19, %dma_wait3A_231, %dma_wait3A_232] : memref<1280x4x128xi32, #tpu.memory_space<hbm>> -> memref<1x4x128xi32, #tpu.memory_space<hbm>>
        %dma_wait3A_234 = tpu.memref_squeeze %dma_wait3A_233 : memref<1x4x128xi32, #tpu.memory_space<hbm>> -> memref<4x128xi32, #tpu.memory_space<hbm>>
        %dma_wait3A_235 = arith.constant 0 : i32
        %dma_wait3A_236 = arith.constant 0 : i32
        %dma_wait3A_237 = tpu.memref_slice %arg3[%mul3A_19, %dma_wait3A_235, %dma_wait3A_236] : memref<1280x4x128xi32, #tpu.memory_space<hbm>> -> memref<1x4x128xi32, #tpu.memory_space<hbm>>
        %dma_wait3A_238 = tpu.memref_squeeze %dma_wait3A_237 : memref<1x4x128xi32, #tpu.memory_space<hbm>> -> memref<4x128xi32, #tpu.memory_space<hbm>>
        tpu.wait_dma2 semaphore(%arg14 : memref<!tpu.dma_semaphore, #tpu.memory_space<semaphore_mem>>) src(%dma_wait3A_238 : memref<4x128xi32, #tpu.memory_space<hbm>>) dst(%arg6 : memref<4x128xi32, #tpu.memory_space<vmem>>)
        %dma_start3A_239 = arith.constant 0 : i32
        %dma_start3A_240 = arith.constant 0 : i32
        %dma_start3A_241 = arith.constant 0 : i32
        %dma_start3A_242 = tpu.memref_slice %arg8[%dma_start3A_240, %dma_start3A_241] : memref<256x32xf32, #tpu.memory_space<vmem>> -> memref<128x32xf32, #tpu.memory_space<vmem>>
        %dma_start3A_243 = arith.constant 0 : i32
        %dma_start3A_244 = tpu.memref_slice %arg6[%dma_start3A_239, %dma_start3A_243] : memref<4x128xi32, #tpu.memory_space<vmem>> -> memref<1x128xi32, #tpu.memory_space<vmem>>
        %dma_start3A_245 = tpu.memref_squeeze %dma_start3A_244 : memref<1x128xi32, #tpu.memory_space<vmem>> -> memref<128xi32, #tpu.memory_space<vmem>>
        %dma_start3A_246 = arith.constant 0 : i32
        %dma_start3A_247 = arith.constant 0 : i32
        %dma_start3A_248 = tpu.memref_slice %arg11[%dma_start3A_246, %dma_start3A_247] : memref<10240x32xf32, #tpu.memory_space<vmem_shared>> -> memref<10240x32xf32, #tpu.memory_space<vmem_shared>>
        tpu.enqueue_indirect_dma source(%dma_start3A_248 : memref<10240x32xf32, #tpu.memory_space<vmem_shared>>) target(%dma_start3A_242 : memref<128x32xf32, #tpu.memory_space<vmem>>) offsets(%dma_start3A_245 : memref<128xi32, #tpu.memory_space<vmem>>) semaphore(%arg12 : memref<!tpu.dma_semaphore, #tpu.memory_space<semaphore_mem>>)
        %dma_start3A_249 = arith.constant 1 : i32
        %dma_start3A_250 = arith.constant 128 : i32
        %dma_start3A_251 = arith.constant 0 : i32
        %dma_start3A_252 = tpu.memref_slice %arg8[%dma_start3A_250, %dma_start3A_251] : memref<256x32xf32, #tpu.memory_space<vmem>> -> memref<128x32xf32, #tpu.memory_space<vmem>>
        %dma_start3A_253 = arith.constant 0 : i32
        %dma_start3A_254 = tpu.memref_slice %arg6[%dma_start3A_249, %dma_start3A_253] : memref<4x128xi32, #tpu.memory_space<vmem>> -> memref<1x128xi32, #tpu.memory_space<vmem>>
        %dma_start3A_255 = tpu.memref_squeeze %dma_start3A_254 : memref<1x128xi32, #tpu.memory_space<vmem>> -> memref<128xi32, #tpu.memory_space<vmem>>
        %dma_start3A_256 = arith.constant 0 : i32
        %dma_start3A_257 = arith.constant 0 : i32
        %dma_start3A_258 = tpu.memref_slice %arg11[%dma_start3A_256, %dma_start3A_257] : memref<10240x32xf32, #tpu.memory_space<vmem_shared>> -> memref<10240x32xf32, #tpu.memory_space<vmem_shared>>
        tpu.enqueue_indirect_dma source(%dma_start3A_258 : memref<10240x32xf32, #tpu.memory_space<vmem_shared>>) target(%dma_start3A_252 : memref<128x32xf32, #tpu.memory_space<vmem>>) offsets(%dma_start3A_255 : memref<128xi32, #tpu.memory_space<vmem>>) semaphore(%arg12 : memref<!tpu.dma_semaphore, #tpu.memory_space<semaphore_mem>>)
      } else {
      }
      %dma_wait3A_222 = arith.constant 0 : i32
      %dma_wait3A_223 = arith.constant 0 : i32
      %dma_wait3A_224 = tpu.memref_slice %arg2[%dma_wait3A_222, %dma_wait3A_223] : memref<10240x128xf32, #tpu.memory_space<hbm>> -> memref<256x32xf32, #tpu.memory_space<hbm>>
      %dma_wait3A_225 = arith.constant 0 : i32
      %dma_wait3A_226 = arith.constant 0 : i32
      %dma_wait3A_227 = tpu.memref_slice %arg2[%dma_wait3A_225, %dma_wait3A_226] : memref<10240x128xf32, #tpu.memory_space<hbm>> -> memref<256x32xf32, #tpu.memory_space<hbm>>
      tpu.wait_dma2 semaphore(%arg17 : memref<!tpu.dma_semaphore, #tpu.memory_space<semaphore_mem>>) src(%dma_wait3A_227 : memref<256x32xf32, #tpu.memory_space<hbm>>) dst(%arg9 : memref<256x32xf32, #tpu.memory_space<vmem>>)
      %convert_element_type3A_228 = arith.extui %lt3A_131 : i1 to i32
      %cond3A_229 = arith.constant 0 : i32
      %cond3A_230 = arith.cmpi ne, %convert_element_type3A_228, %cond3A_229 : i32
      scf.if %cond3A_230 {
        %mul3A_231 = arith.constant 2 : i32
        %mul3A_232 = arith.muli %mul3A_231, %scan3A_130 : i32
        %add3A_233 = arith.constant 3 : i32
        %add3A_234 = arith.addi %mul3A_232, %add3A_233 : i32
        %add3A_235 = arith.addi %mul3A_19, %add3A_234 : i32
        %dma_start3A_236 = arith.constant 0 : i32
        %dma_start3A_237 = arith.constant 0 : i32
        %dma_start3A_238 = tpu.memref_slice %arg3[%add3A_235, %dma_start3A_236, %dma_start3A_237] : memref<1280x4x128xi32, #tpu.memory_space<hbm>> -> memref<1x4x128xi32, #tpu.memory_space<hbm>>
        %dma_start3A_239 = tpu.memref_squeeze %dma_start3A_238 : memref<1x4x128xi32, #tpu.memory_space<hbm>> -> memref<4x128xi32, #tpu.memory_space<hbm>>
        %dma_start3A_240 = arith.constant 0 : i32
        %dma_start3A_241 = arith.constant 0 : i32
        %dma_start3A_242 = tpu.memref_slice %arg3[%add3A_235, %dma_start3A_240, %dma_start3A_241] : memref<1280x4x128xi32, #tpu.memory_space<hbm>> -> memref<1x4x128xi32, #tpu.memory_space<hbm>>
        %dma_start3A_243 = tpu.memref_squeeze %dma_start3A_242 : memref<1x4x128xi32, #tpu.memory_space<hbm>> -> memref<4x128xi32, #tpu.memory_space<hbm>>
        tpu.enqueue_dma source(%dma_start3A_243 : memref<4x128xi32, #tpu.memory_space<hbm>>) target(%arg7 : memref<4x128xi32, #tpu.memory_space<vmem>>) target_semaphore(%arg15 : memref<!tpu.dma_semaphore, #tpu.memory_space<semaphore_mem>>)
      } else {
      }
    }
    %scan3A_54 = arith.constant 40 : i32
    %barrier3A_55 = arith.constant 0 : index
    tpu.barrier barrier_id(%barrier3A_55)
    %mul3A_56 = arith.constant 2561 : i32
    %mul3A_57 = arith.muli %arg1, %mul3A_56 : i32
    %mul3A_58 = arith.constant 2561 : i32
    %mul3A_59 = arith.muli %arg1, %mul3A_58 : i32
    %mul3A_60 = arith.constant 32 : i32
    %mul3A_61 = arith.muli %add3A_1, %mul3A_60 : i32
    "tpu.region"() ({
      %run_scoped3A = tpu.sem_alloc : memref<!tpu.dma_semaphore, #tpu.memory_space<semaphore_mem>>
      %dma_start3A_130 = tpu.memref_slice %arg5[%mul3A_59, %mul3A_61] : memref<40976x128xf32, #tpu.memory_space<hbm>> -> memref<2561x32xf32, #tpu.memory_space<hbm>>
      %dma_start3A_131 = arith.constant 0 : i32
      %dma_start3A_132 = tpu.memref_slice %arg10[%mul3A_57, %dma_start3A_131] : memref<40976x32xf32, #tpu.memory_space<vmem_shared>> -> memref<2561x32xf32, #tpu.memory_space<vmem_shared>>
      tpu.enqueue_dma source(%dma_start3A_132 : memref<2561x32xf32, #tpu.memory_space<vmem_shared>>) target(%dma_start3A_130 : memref<2561x32xf32, #tpu.memory_space<hbm>>) target_semaphore(%run_scoped3A : memref<!tpu.dma_semaphore, #tpu.memory_space<semaphore_mem>>)
      %dma_wait3A_133 = tpu.memref_slice %arg5[%mul3A_59, %mul3A_61] : memref<40976x128xf32, #tpu.memory_space<hbm>> -> memref<2561x32xf32, #tpu.memory_space<hbm>>
      %dma_wait3A_134 = arith.constant 0 : i32
      %dma_wait3A_135 = tpu.memref_slice %arg10[%mul3A_57, %dma_wait3A_134] : memref<40976x32xf32, #tpu.memory_space<vmem_shared>> -> memref<2561x32xf32, #tpu.memory_space<vmem_shared>>
      tpu.wait_dma2 semaphore(%run_scoped3A : memref<!tpu.dma_semaphore, #tpu.memory_space<semaphore_mem>>) src(%dma_wait3A_135 : memref<2561x32xf32, #tpu.memory_space<vmem_shared>>) dst(%dma_wait3A_133 : memref<2561x32xf32, #tpu.memory_space<hbm>>)
      tpu.yield
    }) : () -> ()
    %mul3A_62 = arith.constant 2 : i32
    %mul3A_63 = arith.muli %arg0, %mul3A_62 : i32
    %add3A_64 = arith.constant 1 : i32
    %add3A_65 = arith.addi %mul3A_63, %add3A_64 : i32
    %mul3A_66 = arith.constant 2561 : i32
    %mul3A_67 = arith.muli %arg1, %mul3A_66 : i32
    %dma_start3A_68 = arith.constant 0 : i32
    %dma_start3A_69 = tpu.memref_slice %arg10[%mul3A_67, %dma_start3A_68] : memref<40976x32xf32, #tpu.memory_space<vmem_shared>> -> memref<2561x32xf32, #tpu.memory_space<vmem_shared>>
    tpu.enqueue_dma source(%arg4 : memref<2561x32xf32, #tpu.memory_space<hbm>>) target(%dma_start3A_69 : memref<2561x32xf32, #tpu.memory_space<vmem_shared>>) target_semaphore(%arg14 : memref<!tpu.dma_semaphore, #tpu.memory_space<semaphore_mem>>)
    %mul3A_70 = arith.constant 640 : i32
    %mul3A_71 = arith.muli %arg1, %mul3A_70 : i32
    %mul3A_72 = arith.constant 32 : i32
    %mul3A_73 = arith.muli %add3A_65, %mul3A_72 : i32
    %mul3A_74 = arith.constant 640 : i32
    %mul3A_75 = arith.muli %arg1, %mul3A_74 : i32
    %dma_start3A_76 = arith.constant 0 : i32
    %dma_start3A_77 = tpu.memref_slice %arg11[%mul3A_75, %dma_start3A_76] : memref<10240x32xf32, #tpu.memory_space<vmem_shared>> -> memref<640x32xf32, #tpu.memory_space<vmem_shared>>
    %dma_start3A_78 = tpu.memref_slice %arg2[%mul3A_71, %mul3A_73] : memref<10240x128xf32, #tpu.memory_space<hbm>> -> memref<640x32xf32, #tpu.memory_space<hbm>>
    tpu.enqueue_dma source(%dma_start3A_78 : memref<640x32xf32, #tpu.memory_space<hbm>>) target(%dma_start3A_77 : memref<640x32xf32, #tpu.memory_space<vmem_shared>>) target_semaphore(%arg15 : memref<!tpu.dma_semaphore, #tpu.memory_space<semaphore_mem>>)
    %dma_wait3A_79 = arith.constant 0 : i32
    %dma_wait3A_80 = tpu.memref_slice %arg10[%mul3A_67, %dma_wait3A_79] : memref<40976x32xf32, #tpu.memory_space<vmem_shared>> -> memref<2561x32xf32, #tpu.memory_space<vmem_shared>>
    tpu.wait_dma2 semaphore(%arg14 : memref<!tpu.dma_semaphore, #tpu.memory_space<semaphore_mem>>) src(%arg4 : memref<2561x32xf32, #tpu.memory_space<hbm>>) dst(%dma_wait3A_80 : memref<2561x32xf32, #tpu.memory_space<vmem_shared>>)
    %dma_wait3A_81 = arith.constant 0 : i32
    %dma_wait3A_82 = tpu.memref_slice %arg11[%mul3A_75, %dma_wait3A_81] : memref<10240x32xf32, #tpu.memory_space<vmem_shared>> -> memref<640x32xf32, #tpu.memory_space<vmem_shared>>
    %dma_wait3A_83 = tpu.memref_slice %arg2[%mul3A_71, %mul3A_73] : memref<10240x128xf32, #tpu.memory_space<hbm>> -> memref<640x32xf32, #tpu.memory_space<hbm>>
    tpu.wait_dma2 semaphore(%arg15 : memref<!tpu.dma_semaphore, #tpu.memory_space<semaphore_mem>>) src(%dma_wait3A_83 : memref<640x32xf32, #tpu.memory_space<hbm>>) dst(%dma_wait3A_82 : memref<640x32xf32, #tpu.memory_space<vmem_shared>>)
    %barrier3A_84 = arith.constant 0 : index
    tpu.barrier barrier_id(%barrier3A_84)
    %mul3A_85 = arith.constant 80 : i32
    %mul3A_86 = arith.muli %arg1, %mul3A_85 : i32
    "tpu.region"() ({
      %run_scoped3A = tpu.sem_alloc : memref<!tpu.dma_semaphore, #tpu.memory_space<semaphore_mem>>
      %dma_start3A_130 = arith.constant 0 : i32
      %dma_start3A_131 = arith.constant 0 : i32
      %dma_start3A_132 = tpu.memref_slice %arg3[%mul3A_86, %dma_start3A_130, %dma_start3A_131] : memref<1280x4x128xi32, #tpu.memory_space<hbm>> -> memref<1x4x128xi32, #tpu.memory_space<hbm>>
      %dma_start3A_133 = tpu.memref_squeeze %dma_start3A_132 : memref<1x4x128xi32, #tpu.memory_space<hbm>> -> memref<4x128xi32, #tpu.memory_space<hbm>>
      %dma_start3A_134 = arith.constant 0 : i32
      %dma_start3A_135 = arith.constant 0 : i32
      %dma_start3A_136 = tpu.memref_slice %arg3[%mul3A_86, %dma_start3A_134, %dma_start3A_135] : memref<1280x4x128xi32, #tpu.memory_space<hbm>> -> memref<1x4x128xi32, #tpu.memory_space<hbm>>
      %dma_start3A_137 = tpu.memref_squeeze %dma_start3A_136 : memref<1x4x128xi32, #tpu.memory_space<hbm>> -> memref<4x128xi32, #tpu.memory_space<hbm>>
      tpu.enqueue_dma source(%dma_start3A_137 : memref<4x128xi32, #tpu.memory_space<hbm>>) target(%arg6 : memref<4x128xi32, #tpu.memory_space<vmem>>) target_semaphore(%run_scoped3A : memref<!tpu.dma_semaphore, #tpu.memory_space<semaphore_mem>>)
      %dma_wait3A_138 = arith.constant 0 : i32
      %dma_wait3A_139 = arith.constant 0 : i32
      %dma_wait3A_140 = tpu.memref_slice %arg3[%mul3A_86, %dma_wait3A_138, %dma_wait3A_139] : memref<1280x4x128xi32, #tpu.memory_space<hbm>> -> memref<1x4x128xi32, #tpu.memory_space<hbm>>
      %dma_wait3A_141 = tpu.memref_squeeze %dma_wait3A_140 : memref<1x4x128xi32, #tpu.memory_space<hbm>> -> memref<4x128xi32, #tpu.memory_space<hbm>>
      %dma_wait3A_142 = arith.constant 0 : i32
      %dma_wait3A_143 = arith.constant 0 : i32
      %dma_wait3A_144 = tpu.memref_slice %arg3[%mul3A_86, %dma_wait3A_142, %dma_wait3A_143] : memref<1280x4x128xi32, #tpu.memory_space<hbm>> -> memref<1x4x128xi32, #tpu.memory_space<hbm>>
      %dma_wait3A_145 = tpu.memref_squeeze %dma_wait3A_144 : memref<1x4x128xi32, #tpu.memory_space<hbm>> -> memref<4x128xi32, #tpu.memory_space<hbm>>
      tpu.wait_dma2 semaphore(%run_scoped3A : memref<!tpu.dma_semaphore, #tpu.memory_space<semaphore_mem>>) src(%dma_wait3A_145 : memref<4x128xi32, #tpu.memory_space<hbm>>) dst(%arg6 : memref<4x128xi32, #tpu.memory_space<vmem>>)
      tpu.yield
    }) : () -> ()
    %dma_start3A_87 = arith.constant 0 : i32
    %dma_start3A_88 = arith.constant 0 : i32
    %dma_start3A_89 = arith.constant 0 : i32
    %dma_start3A_90 = tpu.memref_slice %arg8[%dma_start3A_88, %dma_start3A_89] : memref<256x32xf32, #tpu.memory_space<vmem>> -> memref<128x32xf32, #tpu.memory_space<vmem>>
    %dma_start3A_91 = arith.constant 0 : i32
    %dma_start3A_92 = tpu.memref_slice %arg6[%dma_start3A_87, %dma_start3A_91] : memref<4x128xi32, #tpu.memory_space<vmem>> -> memref<1x128xi32, #tpu.memory_space<vmem>>
    %dma_start3A_93 = tpu.memref_squeeze %dma_start3A_92 : memref<1x128xi32, #tpu.memory_space<vmem>> -> memref<128xi32, #tpu.memory_space<vmem>>
    %dma_start3A_94 = arith.constant 0 : i32
    %dma_start3A_95 = arith.constant 0 : i32
    %dma_start3A_96 = tpu.memref_slice %arg11[%dma_start3A_94, %dma_start3A_95] : memref<10240x32xf32, #tpu.memory_space<vmem_shared>> -> memref<10240x32xf32, #tpu.memory_space<vmem_shared>>
    tpu.enqueue_indirect_dma source(%dma_start3A_96 : memref<10240x32xf32, #tpu.memory_space<vmem_shared>>) target(%dma_start3A_90 : memref<128x32xf32, #tpu.memory_space<vmem>>) offsets(%dma_start3A_93 : memref<128xi32, #tpu.memory_space<vmem>>) semaphore(%arg12 : memref<!tpu.dma_semaphore, #tpu.memory_space<semaphore_mem>>)
    %dma_start3A_97 = arith.constant 1 : i32
    %dma_start3A_98 = arith.constant 128 : i32
    %dma_start3A_99 = arith.constant 0 : i32
    %dma_start3A_100 = tpu.memref_slice %arg8[%dma_start3A_98, %dma_start3A_99] : memref<256x32xf32, #tpu.memory_space<vmem>> -> memref<128x32xf32, #tpu.memory_space<vmem>>
    %dma_start3A_101 = arith.constant 0 : i32
    %dma_start3A_102 = tpu.memref_slice %arg6[%dma_start3A_97, %dma_start3A_101] : memref<4x128xi32, #tpu.memory_space<vmem>> -> memref<1x128xi32, #tpu.memory_space<vmem>>
    %dma_start3A_103 = tpu.memref_squeeze %dma_start3A_102 : memref<1x128xi32, #tpu.memory_space<vmem>> -> memref<128xi32, #tpu.memory_space<vmem>>
    %dma_start3A_104 = arith.constant 0 : i32
    %dma_start3A_105 = arith.constant 0 : i32
    %dma_start3A_106 = tpu.memref_slice %arg11[%dma_start3A_104, %dma_start3A_105] : memref<10240x32xf32, #tpu.memory_space<vmem_shared>> -> memref<10240x32xf32, #tpu.memory_space<vmem_shared>>
    tpu.enqueue_indirect_dma source(%dma_start3A_106 : memref<10240x32xf32, #tpu.memory_space<vmem_shared>>) target(%dma_start3A_100 : memref<128x32xf32, #tpu.memory_space<vmem>>) offsets(%dma_start3A_103 : memref<128xi32, #tpu.memory_space<vmem>>) semaphore(%arg12 : memref<!tpu.dma_semaphore, #tpu.memory_space<semaphore_mem>>)
    %add3A_107 = arith.constant 1 : i32
    %add3A_108 = arith.addi %mul3A_86, %add3A_107 : i32
    %dma_start3A_109 = arith.constant 0 : i32
    %dma_start3A_110 = arith.constant 0 : i32
    %dma_start3A_111 = tpu.memref_slice %arg3[%add3A_108, %dma_start3A_109, %dma_start3A_110] : memref<1280x4x128xi32, #tpu.memory_space<hbm>> -> memref<1x4x128xi32, #tpu.memory_space<hbm>>
    %dma_start3A_112 = tpu.memref_squeeze %dma_start3A_111 : memref<1x4x128xi32, #tpu.memory_space<hbm>> -> memref<4x128xi32, #tpu.memory_space<hbm>>
    %dma_start3A_113 = arith.constant 0 : i32
    %dma_start3A_114 = arith.constant 0 : i32
    %dma_start3A_115 = tpu.memref_slice %arg3[%add3A_108, %dma_start3A_113, %dma_start3A_114] : memref<1280x4x128xi32, #tpu.memory_space<hbm>> -> memref<1x4x128xi32, #tpu.memory_space<hbm>>
    %dma_start3A_116 = tpu.memref_squeeze %dma_start3A_115 : memref<1x4x128xi32, #tpu.memory_space<hbm>> -> memref<4x128xi32, #tpu.memory_space<hbm>>
    tpu.enqueue_dma source(%dma_start3A_116 : memref<4x128xi32, #tpu.memory_space<hbm>>) target(%arg7 : memref<4x128xi32, #tpu.memory_space<vmem>>) target_semaphore(%arg15 : memref<!tpu.dma_semaphore, #tpu.memory_space<semaphore_mem>>)
    %scan3A_117 = arith.constant 0 : i32
    %scan3A_118 = arith.constant 0 : i32
    %scan3A_119 = arith.constant 40 : i32
    %scan3A_120 = arith.addi %scan3A_118, %scan3A_119 : i32
    %scan3A_121 = arith.constant 1 : i32
    scf.for %scan3A_130 = %scan3A_118 to %scan3A_120 step %scan3A_121  : i32 {
      %lt3A = arith.constant 39 : i32
      %lt3A_131 = arith.cmpi slt, %scan3A_130, %lt3A : i32
      %dma_wait3A_132 = arith.constant 0 : i32
      %dma_wait3A_133 = arith.constant 0 : i32
      %dma_wait3A_134 = tpu.memref_slice %arg3[%mul3A_86, %dma_wait3A_132, %dma_wait3A_133] : memref<1280x4x128xi32, #tpu.memory_space<hbm>> -> memref<1x4x128xi32, #tpu.memory_space<hbm>>
      %dma_wait3A_135 = tpu.memref_squeeze %dma_wait3A_134 : memref<1x4x128xi32, #tpu.memory_space<hbm>> -> memref<4x128xi32, #tpu.memory_space<hbm>>
      %dma_wait3A_136 = arith.constant 0 : i32
      %dma_wait3A_137 = arith.constant 0 : i32
      %dma_wait3A_138 = tpu.memref_slice %arg3[%mul3A_86, %dma_wait3A_136, %dma_wait3A_137] : memref<1280x4x128xi32, #tpu.memory_space<hbm>> -> memref<1x4x128xi32, #tpu.memory_space<hbm>>
      %dma_wait3A_139 = tpu.memref_squeeze %dma_wait3A_138 : memref<1x4x128xi32, #tpu.memory_space<hbm>> -> memref<4x128xi32, #tpu.memory_space<hbm>>
      tpu.wait_dma2 semaphore(%arg15 : memref<!tpu.dma_semaphore, #tpu.memory_space<semaphore_mem>>) src(%dma_wait3A_139 : memref<4x128xi32, #tpu.memory_space<hbm>>) dst(%arg7 : memref<4x128xi32, #tpu.memory_space<vmem>>)
      %dma_start3A_140 = arith.constant 0 : i32
      %dma_start3A_141 = arith.constant 0 : i32
      %dma_start3A_142 = arith.constant 0 : i32
      %dma_start3A_143 = tpu.memref_slice %arg9[%dma_start3A_141, %dma_start3A_142] : memref<256x32xf32, #tpu.memory_space<vmem>> -> memref<128x32xf32, #tpu.memory_space<vmem>>
      %dma_start3A_144 = arith.constant 0 : i32
      %dma_start3A_145 = tpu.memref_slice %arg7[%dma_start3A_140, %dma_start3A_144] : memref<4x128xi32, #tpu.memory_space<vmem>> -> memref<1x128xi32, #tpu.memory_space<vmem>>
      %dma_start3A_146 = tpu.memref_squeeze %dma_start3A_145 : memref<1x128xi32, #tpu.memory_space<vmem>> -> memref<128xi32, #tpu.memory_space<vmem>>
      %dma_start3A_147 = arith.constant 0 : i32
      %dma_start3A_148 = arith.constant 0 : i32
      %dma_start3A_149 = tpu.memref_slice %arg11[%dma_start3A_147, %dma_start3A_148] : memref<10240x32xf32, #tpu.memory_space<vmem_shared>> -> memref<10240x32xf32, #tpu.memory_space<vmem_shared>>
      tpu.enqueue_indirect_dma source(%dma_start3A_149 : memref<10240x32xf32, #tpu.memory_space<vmem_shared>>) target(%dma_start3A_143 : memref<128x32xf32, #tpu.memory_space<vmem>>) offsets(%dma_start3A_146 : memref<128xi32, #tpu.memory_space<vmem>>) semaphore(%arg13 : memref<!tpu.dma_semaphore, #tpu.memory_space<semaphore_mem>>)
      %dma_start3A_150 = arith.constant 1 : i32
      %dma_start3A_151 = arith.constant 128 : i32
      %dma_start3A_152 = arith.constant 0 : i32
      %dma_start3A_153 = tpu.memref_slice %arg9[%dma_start3A_151, %dma_start3A_152] : memref<256x32xf32, #tpu.memory_space<vmem>> -> memref<128x32xf32, #tpu.memory_space<vmem>>
      %dma_start3A_154 = arith.constant 0 : i32
      %dma_start3A_155 = tpu.memref_slice %arg7[%dma_start3A_150, %dma_start3A_154] : memref<4x128xi32, #tpu.memory_space<vmem>> -> memref<1x128xi32, #tpu.memory_space<vmem>>
      %dma_start3A_156 = tpu.memref_squeeze %dma_start3A_155 : memref<1x128xi32, #tpu.memory_space<vmem>> -> memref<128xi32, #tpu.memory_space<vmem>>
      %dma_start3A_157 = arith.constant 0 : i32
      %dma_start3A_158 = arith.constant 0 : i32
      %dma_start3A_159 = tpu.memref_slice %arg11[%dma_start3A_157, %dma_start3A_158] : memref<10240x32xf32, #tpu.memory_space<vmem_shared>> -> memref<10240x32xf32, #tpu.memory_space<vmem_shared>>
      tpu.enqueue_indirect_dma source(%dma_start3A_159 : memref<10240x32xf32, #tpu.memory_space<vmem_shared>>) target(%dma_start3A_153 : memref<128x32xf32, #tpu.memory_space<vmem>>) offsets(%dma_start3A_156 : memref<128xi32, #tpu.memory_space<vmem>>) semaphore(%arg13 : memref<!tpu.dma_semaphore, #tpu.memory_space<semaphore_mem>>)
      %dma_wait3A_160 = arith.constant 0 : i32
      %dma_wait3A_161 = arith.constant 0 : i32
      %dma_wait3A_162 = tpu.memref_slice %arg2[%dma_wait3A_160, %dma_wait3A_161] : memref<10240x128xf32, #tpu.memory_space<hbm>> -> memref<256x32xf32, #tpu.memory_space<hbm>>
      %dma_wait3A_163 = arith.constant 0 : i32
      %dma_wait3A_164 = arith.constant 0 : i32
      %dma_wait3A_165 = tpu.memref_slice %arg2[%dma_wait3A_163, %dma_wait3A_164] : memref<10240x128xf32, #tpu.memory_space<hbm>> -> memref<256x32xf32, #tpu.memory_space<hbm>>
      tpu.wait_dma2 semaphore(%arg12 : memref<!tpu.dma_semaphore, #tpu.memory_space<semaphore_mem>>) src(%dma_wait3A_165 : memref<256x32xf32, #tpu.memory_space<hbm>>) dst(%arg8 : memref<256x32xf32, #tpu.memory_space<vmem>>)
      %dma_start3A_166 = arith.constant 2 : i32
      %dma_start3A_167 = arith.constant 0 : i32
      %dma_start3A_168 = arith.constant 0 : i32
      %dma_start3A_169 = tpu.memref_slice %arg8[%dma_start3A_167, %dma_start3A_168] : memref<256x32xf32, #tpu.memory_space<vmem>> -> memref<128x32xf32, #tpu.memory_space<vmem>>
      %dma_start3A_170 = arith.constant 0 : i32
      %dma_start3A_171 = tpu.memref_slice %arg6[%dma_start3A_166, %dma_start3A_170] : memref<4x128xi32, #tpu.memory_space<vmem>> -> memref<1x128xi32, #tpu.memory_space<vmem>>
      %dma_start3A_172 = tpu.memref_squeeze %dma_start3A_171 : memref<1x128xi32, #tpu.memory_space<vmem>> -> memref<128xi32, #tpu.memory_space<vmem>>
      %dma_start3A_173 = arith.constant 0 : i32
      %dma_start3A_174 = arith.constant 0 : i32
      %dma_start3A_175 = tpu.memref_slice %arg10[%dma_start3A_173, %dma_start3A_174] : memref<40976x32xf32, #tpu.memory_space<vmem_shared>> -> memref<40976x32xf32, #tpu.memory_space<vmem_shared>>
      tpu.enqueue_indirect_dma source(%dma_start3A_169 : memref<128x32xf32, #tpu.memory_space<vmem>>) target(%dma_start3A_175 : memref<40976x32xf32, #tpu.memory_space<vmem_shared>>) offsets(%dma_start3A_172 : memref<128xi32, #tpu.memory_space<vmem>>) semaphore(%arg16 : memref<!tpu.dma_semaphore, #tpu.memory_space<semaphore_mem>>) {add = true}
      %dma_start3A_176 = arith.constant 3 : i32
      %dma_start3A_177 = arith.constant 128 : i32
      %dma_start3A_178 = arith.constant 0 : i32
      %dma_start3A_179 = tpu.memref_slice %arg8[%dma_start3A_177, %dma_start3A_178] : memref<256x32xf32, #tpu.memory_space<vmem>> -> memref<128x32xf32, #tpu.memory_space<vmem>>
      %dma_start3A_180 = arith.constant 0 : i32
      %dma_start3A_181 = tpu.memref_slice %arg6[%dma_start3A_176, %dma_start3A_180] : memref<4x128xi32, #tpu.memory_space<vmem>> -> memref<1x128xi32, #tpu.memory_space<vmem>>
      %dma_start3A_182 = tpu.memref_squeeze %dma_start3A_181 : memref<1x128xi32, #tpu.memory_space<vmem>> -> memref<128xi32, #tpu.memory_space<vmem>>
      %dma_start3A_183 = arith.constant 0 : i32
      %dma_start3A_184 = arith.constant 0 : i32
      %dma_start3A_185 = tpu.memref_slice %arg10[%dma_start3A_183, %dma_start3A_184] : memref<40976x32xf32, #tpu.memory_space<vmem_shared>> -> memref<40976x32xf32, #tpu.memory_space<vmem_shared>>
      tpu.enqueue_indirect_dma source(%dma_start3A_179 : memref<128x32xf32, #tpu.memory_space<vmem>>) target(%dma_start3A_185 : memref<40976x32xf32, #tpu.memory_space<vmem_shared>>) offsets(%dma_start3A_182 : memref<128xi32, #tpu.memory_space<vmem>>) semaphore(%arg16 : memref<!tpu.dma_semaphore, #tpu.memory_space<semaphore_mem>>) {add = true}
      %dma_wait3A_186 = arith.constant 0 : i32
      %dma_wait3A_187 = arith.constant 0 : i32
      %dma_wait3A_188 = tpu.memref_slice %arg2[%dma_wait3A_186, %dma_wait3A_187] : memref<10240x128xf32, #tpu.memory_space<hbm>> -> memref<256x32xf32, #tpu.memory_space<hbm>>
      %dma_wait3A_189 = arith.constant 0 : i32
      %dma_wait3A_190 = arith.constant 0 : i32
      %dma_wait3A_191 = tpu.memref_slice %arg2[%dma_wait3A_189, %dma_wait3A_190] : memref<10240x128xf32, #tpu.memory_space<hbm>> -> memref<256x32xf32, #tpu.memory_space<hbm>>
      tpu.wait_dma2 semaphore(%arg16 : memref<!tpu.dma_semaphore, #tpu.memory_space<semaphore_mem>>) src(%dma_wait3A_191 : memref<256x32xf32, #tpu.memory_space<hbm>>) dst(%arg8 : memref<256x32xf32, #tpu.memory_space<vmem>>)
      %convert_element_type3A = arith.extui %lt3A_131 : i1 to i32
      %cond3A = arith.constant 0 : i32
      %cond3A_192 = arith.cmpi ne, %convert_element_type3A, %cond3A : i32
      scf.if %cond3A_192 {
        %mul3A_231 = arith.constant 2 : i32
        %mul3A_232 = arith.muli %mul3A_231, %scan3A_130 : i32
        %add3A_233 = arith.constant 2 : i32
        %add3A_234 = arith.addi %mul3A_232, %add3A_233 : i32
        %add3A_235 = arith.addi %mul3A_86, %add3A_234 : i32
        %dma_start3A_236 = arith.constant 0 : i32
        %dma_start3A_237 = arith.constant 0 : i32
        %dma_start3A_238 = tpu.memref_slice %arg3[%add3A_235, %dma_start3A_236, %dma_start3A_237] : memref<1280x4x128xi32, #tpu.memory_space<hbm>> -> memref<1x4x128xi32, #tpu.memory_space<hbm>>
        %dma_start3A_239 = tpu.memref_squeeze %dma_start3A_238 : memref<1x4x128xi32, #tpu.memory_space<hbm>> -> memref<4x128xi32, #tpu.memory_space<hbm>>
        %dma_start3A_240 = arith.constant 0 : i32
        %dma_start3A_241 = arith.constant 0 : i32
        %dma_start3A_242 = tpu.memref_slice %arg3[%add3A_235, %dma_start3A_240, %dma_start3A_241] : memref<1280x4x128xi32, #tpu.memory_space<hbm>> -> memref<1x4x128xi32, #tpu.memory_space<hbm>>
        %dma_start3A_243 = tpu.memref_squeeze %dma_start3A_242 : memref<1x4x128xi32, #tpu.memory_space<hbm>> -> memref<4x128xi32, #tpu.memory_space<hbm>>
        tpu.enqueue_dma source(%dma_start3A_243 : memref<4x128xi32, #tpu.memory_space<hbm>>) target(%arg6 : memref<4x128xi32, #tpu.memory_space<vmem>>) target_semaphore(%arg14 : memref<!tpu.dma_semaphore, #tpu.memory_space<semaphore_mem>>)
      } else {
      }
      %dma_wait3A_193 = arith.constant 0 : i32
      %dma_wait3A_194 = arith.constant 0 : i32
      %dma_wait3A_195 = tpu.memref_slice %arg2[%dma_wait3A_193, %dma_wait3A_194] : memref<10240x128xf32, #tpu.memory_space<hbm>> -> memref<256x32xf32, #tpu.memory_space<hbm>>
      %dma_wait3A_196 = arith.constant 0 : i32
      %dma_wait3A_197 = arith.constant 0 : i32
      %dma_wait3A_198 = tpu.memref_slice %arg2[%dma_wait3A_196, %dma_wait3A_197] : memref<10240x128xf32, #tpu.memory_space<hbm>> -> memref<256x32xf32, #tpu.memory_space<hbm>>
      tpu.wait_dma2 semaphore(%arg13 : memref<!tpu.dma_semaphore, #tpu.memory_space<semaphore_mem>>) src(%dma_wait3A_198 : memref<256x32xf32, #tpu.memory_space<hbm>>) dst(%arg9 : memref<256x32xf32, #tpu.memory_space<vmem>>)
      %dma_start3A_199 = arith.constant 2 : i32
      %dma_start3A_200 = arith.constant 0 : i32
      %dma_start3A_201 = arith.constant 0 : i32
      %dma_start3A_202 = tpu.memref_slice %arg9[%dma_start3A_200, %dma_start3A_201] : memref<256x32xf32, #tpu.memory_space<vmem>> -> memref<128x32xf32, #tpu.memory_space<vmem>>
      %dma_start3A_203 = arith.constant 0 : i32
      %dma_start3A_204 = tpu.memref_slice %arg7[%dma_start3A_199, %dma_start3A_203] : memref<4x128xi32, #tpu.memory_space<vmem>> -> memref<1x128xi32, #tpu.memory_space<vmem>>
      %dma_start3A_205 = tpu.memref_squeeze %dma_start3A_204 : memref<1x128xi32, #tpu.memory_space<vmem>> -> memref<128xi32, #tpu.memory_space<vmem>>
      %dma_start3A_206 = arith.constant 0 : i32
      %dma_start3A_207 = arith.constant 0 : i32
      %dma_start3A_208 = tpu.memref_slice %arg10[%dma_start3A_206, %dma_start3A_207] : memref<40976x32xf32, #tpu.memory_space<vmem_shared>> -> memref<40976x32xf32, #tpu.memory_space<vmem_shared>>
      tpu.enqueue_indirect_dma source(%dma_start3A_202 : memref<128x32xf32, #tpu.memory_space<vmem>>) target(%dma_start3A_208 : memref<40976x32xf32, #tpu.memory_space<vmem_shared>>) offsets(%dma_start3A_205 : memref<128xi32, #tpu.memory_space<vmem>>) semaphore(%arg17 : memref<!tpu.dma_semaphore, #tpu.memory_space<semaphore_mem>>) {add = true}
      %dma_start3A_209 = arith.constant 3 : i32
      %dma_start3A_210 = arith.constant 128 : i32
      %dma_start3A_211 = arith.constant 0 : i32
      %dma_start3A_212 = tpu.memref_slice %arg9[%dma_start3A_210, %dma_start3A_211] : memref<256x32xf32, #tpu.memory_space<vmem>> -> memref<128x32xf32, #tpu.memory_space<vmem>>
      %dma_start3A_213 = arith.constant 0 : i32
      %dma_start3A_214 = tpu.memref_slice %arg7[%dma_start3A_209, %dma_start3A_213] : memref<4x128xi32, #tpu.memory_space<vmem>> -> memref<1x128xi32, #tpu.memory_space<vmem>>
      %dma_start3A_215 = tpu.memref_squeeze %dma_start3A_214 : memref<1x128xi32, #tpu.memory_space<vmem>> -> memref<128xi32, #tpu.memory_space<vmem>>
      %dma_start3A_216 = arith.constant 0 : i32
      %dma_start3A_217 = arith.constant 0 : i32
      %dma_start3A_218 = tpu.memref_slice %arg10[%dma_start3A_216, %dma_start3A_217] : memref<40976x32xf32, #tpu.memory_space<vmem_shared>> -> memref<40976x32xf32, #tpu.memory_space<vmem_shared>>
      tpu.enqueue_indirect_dma source(%dma_start3A_212 : memref<128x32xf32, #tpu.memory_space<vmem>>) target(%dma_start3A_218 : memref<40976x32xf32, #tpu.memory_space<vmem_shared>>) offsets(%dma_start3A_215 : memref<128xi32, #tpu.memory_space<vmem>>) semaphore(%arg17 : memref<!tpu.dma_semaphore, #tpu.memory_space<semaphore_mem>>) {add = true}
      %convert_element_type3A_219 = arith.extui %lt3A_131 : i1 to i32
      %cond3A_220 = arith.constant 0 : i32
      %cond3A_221 = arith.cmpi ne, %convert_element_type3A_219, %cond3A_220 : i32
      scf.if %cond3A_221 {
        %dma_wait3A_231 = arith.constant 0 : i32
        %dma_wait3A_232 = arith.constant 0 : i32
        %dma_wait3A_233 = tpu.memref_slice %arg3[%mul3A_86, %dma_wait3A_231, %dma_wait3A_232] : memref<1280x4x128xi32, #tpu.memory_space<hbm>> -> memref<1x4x128xi32, #tpu.memory_space<hbm>>
        %dma_wait3A_234 = tpu.memref_squeeze %dma_wait3A_233 : memref<1x4x128xi32, #tpu.memory_space<hbm>> -> memref<4x128xi32, #tpu.memory_space<hbm>>
        %dma_wait3A_235 = arith.constant 0 : i32
        %dma_wait3A_236 = arith.constant 0 : i32
        %dma_wait3A_237 = tpu.memref_slice %arg3[%mul3A_86, %dma_wait3A_235, %dma_wait3A_236] : memref<1280x4x128xi32, #tpu.memory_space<hbm>> -> memref<1x4x128xi32, #tpu.memory_space<hbm>>
        %dma_wait3A_238 = tpu.memref_squeeze %dma_wait3A_237 : memref<1x4x128xi32, #tpu.memory_space<hbm>> -> memref<4x128xi32, #tpu.memory_space<hbm>>
        tpu.wait_dma2 semaphore(%arg14 : memref<!tpu.dma_semaphore, #tpu.memory_space<semaphore_mem>>) src(%dma_wait3A_238 : memref<4x128xi32, #tpu.memory_space<hbm>>) dst(%arg6 : memref<4x128xi32, #tpu.memory_space<vmem>>)
        %dma_start3A_239 = arith.constant 0 : i32
        %dma_start3A_240 = arith.constant 0 : i32
        %dma_start3A_241 = arith.constant 0 : i32
        %dma_start3A_242 = tpu.memref_slice %arg8[%dma_start3A_240, %dma_start3A_241] : memref<256x32xf32, #tpu.memory_space<vmem>> -> memref<128x32xf32, #tpu.memory_space<vmem>>
        %dma_start3A_243 = arith.constant 0 : i32
        %dma_start3A_244 = tpu.memref_slice %arg6[%dma_start3A_239, %dma_start3A_243] : memref<4x128xi32, #tpu.memory_space<vmem>> -> memref<1x128xi32, #tpu.memory_space<vmem>>
        %dma_start3A_245 = tpu.memref_squeeze %dma_start3A_244 : memref<1x128xi32, #tpu.memory_space<vmem>> -> memref<128xi32, #tpu.memory_space<vmem>>
        %dma_start3A_246 = arith.constant 0 : i32
        %dma_start3A_247 = arith.constant 0 : i32
        %dma_start3A_248 = tpu.memref_slice %arg11[%dma_start3A_246, %dma_start3A_247] : memref<10240x32xf32, #tpu.memory_space<vmem_shared>> -> memref<10240x32xf32, #tpu.memory_space<vmem_shared>>
        tpu.enqueue_indirect_dma source(%dma_start3A_248 : memref<10240x32xf32, #tpu.memory_space<vmem_shared>>) target(%dma_start3A_242 : memref<128x32xf32, #tpu.memory_space<vmem>>) offsets(%dma_start3A_245 : memref<128xi32, #tpu.memory_space<vmem>>) semaphore(%arg12 : memref<!tpu.dma_semaphore, #tpu.memory_space<semaphore_mem>>)
        %dma_start3A_249 = arith.constant 1 : i32
        %dma_start3A_250 = arith.constant 128 : i32
        %dma_start3A_251 = arith.constant 0 : i32
        %dma_start3A_252 = tpu.memref_slice %arg8[%dma_start3A_250, %dma_start3A_251] : memref<256x32xf32, #tpu.memory_space<vmem>> -> memref<128x32xf32, #tpu.memory_space<vmem>>
        %dma_start3A_253 = arith.constant 0 : i32
        %dma_start3A_254 = tpu.memref_slice %arg6[%dma_start3A_249, %dma_start3A_253] : memref<4x128xi32, #tpu.memory_space<vmem>> -> memref<1x128xi32, #tpu.memory_space<vmem>>
        %dma_start3A_255 = tpu.memref_squeeze %dma_start3A_254 : memref<1x128xi32, #tpu.memory_space<vmem>> -> memref<128xi32, #tpu.memory_space<vmem>>
        %dma_start3A_256 = arith.constant 0 : i32
        %dma_start3A_257 = arith.constant 0 : i32
        %dma_start3A_258 = tpu.memref_slice %arg11[%dma_start3A_256, %dma_start3A_257] : memref<10240x32xf32, #tpu.memory_space<vmem_shared>> -> memref<10240x32xf32, #tpu.memory_space<vmem_shared>>
        tpu.enqueue_indirect_dma source(%dma_start3A_258 : memref<10240x32xf32, #tpu.memory_space<vmem_shared>>) target(%dma_start3A_252 : memref<128x32xf32, #tpu.memory_space<vmem>>) offsets(%dma_start3A_255 : memref<128xi32, #tpu.memory_space<vmem>>) semaphore(%arg12 : memref<!tpu.dma_semaphore, #tpu.memory_space<semaphore_mem>>)
      } else {
      }
      %dma_wait3A_222 = arith.constant 0 : i32
      %dma_wait3A_223 = arith.constant 0 : i32
      %dma_wait3A_224 = tpu.memref_slice %arg2[%dma_wait3A_222, %dma_wait3A_223] : memref<10240x128xf32, #tpu.memory_space<hbm>> -> memref<256x32xf32, #tpu.memory_space<hbm>>
      %dma_wait3A_225 = arith.constant 0 : i32
      %dma_wait3A_226 = arith.constant 0 : i32
      %dma_wait3A_227 = tpu.memref_slice %arg2[%dma_wait3A_225, %dma_wait3A_226] : memref<10240x128xf32, #tpu.memory_space<hbm>> -> memref<256x32xf32, #tpu.memory_space<hbm>>
      tpu.wait_dma2 semaphore(%arg17 : memref<!tpu.dma_semaphore, #tpu.memory_space<semaphore_mem>>) src(%dma_wait3A_227 : memref<256x32xf32, #tpu.memory_space<hbm>>) dst(%arg9 : memref<256x32xf32, #tpu.memory_space<vmem>>)
      %convert_element_type3A_228 = arith.extui %lt3A_131 : i1 to i32
      %cond3A_229 = arith.constant 0 : i32
      %cond3A_230 = arith.cmpi ne, %convert_element_type3A_228, %cond3A_229 : i32
      scf.if %cond3A_230 {
        %mul3A_231 = arith.constant 2 : i32
        %mul3A_232 = arith.muli %mul3A_231, %scan3A_130 : i32
        %add3A_233 = arith.constant 3 : i32
        %add3A_234 = arith.addi %mul3A_232, %add3A_233 : i32
        %add3A_235 = arith.addi %mul3A_86, %add3A_234 : i32
        %dma_start3A_236 = arith.constant 0 : i32
        %dma_start3A_237 = arith.constant 0 : i32
        %dma_start3A_238 = tpu.memref_slice %arg3[%add3A_235, %dma_start3A_236, %dma_start3A_237] : memref<1280x4x128xi32, #tpu.memory_space<hbm>> -> memref<1x4x128xi32, #tpu.memory_space<hbm>>
        %dma_start3A_239 = tpu.memref_squeeze %dma_start3A_238 : memref<1x4x128xi32, #tpu.memory_space<hbm>> -> memref<4x128xi32, #tpu.memory_space<hbm>>
        %dma_start3A_240 = arith.constant 0 : i32
        %dma_start3A_241 = arith.constant 0 : i32
        %dma_start3A_242 = tpu.memref_slice %arg3[%add3A_235, %dma_start3A_240, %dma_start3A_241] : memref<1280x4x128xi32, #tpu.memory_space<hbm>> -> memref<1x4x128xi32, #tpu.memory_space<hbm>>
        %dma_start3A_243 = tpu.memref_squeeze %dma_start3A_242 : memref<1x4x128xi32, #tpu.memory_space<hbm>> -> memref<4x128xi32, #tpu.memory_space<hbm>>
        tpu.enqueue_dma source(%dma_start3A_243 : memref<4x128xi32, #tpu.memory_space<hbm>>) target(%arg7 : memref<4x128xi32, #tpu.memory_space<vmem>>) target_semaphore(%arg15 : memref<!tpu.dma_semaphore, #tpu.memory_space<semaphore_mem>>)
      } else {
      }
    }
    %scan3A_122 = arith.constant 40 : i32
    %barrier3A_123 = arith.constant 0 : index
    tpu.barrier barrier_id(%barrier3A_123)
    %mul3A_124 = arith.constant 2561 : i32
    %mul3A_125 = arith.muli %arg1, %mul3A_124 : i32
    %mul3A_126 = arith.constant 2561 : i32
    %mul3A_127 = arith.muli %arg1, %mul3A_126 : i32
    %mul3A_128 = arith.constant 32 : i32
    %mul3A_129 = arith.muli %add3A_65, %mul3A_128 : i32
    "tpu.region"() ({
      %run_scoped3A = tpu.sem_alloc : memref<!tpu.dma_semaphore, #tpu.memory_space<semaphore_mem>>
      %dma_start3A_130 = tpu.memref_slice %arg5[%mul3A_127, %mul3A_129] : memref<40976x128xf32, #tpu.memory_space<hbm>> -> memref<2561x32xf32, #tpu.memory_space<hbm>>
      %dma_start3A_131 = arith.constant 0 : i32
      %dma_start3A_132 = tpu.memref_slice %arg10[%mul3A_125, %dma_start3A_131] : memref<40976x32xf32, #tpu.memory_space<vmem_shared>> -> memref<2561x32xf32, #tpu.memory_space<vmem_shared>>
      tpu.enqueue_dma source(%dma_start3A_132 : memref<2561x32xf32, #tpu.memory_space<vmem_shared>>) target(%dma_start3A_130 : memref<2561x32xf32, #tpu.memory_space<hbm>>) target_semaphore(%run_scoped3A : memref<!tpu.dma_semaphore, #tpu.memory_space<semaphore_mem>>)
      %dma_wait3A_133 = tpu.memref_slice %arg5[%mul3A_127, %mul3A_129] : memref<40976x128xf32, #tpu.memory_space<hbm>> -> memref<2561x32xf32, #tpu.memory_space<hbm>>
      %dma_wait3A_134 = arith.constant 0 : i32
      %dma_wait3A_135 = tpu.memref_slice %arg10[%mul3A_125, %dma_wait3A_134] : memref<40976x32xf32, #tpu.memory_space<vmem_shared>> -> memref<2561x32xf32, #tpu.memory_space<vmem_shared>>
      tpu.wait_dma2 semaphore(%run_scoped3A : memref<!tpu.dma_semaphore, #tpu.memory_space<semaphore_mem>>) src(%dma_wait3A_135 : memref<2561x32xf32, #tpu.memory_space<vmem_shared>>) dst(%dma_wait3A_133 : memref<2561x32xf32, #tpu.memory_space<hbm>>)
      tpu.yield
    }) : () -> ()
    return
  }
}

#map = affine_map<(d0, d1) -> (0, 0, 0, 0)>
#map1 = affine_map<(d0, d1) -> (0, 0)>
#map2 = affine_map<(d0, d1) -> (0, 0, 0)>
module attributes {stable_mosaic.version = 14 : i64} {
  func.func @body(%arg0: i32, %arg1: i32, %arg2: memref<32x10x8x128xi32, #tpu.memory_space<hbm>>, %arg3: memref<2561x16xf32, #tpu.memory_space<hbm>>, %arg4: memref<128x16xf32, #tpu.memory_space<hbm>>, %arg5: memref<2x40976x16xf32, #tpu.memory_space<hbm>>, %arg6: memref<8x128xi32, #tpu.memory_space<vmem>>, %arg7: memref<8x128xi32, #tpu.memory_space<vmem>>, %arg8: memref<128x16xf32, #tpu.memory_space<vmem>>, %arg9: memref<40976x16xf32, #tpu.memory_space<vmem_shared>>, %arg10: memref<!tpu.dma_semaphore, #tpu.memory_space<semaphore_mem>>, %arg11: memref<!tpu.dma_semaphore, #tpu.memory_space<semaphore_mem>>) attributes {dimension_semantics = [#tpu.dimension_semantics<core_parallel>, #tpu.dimension_semantics<subcore_parallel>], iteration_bounds = array<i64: 2, 16>, scalar_prefetch = 0 : i64, scratch_operands = 6 : i64, tpu.core_type = #tpu.core_type<sc_vector_subcore>, window_params = [{transform_indices = #map}, {transform_indices = #map1}, {transform_indices = #map1}, {transform_indices = #map2}]} {
    %mul3A = arith.constant 16 : i32
    %mul3A_0 = arith.muli %arg0, %mul3A : i32
    %add3A = arith.addi %mul3A_0, %arg1 : i32
    "tpu.region"() ({
      %run_scoped3A_21 = tpu.sem_alloc : memref<!tpu.dma_semaphore, #tpu.memory_space<semaphore_mem>>
      tpu.enqueue_dma source(%arg4 : memref<128x16xf32, #tpu.memory_space<hbm>>) target(%arg8 : memref<128x16xf32, #tpu.memory_space<vmem>>) target_semaphore(%run_scoped3A_21 : memref<!tpu.dma_semaphore, #tpu.memory_space<semaphore_mem>>)
      tpu.wait_dma2 semaphore(%run_scoped3A_21 : memref<!tpu.dma_semaphore, #tpu.memory_space<semaphore_mem>>) src(%arg4 : memref<128x16xf32, #tpu.memory_space<hbm>>) dst(%arg8 : memref<128x16xf32, #tpu.memory_space<vmem>>)
      tpu.yield
    }) : () -> ()
    %mul3A_1 = arith.constant 2561 : i32
    %mul3A_2 = arith.muli %arg1, %mul3A_1 : i32
    "tpu.region"() ({
      %run_scoped3A_21 = tpu.sem_alloc : memref<!tpu.dma_semaphore, #tpu.memory_space<semaphore_mem>>
      %dma_start3A_22 = arith.constant 0 : i32
      %dma_start3A_23 = tpu.memref_slice %arg9[%mul3A_2, %dma_start3A_22] : memref<40976x16xf32, #tpu.memory_space<vmem_shared>> -> memref<2561x16xf32, #tpu.memory_space<vmem_shared>>
      tpu.enqueue_dma source(%arg3 : memref<2561x16xf32, #tpu.memory_space<hbm>>) target(%dma_start3A_23 : memref<2561x16xf32, #tpu.memory_space<vmem_shared>>) target_semaphore(%run_scoped3A_21 : memref<!tpu.dma_semaphore, #tpu.memory_space<semaphore_mem>>)
      %dma_wait3A = arith.constant 0 : i32
      %dma_wait3A_24 = tpu.memref_slice %arg9[%mul3A_2, %dma_wait3A] : memref<40976x16xf32, #tpu.memory_space<vmem_shared>> -> memref<2561x16xf32, #tpu.memory_space<vmem_shared>>
      tpu.wait_dma2 semaphore(%run_scoped3A_21 : memref<!tpu.dma_semaphore, #tpu.memory_space<semaphore_mem>>) src(%arg3 : memref<2561x16xf32, #tpu.memory_space<hbm>>) dst(%dma_wait3A_24 : memref<2561x16xf32, #tpu.memory_space<vmem_shared>>)
      tpu.yield
    }) : () -> ()
    %barrier3A = arith.constant 0 : index
    tpu.barrier barrier_id(%barrier3A)
    %run_scoped3A = arith.constant 0 : i32
    "tpu.region"() ({
      %run_scoped3A_21 = tpu.sem_alloc : memref<!tpu.dma_semaphore, #tpu.memory_space<semaphore_mem>>
      %dma_start3A_22 = arith.constant 0 : i32
      %dma_start3A_23 = arith.constant 0 : i32
      %dma_start3A_24 = tpu.memref_slice %arg2[%add3A, %run_scoped3A, %dma_start3A_22, %dma_start3A_23] : memref<32x10x8x128xi32, #tpu.memory_space<hbm>> -> memref<1x1x8x128xi32, #tpu.memory_space<hbm>>
      %dma_start3A_25 = tpu.memref_squeeze %dma_start3A_24 : memref<1x1x8x128xi32, #tpu.memory_space<hbm>> -> memref<8x128xi32, #tpu.memory_space<hbm>>
      %dma_start3A_26 = arith.constant 0 : i32
      %dma_start3A_27 = arith.constant 0 : i32
      %dma_start3A_28 = tpu.memref_slice %arg2[%add3A, %run_scoped3A, %dma_start3A_26, %dma_start3A_27] : memref<32x10x8x128xi32, #tpu.memory_space<hbm>> -> memref<1x1x8x128xi32, #tpu.memory_space<hbm>>
      %dma_start3A_29 = tpu.memref_squeeze %dma_start3A_28 : memref<1x1x8x128xi32, #tpu.memory_space<hbm>> -> memref<8x128xi32, #tpu.memory_space<hbm>>
      tpu.enqueue_dma source(%dma_start3A_29 : memref<8x128xi32, #tpu.memory_space<hbm>>) target(%arg6 : memref<8x128xi32, #tpu.memory_space<vmem>>) target_semaphore(%run_scoped3A_21 : memref<!tpu.dma_semaphore, #tpu.memory_space<semaphore_mem>>)
      %dma_wait3A = arith.constant 0 : i32
      %dma_wait3A_30 = arith.constant 0 : i32
      %dma_wait3A_31 = tpu.memref_slice %arg2[%add3A, %run_scoped3A, %dma_wait3A, %dma_wait3A_30] : memref<32x10x8x128xi32, #tpu.memory_space<hbm>> -> memref<1x1x8x128xi32, #tpu.memory_space<hbm>>
      %dma_wait3A_32 = tpu.memref_squeeze %dma_wait3A_31 : memref<1x1x8x128xi32, #tpu.memory_space<hbm>> -> memref<8x128xi32, #tpu.memory_space<hbm>>
      %dma_wait3A_33 = arith.constant 0 : i32
      %dma_wait3A_34 = arith.constant 0 : i32
      %dma_wait3A_35 = tpu.memref_slice %arg2[%add3A, %run_scoped3A, %dma_wait3A_33, %dma_wait3A_34] : memref<32x10x8x128xi32, #tpu.memory_space<hbm>> -> memref<1x1x8x128xi32, #tpu.memory_space<hbm>>
      %dma_wait3A_36 = tpu.memref_squeeze %dma_wait3A_35 : memref<1x1x8x128xi32, #tpu.memory_space<hbm>> -> memref<8x128xi32, #tpu.memory_space<hbm>>
      tpu.wait_dma2 semaphore(%run_scoped3A_21 : memref<!tpu.dma_semaphore, #tpu.memory_space<semaphore_mem>>) src(%dma_wait3A_36 : memref<8x128xi32, #tpu.memory_space<hbm>>) dst(%arg6 : memref<8x128xi32, #tpu.memory_space<vmem>>)
      tpu.yield
    }) : () -> ()
    %dma_start3A = arith.constant 1 : i32
    %dma_start3A_3 = arith.constant 0 : i32
    %dma_start3A_4 = arith.constant 0 : i32
    %dma_start3A_5 = tpu.memref_slice %arg2[%add3A, %dma_start3A, %dma_start3A_3, %dma_start3A_4] : memref<32x10x8x128xi32, #tpu.memory_space<hbm>> -> memref<1x1x8x128xi32, #tpu.memory_space<hbm>>
    %dma_start3A_6 = tpu.memref_squeeze %dma_start3A_5 : memref<1x1x8x128xi32, #tpu.memory_space<hbm>> -> memref<8x128xi32, #tpu.memory_space<hbm>>
    %dma_start3A_7 = arith.constant 0 : i32
    %dma_start3A_8 = arith.constant 0 : i32
    %dma_start3A_9 = tpu.memref_slice %arg2[%add3A, %dma_start3A, %dma_start3A_7, %dma_start3A_8] : memref<32x10x8x128xi32, #tpu.memory_space<hbm>> -> memref<1x1x8x128xi32, #tpu.memory_space<hbm>>
    %dma_start3A_10 = tpu.memref_squeeze %dma_start3A_9 : memref<1x1x8x128xi32, #tpu.memory_space<hbm>> -> memref<8x128xi32, #tpu.memory_space<hbm>>
    tpu.enqueue_dma source(%dma_start3A_10 : memref<8x128xi32, #tpu.memory_space<hbm>>) target(%arg7 : memref<8x128xi32, #tpu.memory_space<vmem>>) target_semaphore(%arg11 : memref<!tpu.dma_semaphore, #tpu.memory_space<semaphore_mem>>)
    %scan3A = arith.constant 0 : i32
    %scan3A_11 = arith.constant 0 : i32
    %scan3A_12 = arith.constant 5 : i32
    %scan3A_13 = arith.addi %scan3A_11, %scan3A_12 : i32
    %scan3A_14 = arith.constant 1 : i32
    scf.for %scan3A_21 = %scan3A_11 to %scan3A_13 step %scan3A_14  : i32 {
      %ge3A = arith.constant 4 : i32
      %ge3A_22 = arith.cmpi sge, %scan3A_21, %ge3A : i32
      %run_scoped3A_23 = arith.constant 0 : i32
      "tpu.region"() ({
        %run_scoped3A_59 = tpu.sem_alloc : memref<!tpu.dma_semaphore, #tpu.memory_space<semaphore_mem>>
        %dma_start3A_60 = arith.constant 0 : i32
        %dma_start3A_61 = tpu.memref_slice %arg6[%run_scoped3A_23, %dma_start3A_60] : memref<8x128xi32, #tpu.memory_space<vmem>> -> memref<1x128xi32, #tpu.memory_space<vmem>>
        %dma_start3A_62 = tpu.memref_squeeze %dma_start3A_61 : memref<1x128xi32, #tpu.memory_space<vmem>> -> memref<128xi32, #tpu.memory_space<vmem>>
        %dma_start3A_63 = arith.constant 0 : i32
        %dma_start3A_64 = arith.constant 0 : i32
        %dma_start3A_65 = tpu.memref_slice %arg9[%dma_start3A_63, %dma_start3A_64] : memref<40976x16xf32, #tpu.memory_space<vmem_shared>> -> memref<40976x16xf32, #tpu.memory_space<vmem_shared>>
        tpu.enqueue_indirect_dma source(%arg8 : memref<128x16xf32, #tpu.memory_space<vmem>>) target(%dma_start3A_65 : memref<40976x16xf32, #tpu.memory_space<vmem_shared>>) offsets(%dma_start3A_62 : memref<128xi32, #tpu.memory_space<vmem>>) semaphore(%run_scoped3A_59 : memref<!tpu.dma_semaphore, #tpu.memory_space<semaphore_mem>>) {add = true}
        %dma_wait3A_66 = arith.constant 0 : i32
        %dma_wait3A_67 = tpu.memref_slice %arg6[%run_scoped3A_23, %dma_wait3A_66] : memref<8x128xi32, #tpu.memory_space<vmem>> -> memref<1x128xi32, #tpu.memory_space<vmem>>
        %dma_wait3A_68 = tpu.memref_squeeze %dma_wait3A_67 : memref<1x128xi32, #tpu.memory_space<vmem>> -> memref<128xi32, #tpu.memory_space<vmem>>
        %dma_wait3A_69 = arith.constant 0 : i32
        %dma_wait3A_70 = arith.constant 0 : i32
        %dma_wait3A_71 = tpu.memref_slice %arg9[%dma_wait3A_69, %dma_wait3A_70] : memref<40976x16xf32, #tpu.memory_space<vmem_shared>> -> memref<40976x16xf32, #tpu.memory_space<vmem_shared>>
        tpu.wait_indirect_dma semaphore(%run_scoped3A_59 : memref<!tpu.dma_semaphore, #tpu.memory_space<semaphore_mem>>) src(%arg8 : memref<128x16xf32, #tpu.memory_space<vmem>>) dst(%dma_wait3A_71 : memref<40976x16xf32, #tpu.memory_space<vmem_shared>>)
        tpu.yield
      }) : () -> ()
      %run_scoped3A_24 = arith.constant 1 : i32
      "tpu.region"() ({
        %run_scoped3A_59 = tpu.sem_alloc : memref<!tpu.dma_semaphore, #tpu.memory_space<semaphore_mem>>
        %dma_start3A_60 = arith.constant 0 : i32
        %dma_start3A_61 = tpu.memref_slice %arg6[%run_scoped3A_24, %dma_start3A_60] : memref<8x128xi32, #tpu.memory_space<vmem>> -> memref<1x128xi32, #tpu.memory_space<vmem>>
        %dma_start3A_62 = tpu.memref_squeeze %dma_start3A_61 : memref<1x128xi32, #tpu.memory_space<vmem>> -> memref<128xi32, #tpu.memory_space<vmem>>
        %dma_start3A_63 = arith.constant 0 : i32
        %dma_start3A_64 = arith.constant 0 : i32
        %dma_start3A_65 = tpu.memref_slice %arg9[%dma_start3A_63, %dma_start3A_64] : memref<40976x16xf32, #tpu.memory_space<vmem_shared>> -> memref<40976x16xf32, #tpu.memory_space<vmem_shared>>
        tpu.enqueue_indirect_dma source(%arg8 : memref<128x16xf32, #tpu.memory_space<vmem>>) target(%dma_start3A_65 : memref<40976x16xf32, #tpu.memory_space<vmem_shared>>) offsets(%dma_start3A_62 : memref<128xi32, #tpu.memory_space<vmem>>) semaphore(%run_scoped3A_59 : memref<!tpu.dma_semaphore, #tpu.memory_space<semaphore_mem>>) {add = true}
        %dma_wait3A_66 = arith.constant 0 : i32
        %dma_wait3A_67 = tpu.memref_slice %arg6[%run_scoped3A_24, %dma_wait3A_66] : memref<8x128xi32, #tpu.memory_space<vmem>> -> memref<1x128xi32, #tpu.memory_space<vmem>>
        %dma_wait3A_68 = tpu.memref_squeeze %dma_wait3A_67 : memref<1x128xi32, #tpu.memory_space<vmem>> -> memref<128xi32, #tpu.memory_space<vmem>>
        %dma_wait3A_69 = arith.constant 0 : i32
        %dma_wait3A_70 = arith.constant 0 : i32
        %dma_wait3A_71 = tpu.memref_slice %arg9[%dma_wait3A_69, %dma_wait3A_70] : memref<40976x16xf32, #tpu.memory_space<vmem_shared>> -> memref<40976x16xf32, #tpu.memory_space<vmem_shared>>
        tpu.wait_indirect_dma semaphore(%run_scoped3A_59 : memref<!tpu.dma_semaphore, #tpu.memory_space<semaphore_mem>>) src(%arg8 : memref<128x16xf32, #tpu.memory_space<vmem>>) dst(%dma_wait3A_71 : memref<40976x16xf32, #tpu.memory_space<vmem_shared>>)
        tpu.yield
      }) : () -> ()
      %run_scoped3A_25 = arith.constant 2 : i32
      "tpu.region"() ({
        %run_scoped3A_59 = tpu.sem_alloc : memref<!tpu.dma_semaphore, #tpu.memory_space<semaphore_mem>>
        %dma_start3A_60 = arith.constant 0 : i32
        %dma_start3A_61 = tpu.memref_slice %arg6[%run_scoped3A_25, %dma_start3A_60] : memref<8x128xi32, #tpu.memory_space<vmem>> -> memref<1x128xi32, #tpu.memory_space<vmem>>
        %dma_start3A_62 = tpu.memref_squeeze %dma_start3A_61 : memref<1x128xi32, #tpu.memory_space<vmem>> -> memref<128xi32, #tpu.memory_space<vmem>>
        %dma_start3A_63 = arith.constant 0 : i32
        %dma_start3A_64 = arith.constant 0 : i32
        %dma_start3A_65 = tpu.memref_slice %arg9[%dma_start3A_63, %dma_start3A_64] : memref<40976x16xf32, #tpu.memory_space<vmem_shared>> -> memref<40976x16xf32, #tpu.memory_space<vmem_shared>>
        tpu.enqueue_indirect_dma source(%arg8 : memref<128x16xf32, #tpu.memory_space<vmem>>) target(%dma_start3A_65 : memref<40976x16xf32, #tpu.memory_space<vmem_shared>>) offsets(%dma_start3A_62 : memref<128xi32, #tpu.memory_space<vmem>>) semaphore(%run_scoped3A_59 : memref<!tpu.dma_semaphore, #tpu.memory_space<semaphore_mem>>) {add = true}
        %dma_wait3A_66 = arith.constant 0 : i32
        %dma_wait3A_67 = tpu.memref_slice %arg6[%run_scoped3A_25, %dma_wait3A_66] : memref<8x128xi32, #tpu.memory_space<vmem>> -> memref<1x128xi32, #tpu.memory_space<vmem>>
        %dma_wait3A_68 = tpu.memref_squeeze %dma_wait3A_67 : memref<1x128xi32, #tpu.memory_space<vmem>> -> memref<128xi32, #tpu.memory_space<vmem>>
        %dma_wait3A_69 = arith.constant 0 : i32
        %dma_wait3A_70 = arith.constant 0 : i32
        %dma_wait3A_71 = tpu.memref_slice %arg9[%dma_wait3A_69, %dma_wait3A_70] : memref<40976x16xf32, #tpu.memory_space<vmem_shared>> -> memref<40976x16xf32, #tpu.memory_space<vmem_shared>>
        tpu.wait_indirect_dma semaphore(%run_scoped3A_59 : memref<!tpu.dma_semaphore, #tpu.memory_space<semaphore_mem>>) src(%arg8 : memref<128x16xf32, #tpu.memory_space<vmem>>) dst(%dma_wait3A_71 : memref<40976x16xf32, #tpu.memory_space<vmem_shared>>)
        tpu.yield
      }) : () -> ()
      %run_scoped3A_26 = arith.constant 3 : i32
      "tpu.region"() ({
        %run_scoped3A_59 = tpu.sem_alloc : memref<!tpu.dma_semaphore, #tpu.memory_space<semaphore_mem>>
        %dma_start3A_60 = arith.constant 0 : i32
        %dma_start3A_61 = tpu.memref_slice %arg6[%run_scoped3A_26, %dma_start3A_60] : memref<8x128xi32, #tpu.memory_space<vmem>> -> memref<1x128xi32, #tpu.memory_space<vmem>>
        %dma_start3A_62 = tpu.memref_squeeze %dma_start3A_61 : memref<1x128xi32, #tpu.memory_space<vmem>> -> memref<128xi32, #tpu.memory_space<vmem>>
        %dma_start3A_63 = arith.constant 0 : i32
        %dma_start3A_64 = arith.constant 0 : i32
        %dma_start3A_65 = tpu.memref_slice %arg9[%dma_start3A_63, %dma_start3A_64] : memref<40976x16xf32, #tpu.memory_space<vmem_shared>> -> memref<40976x16xf32, #tpu.memory_space<vmem_shared>>
        tpu.enqueue_indirect_dma source(%arg8 : memref<128x16xf32, #tpu.memory_space<vmem>>) target(%dma_start3A_65 : memref<40976x16xf32, #tpu.memory_space<vmem_shared>>) offsets(%dma_start3A_62 : memref<128xi32, #tpu.memory_space<vmem>>) semaphore(%run_scoped3A_59 : memref<!tpu.dma_semaphore, #tpu.memory_space<semaphore_mem>>) {add = true}
        %dma_wait3A_66 = arith.constant 0 : i32
        %dma_wait3A_67 = tpu.memref_slice %arg6[%run_scoped3A_26, %dma_wait3A_66] : memref<8x128xi32, #tpu.memory_space<vmem>> -> memref<1x128xi32, #tpu.memory_space<vmem>>
        %dma_wait3A_68 = tpu.memref_squeeze %dma_wait3A_67 : memref<1x128xi32, #tpu.memory_space<vmem>> -> memref<128xi32, #tpu.memory_space<vmem>>
        %dma_wait3A_69 = arith.constant 0 : i32
        %dma_wait3A_70 = arith.constant 0 : i32
        %dma_wait3A_71 = tpu.memref_slice %arg9[%dma_wait3A_69, %dma_wait3A_70] : memref<40976x16xf32, #tpu.memory_space<vmem_shared>> -> memref<40976x16xf32, #tpu.memory_space<vmem_shared>>
        tpu.wait_indirect_dma semaphore(%run_scoped3A_59 : memref<!tpu.dma_semaphore, #tpu.memory_space<semaphore_mem>>) src(%arg8 : memref<128x16xf32, #tpu.memory_space<vmem>>) dst(%dma_wait3A_71 : memref<40976x16xf32, #tpu.memory_space<vmem_shared>>)
        tpu.yield
      }) : () -> ()
      %run_scoped3A_27 = arith.constant 4 : i32
      "tpu.region"() ({
        %run_scoped3A_59 = tpu.sem_alloc : memref<!tpu.dma_semaphore, #tpu.memory_space<semaphore_mem>>
        %dma_start3A_60 = arith.constant 0 : i32
        %dma_start3A_61 = tpu.memref_slice %arg6[%run_scoped3A_27, %dma_start3A_60] : memref<8x128xi32, #tpu.memory_space<vmem>> -> memref<1x128xi32, #tpu.memory_space<vmem>>
        %dma_start3A_62 = tpu.memref_squeeze %dma_start3A_61 : memref<1x128xi32, #tpu.memory_space<vmem>> -> memref<128xi32, #tpu.memory_space<vmem>>
        %dma_start3A_63 = arith.constant 0 : i32
        %dma_start3A_64 = arith.constant 0 : i32
        %dma_start3A_65 = tpu.memref_slice %arg9[%dma_start3A_63, %dma_start3A_64] : memref<40976x16xf32, #tpu.memory_space<vmem_shared>> -> memref<40976x16xf32, #tpu.memory_space<vmem_shared>>
        tpu.enqueue_indirect_dma source(%arg8 : memref<128x16xf32, #tpu.memory_space<vmem>>) target(%dma_start3A_65 : memref<40976x16xf32, #tpu.memory_space<vmem_shared>>) offsets(%dma_start3A_62 : memref<128xi32, #tpu.memory_space<vmem>>) semaphore(%run_scoped3A_59 : memref<!tpu.dma_semaphore, #tpu.memory_space<semaphore_mem>>) {add = true}
        %dma_wait3A_66 = arith.constant 0 : i32
        %dma_wait3A_67 = tpu.memref_slice %arg6[%run_scoped3A_27, %dma_wait3A_66] : memref<8x128xi32, #tpu.memory_space<vmem>> -> memref<1x128xi32, #tpu.memory_space<vmem>>
        %dma_wait3A_68 = tpu.memref_squeeze %dma_wait3A_67 : memref<1x128xi32, #tpu.memory_space<vmem>> -> memref<128xi32, #tpu.memory_space<vmem>>
        %dma_wait3A_69 = arith.constant 0 : i32
        %dma_wait3A_70 = arith.constant 0 : i32
        %dma_wait3A_71 = tpu.memref_slice %arg9[%dma_wait3A_69, %dma_wait3A_70] : memref<40976x16xf32, #tpu.memory_space<vmem_shared>> -> memref<40976x16xf32, #tpu.memory_space<vmem_shared>>
        tpu.wait_indirect_dma semaphore(%run_scoped3A_59 : memref<!tpu.dma_semaphore, #tpu.memory_space<semaphore_mem>>) src(%arg8 : memref<128x16xf32, #tpu.memory_space<vmem>>) dst(%dma_wait3A_71 : memref<40976x16xf32, #tpu.memory_space<vmem_shared>>)
        tpu.yield
      }) : () -> ()
      %run_scoped3A_28 = arith.constant 5 : i32
      "tpu.region"() ({
        %run_scoped3A_59 = tpu.sem_alloc : memref<!tpu.dma_semaphore, #tpu.memory_space<semaphore_mem>>
        %dma_start3A_60 = arith.constant 0 : i32
        %dma_start3A_61 = tpu.memref_slice %arg6[%run_scoped3A_28, %dma_start3A_60] : memref<8x128xi32, #tpu.memory_space<vmem>> -> memref<1x128xi32, #tpu.memory_space<vmem>>
        %dma_start3A_62 = tpu.memref_squeeze %dma_start3A_61 : memref<1x128xi32, #tpu.memory_space<vmem>> -> memref<128xi32, #tpu.memory_space<vmem>>
        %dma_start3A_63 = arith.constant 0 : i32
        %dma_start3A_64 = arith.constant 0 : i32
        %dma_start3A_65 = tpu.memref_slice %arg9[%dma_start3A_63, %dma_start3A_64] : memref<40976x16xf32, #tpu.memory_space<vmem_shared>> -> memref<40976x16xf32, #tpu.memory_space<vmem_shared>>
        tpu.enqueue_indirect_dma source(%arg8 : memref<128x16xf32, #tpu.memory_space<vmem>>) target(%dma_start3A_65 : memref<40976x16xf32, #tpu.memory_space<vmem_shared>>) offsets(%dma_start3A_62 : memref<128xi32, #tpu.memory_space<vmem>>) semaphore(%run_scoped3A_59 : memref<!tpu.dma_semaphore, #tpu.memory_space<semaphore_mem>>) {add = true}
        %dma_wait3A_66 = arith.constant 0 : i32
        %dma_wait3A_67 = tpu.memref_slice %arg6[%run_scoped3A_28, %dma_wait3A_66] : memref<8x128xi32, #tpu.memory_space<vmem>> -> memref<1x128xi32, #tpu.memory_space<vmem>>
        %dma_wait3A_68 = tpu.memref_squeeze %dma_wait3A_67 : memref<1x128xi32, #tpu.memory_space<vmem>> -> memref<128xi32, #tpu.memory_space<vmem>>
        %dma_wait3A_69 = arith.constant 0 : i32
        %dma_wait3A_70 = arith.constant 0 : i32
        %dma_wait3A_71 = tpu.memref_slice %arg9[%dma_wait3A_69, %dma_wait3A_70] : memref<40976x16xf32, #tpu.memory_space<vmem_shared>> -> memref<40976x16xf32, #tpu.memory_space<vmem_shared>>
        tpu.wait_indirect_dma semaphore(%run_scoped3A_59 : memref<!tpu.dma_semaphore, #tpu.memory_space<semaphore_mem>>) src(%arg8 : memref<128x16xf32, #tpu.memory_space<vmem>>) dst(%dma_wait3A_71 : memref<40976x16xf32, #tpu.memory_space<vmem_shared>>)
        tpu.yield
      }) : () -> ()
      %run_scoped3A_29 = arith.constant 6 : i32
      "tpu.region"() ({
        %run_scoped3A_59 = tpu.sem_alloc : memref<!tpu.dma_semaphore, #tpu.memory_space<semaphore_mem>>
        %dma_start3A_60 = arith.constant 0 : i32
        %dma_start3A_61 = tpu.memref_slice %arg6[%run_scoped3A_29, %dma_start3A_60] : memref<8x128xi32, #tpu.memory_space<vmem>> -> memref<1x128xi32, #tpu.memory_space<vmem>>
        %dma_start3A_62 = tpu.memref_squeeze %dma_start3A_61 : memref<1x128xi32, #tpu.memory_space<vmem>> -> memref<128xi32, #tpu.memory_space<vmem>>
        %dma_start3A_63 = arith.constant 0 : i32
        %dma_start3A_64 = arith.constant 0 : i32
        %dma_start3A_65 = tpu.memref_slice %arg9[%dma_start3A_63, %dma_start3A_64] : memref<40976x16xf32, #tpu.memory_space<vmem_shared>> -> memref<40976x16xf32, #tpu.memory_space<vmem_shared>>
        tpu.enqueue_indirect_dma source(%arg8 : memref<128x16xf32, #tpu.memory_space<vmem>>) target(%dma_start3A_65 : memref<40976x16xf32, #tpu.memory_space<vmem_shared>>) offsets(%dma_start3A_62 : memref<128xi32, #tpu.memory_space<vmem>>) semaphore(%run_scoped3A_59 : memref<!tpu.dma_semaphore, #tpu.memory_space<semaphore_mem>>) {add = true}
        %dma_wait3A_66 = arith.constant 0 : i32
        %dma_wait3A_67 = tpu.memref_slice %arg6[%run_scoped3A_29, %dma_wait3A_66] : memref<8x128xi32, #tpu.memory_space<vmem>> -> memref<1x128xi32, #tpu.memory_space<vmem>>
        %dma_wait3A_68 = tpu.memref_squeeze %dma_wait3A_67 : memref<1x128xi32, #tpu.memory_space<vmem>> -> memref<128xi32, #tpu.memory_space<vmem>>
        %dma_wait3A_69 = arith.constant 0 : i32
        %dma_wait3A_70 = arith.constant 0 : i32
        %dma_wait3A_71 = tpu.memref_slice %arg9[%dma_wait3A_69, %dma_wait3A_70] : memref<40976x16xf32, #tpu.memory_space<vmem_shared>> -> memref<40976x16xf32, #tpu.memory_space<vmem_shared>>
        tpu.wait_indirect_dma semaphore(%run_scoped3A_59 : memref<!tpu.dma_semaphore, #tpu.memory_space<semaphore_mem>>) src(%arg8 : memref<128x16xf32, #tpu.memory_space<vmem>>) dst(%dma_wait3A_71 : memref<40976x16xf32, #tpu.memory_space<vmem_shared>>)
        tpu.yield
      }) : () -> ()
      %run_scoped3A_30 = arith.constant 7 : i32
      "tpu.region"() ({
        %run_scoped3A_59 = tpu.sem_alloc : memref<!tpu.dma_semaphore, #tpu.memory_space<semaphore_mem>>
        %dma_start3A_60 = arith.constant 0 : i32
        %dma_start3A_61 = tpu.memref_slice %arg6[%run_scoped3A_30, %dma_start3A_60] : memref<8x128xi32, #tpu.memory_space<vmem>> -> memref<1x128xi32, #tpu.memory_space<vmem>>
        %dma_start3A_62 = tpu.memref_squeeze %dma_start3A_61 : memref<1x128xi32, #tpu.memory_space<vmem>> -> memref<128xi32, #tpu.memory_space<vmem>>
        %dma_start3A_63 = arith.constant 0 : i32
        %dma_start3A_64 = arith.constant 0 : i32
        %dma_start3A_65 = tpu.memref_slice %arg9[%dma_start3A_63, %dma_start3A_64] : memref<40976x16xf32, #tpu.memory_space<vmem_shared>> -> memref<40976x16xf32, #tpu.memory_space<vmem_shared>>
        tpu.enqueue_indirect_dma source(%arg8 : memref<128x16xf32, #tpu.memory_space<vmem>>) target(%dma_start3A_65 : memref<40976x16xf32, #tpu.memory_space<vmem_shared>>) offsets(%dma_start3A_62 : memref<128xi32, #tpu.memory_space<vmem>>) semaphore(%run_scoped3A_59 : memref<!tpu.dma_semaphore, #tpu.memory_space<semaphore_mem>>) {add = true}
        %dma_wait3A_66 = arith.constant 0 : i32
        %dma_wait3A_67 = tpu.memref_slice %arg6[%run_scoped3A_30, %dma_wait3A_66] : memref<8x128xi32, #tpu.memory_space<vmem>> -> memref<1x128xi32, #tpu.memory_space<vmem>>
        %dma_wait3A_68 = tpu.memref_squeeze %dma_wait3A_67 : memref<1x128xi32, #tpu.memory_space<vmem>> -> memref<128xi32, #tpu.memory_space<vmem>>
        %dma_wait3A_69 = arith.constant 0 : i32
        %dma_wait3A_70 = arith.constant 0 : i32
        %dma_wait3A_71 = tpu.memref_slice %arg9[%dma_wait3A_69, %dma_wait3A_70] : memref<40976x16xf32, #tpu.memory_space<vmem_shared>> -> memref<40976x16xf32, #tpu.memory_space<vmem_shared>>
        tpu.wait_indirect_dma semaphore(%run_scoped3A_59 : memref<!tpu.dma_semaphore, #tpu.memory_space<semaphore_mem>>) src(%arg8 : memref<128x16xf32, #tpu.memory_space<vmem>>) dst(%dma_wait3A_71 : memref<40976x16xf32, #tpu.memory_space<vmem_shared>>)
        tpu.yield
      }) : () -> ()
      %not3A = arith.constant true
      %not3A_31 = arith.xori %ge3A_22, %not3A : i1
      %convert_element_type3A = arith.extui %not3A_31 : i1 to i32
      %cond3A = arith.constant 0 : i32
      %cond3A_32 = arith.cmpi ne, %convert_element_type3A, %cond3A : i32
      scf.if %cond3A_32 {
        %mul3A_59 = arith.constant 2 : i32
        %mul3A_60 = arith.muli %mul3A_59, %scan3A_21 : i32
        %add3A_61 = arith.constant 2 : i32
        %add3A_62 = arith.addi %mul3A_60, %add3A_61 : i32
        %dma_start3A_63 = arith.constant 0 : i32
        %dma_start3A_64 = arith.constant 0 : i32
        %dma_start3A_65 = tpu.memref_slice %arg2[%add3A, %add3A_62, %dma_start3A_63, %dma_start3A_64] : memref<32x10x8x128xi32, #tpu.memory_space<hbm>> -> memref<1x1x8x128xi32, #tpu.memory_space<hbm>>
        %dma_start3A_66 = tpu.memref_squeeze %dma_start3A_65 : memref<1x1x8x128xi32, #tpu.memory_space<hbm>> -> memref<8x128xi32, #tpu.memory_space<hbm>>
        %dma_start3A_67 = arith.constant 0 : i32
        %dma_start3A_68 = arith.constant 0 : i32
        %dma_start3A_69 = tpu.memref_slice %arg2[%add3A, %add3A_62, %dma_start3A_67, %dma_start3A_68] : memref<32x10x8x128xi32, #tpu.memory_space<hbm>> -> memref<1x1x8x128xi32, #tpu.memory_space<hbm>>
        %dma_start3A_70 = tpu.memref_squeeze %dma_start3A_69 : memref<1x1x8x128xi32, #tpu.memory_space<hbm>> -> memref<8x128xi32, #tpu.memory_space<hbm>>
        tpu.enqueue_dma source(%dma_start3A_70 : memref<8x128xi32, #tpu.memory_space<hbm>>) target(%arg6 : memref<8x128xi32, #tpu.memory_space<vmem>>) target_semaphore(%arg10 : memref<!tpu.dma_semaphore, #tpu.memory_space<semaphore_mem>>)
      } else {
      }
      %dma_wait3A = arith.constant 0 : i32
      %dma_wait3A_33 = arith.constant 0 : i32
      %dma_wait3A_34 = arith.constant 0 : i32
      %dma_wait3A_35 = tpu.memref_slice %arg2[%add3A, %dma_wait3A, %dma_wait3A_33, %dma_wait3A_34] : memref<32x10x8x128xi32, #tpu.memory_space<hbm>> -> memref<1x1x8x128xi32, #tpu.memory_space<hbm>>
      %dma_wait3A_36 = tpu.memref_squeeze %dma_wait3A_35 : memref<1x1x8x128xi32, #tpu.memory_space<hbm>> -> memref<8x128xi32, #tpu.memory_space<hbm>>
      %dma_wait3A_37 = arith.constant 0 : i32
      %dma_wait3A_38 = arith.constant 0 : i32
      %dma_wait3A_39 = tpu.memref_slice %arg2[%add3A, %dma_wait3A, %dma_wait3A_37, %dma_wait3A_38] : memref<32x10x8x128xi32, #tpu.memory_space<hbm>> -> memref<1x1x8x128xi32, #tpu.memory_space<hbm>>
      %dma_wait3A_40 = tpu.memref_squeeze %dma_wait3A_39 : memref<1x1x8x128xi32, #tpu.memory_space<hbm>> -> memref<8x128xi32, #tpu.memory_space<hbm>>
      tpu.wait_dma2 semaphore(%arg11 : memref<!tpu.dma_semaphore, #tpu.memory_space<semaphore_mem>>) src(%dma_wait3A_40 : memref<8x128xi32, #tpu.memory_space<hbm>>) dst(%arg7 : memref<8x128xi32, #tpu.memory_space<vmem>>)
      %run_scoped3A_41 = arith.constant 0 : i32
      "tpu.region"() ({
        %run_scoped3A_59 = tpu.sem_alloc : memref<!tpu.dma_semaphore, #tpu.memory_space<semaphore_mem>>
        %dma_start3A_60 = arith.constant 0 : i32
        %dma_start3A_61 = tpu.memref_slice %arg7[%run_scoped3A_41, %dma_start3A_60] : memref<8x128xi32, #tpu.memory_space<vmem>> -> memref<1x128xi32, #tpu.memory_space<vmem>>
        %dma_start3A_62 = tpu.memref_squeeze %dma_start3A_61 : memref<1x128xi32, #tpu.memory_space<vmem>> -> memref<128xi32, #tpu.memory_space<vmem>>
        %dma_start3A_63 = arith.constant 0 : i32
        %dma_start3A_64 = arith.constant 0 : i32
        %dma_start3A_65 = tpu.memref_slice %arg9[%dma_start3A_63, %dma_start3A_64] : memref<40976x16xf32, #tpu.memory_space<vmem_shared>> -> memref<40976x16xf32, #tpu.memory_space<vmem_shared>>
        tpu.enqueue_indirect_dma source(%arg8 : memref<128x16xf32, #tpu.memory_space<vmem>>) target(%dma_start3A_65 : memref<40976x16xf32, #tpu.memory_space<vmem_shared>>) offsets(%dma_start3A_62 : memref<128xi32, #tpu.memory_space<vmem>>) semaphore(%run_scoped3A_59 : memref<!tpu.dma_semaphore, #tpu.memory_space<semaphore_mem>>) {add = true}
        %dma_wait3A_66 = arith.constant 0 : i32
        %dma_wait3A_67 = tpu.memref_slice %arg7[%run_scoped3A_41, %dma_wait3A_66] : memref<8x128xi32, #tpu.memory_space<vmem>> -> memref<1x128xi32, #tpu.memory_space<vmem>>
        %dma_wait3A_68 = tpu.memref_squeeze %dma_wait3A_67 : memref<1x128xi32, #tpu.memory_space<vmem>> -> memref<128xi32, #tpu.memory_space<vmem>>
        %dma_wait3A_69 = arith.constant 0 : i32
        %dma_wait3A_70 = arith.constant 0 : i32
        %dma_wait3A_71 = tpu.memref_slice %arg9[%dma_wait3A_69, %dma_wait3A_70] : memref<40976x16xf32, #tpu.memory_space<vmem_shared>> -> memref<40976x16xf32, #tpu.memory_space<vmem_shared>>
        tpu.wait_indirect_dma semaphore(%run_scoped3A_59 : memref<!tpu.dma_semaphore, #tpu.memory_space<semaphore_mem>>) src(%arg8 : memref<128x16xf32, #tpu.memory_space<vmem>>) dst(%dma_wait3A_71 : memref<40976x16xf32, #tpu.memory_space<vmem_shared>>)
        tpu.yield
      }) : () -> ()
      %run_scoped3A_42 = arith.constant 1 : i32
      "tpu.region"() ({
        %run_scoped3A_59 = tpu.sem_alloc : memref<!tpu.dma_semaphore, #tpu.memory_space<semaphore_mem>>
        %dma_start3A_60 = arith.constant 0 : i32
        %dma_start3A_61 = tpu.memref_slice %arg7[%run_scoped3A_42, %dma_start3A_60] : memref<8x128xi32, #tpu.memory_space<vmem>> -> memref<1x128xi32, #tpu.memory_space<vmem>>
        %dma_start3A_62 = tpu.memref_squeeze %dma_start3A_61 : memref<1x128xi32, #tpu.memory_space<vmem>> -> memref<128xi32, #tpu.memory_space<vmem>>
        %dma_start3A_63 = arith.constant 0 : i32
        %dma_start3A_64 = arith.constant 0 : i32
        %dma_start3A_65 = tpu.memref_slice %arg9[%dma_start3A_63, %dma_start3A_64] : memref<40976x16xf32, #tpu.memory_space<vmem_shared>> -> memref<40976x16xf32, #tpu.memory_space<vmem_shared>>
        tpu.enqueue_indirect_dma source(%arg8 : memref<128x16xf32, #tpu.memory_space<vmem>>) target(%dma_start3A_65 : memref<40976x16xf32, #tpu.memory_space<vmem_shared>>) offsets(%dma_start3A_62 : memref<128xi32, #tpu.memory_space<vmem>>) semaphore(%run_scoped3A_59 : memref<!tpu.dma_semaphore, #tpu.memory_space<semaphore_mem>>) {add = true}
        %dma_wait3A_66 = arith.constant 0 : i32
        %dma_wait3A_67 = tpu.memref_slice %arg7[%run_scoped3A_42, %dma_wait3A_66] : memref<8x128xi32, #tpu.memory_space<vmem>> -> memref<1x128xi32, #tpu.memory_space<vmem>>
        %dma_wait3A_68 = tpu.memref_squeeze %dma_wait3A_67 : memref<1x128xi32, #tpu.memory_space<vmem>> -> memref<128xi32, #tpu.memory_space<vmem>>
        %dma_wait3A_69 = arith.constant 0 : i32
        %dma_wait3A_70 = arith.constant 0 : i32
        %dma_wait3A_71 = tpu.memref_slice %arg9[%dma_wait3A_69, %dma_wait3A_70] : memref<40976x16xf32, #tpu.memory_space<vmem_shared>> -> memref<40976x16xf32, #tpu.memory_space<vmem_shared>>
        tpu.wait_indirect_dma semaphore(%run_scoped3A_59 : memref<!tpu.dma_semaphore, #tpu.memory_space<semaphore_mem>>) src(%arg8 : memref<128x16xf32, #tpu.memory_space<vmem>>) dst(%dma_wait3A_71 : memref<40976x16xf32, #tpu.memory_space<vmem_shared>>)
        tpu.yield
      }) : () -> ()
      %run_scoped3A_43 = arith.constant 2 : i32
      "tpu.region"() ({
        %run_scoped3A_59 = tpu.sem_alloc : memref<!tpu.dma_semaphore, #tpu.memory_space<semaphore_mem>>
        %dma_start3A_60 = arith.constant 0 : i32
        %dma_start3A_61 = tpu.memref_slice %arg7[%run_scoped3A_43, %dma_start3A_60] : memref<8x128xi32, #tpu.memory_space<vmem>> -> memref<1x128xi32, #tpu.memory_space<vmem>>
        %dma_start3A_62 = tpu.memref_squeeze %dma_start3A_61 : memref<1x128xi32, #tpu.memory_space<vmem>> -> memref<128xi32, #tpu.memory_space<vmem>>
        %dma_start3A_63 = arith.constant 0 : i32
        %dma_start3A_64 = arith.constant 0 : i32
        %dma_start3A_65 = tpu.memref_slice %arg9[%dma_start3A_63, %dma_start3A_64] : memref<40976x16xf32, #tpu.memory_space<vmem_shared>> -> memref<40976x16xf32, #tpu.memory_space<vmem_shared>>
        tpu.enqueue_indirect_dma source(%arg8 : memref<128x16xf32, #tpu.memory_space<vmem>>) target(%dma_start3A_65 : memref<40976x16xf32, #tpu.memory_space<vmem_shared>>) offsets(%dma_start3A_62 : memref<128xi32, #tpu.memory_space<vmem>>) semaphore(%run_scoped3A_59 : memref<!tpu.dma_semaphore, #tpu.memory_space<semaphore_mem>>) {add = true}
        %dma_wait3A_66 = arith.constant 0 : i32
        %dma_wait3A_67 = tpu.memref_slice %arg7[%run_scoped3A_43, %dma_wait3A_66] : memref<8x128xi32, #tpu.memory_space<vmem>> -> memref<1x128xi32, #tpu.memory_space<vmem>>
        %dma_wait3A_68 = tpu.memref_squeeze %dma_wait3A_67 : memref<1x128xi32, #tpu.memory_space<vmem>> -> memref<128xi32, #tpu.memory_space<vmem>>
        %dma_wait3A_69 = arith.constant 0 : i32
        %dma_wait3A_70 = arith.constant 0 : i32
        %dma_wait3A_71 = tpu.memref_slice %arg9[%dma_wait3A_69, %dma_wait3A_70] : memref<40976x16xf32, #tpu.memory_space<vmem_shared>> -> memref<40976x16xf32, #tpu.memory_space<vmem_shared>>
        tpu.wait_indirect_dma semaphore(%run_scoped3A_59 : memref<!tpu.dma_semaphore, #tpu.memory_space<semaphore_mem>>) src(%arg8 : memref<128x16xf32, #tpu.memory_space<vmem>>) dst(%dma_wait3A_71 : memref<40976x16xf32, #tpu.memory_space<vmem_shared>>)
        tpu.yield
      }) : () -> ()
      %run_scoped3A_44 = arith.constant 3 : i32
      "tpu.region"() ({
        %run_scoped3A_59 = tpu.sem_alloc : memref<!tpu.dma_semaphore, #tpu.memory_space<semaphore_mem>>
        %dma_start3A_60 = arith.constant 0 : i32
        %dma_start3A_61 = tpu.memref_slice %arg7[%run_scoped3A_44, %dma_start3A_60] : memref<8x128xi32, #tpu.memory_space<vmem>> -> memref<1x128xi32, #tpu.memory_space<vmem>>
        %dma_start3A_62 = tpu.memref_squeeze %dma_start3A_61 : memref<1x128xi32, #tpu.memory_space<vmem>> -> memref<128xi32, #tpu.memory_space<vmem>>
        %dma_start3A_63 = arith.constant 0 : i32
        %dma_start3A_64 = arith.constant 0 : i32
        %dma_start3A_65 = tpu.memref_slice %arg9[%dma_start3A_63, %dma_start3A_64] : memref<40976x16xf32, #tpu.memory_space<vmem_shared>> -> memref<40976x16xf32, #tpu.memory_space<vmem_shared>>
        tpu.enqueue_indirect_dma source(%arg8 : memref<128x16xf32, #tpu.memory_space<vmem>>) target(%dma_start3A_65 : memref<40976x16xf32, #tpu.memory_space<vmem_shared>>) offsets(%dma_start3A_62 : memref<128xi32, #tpu.memory_space<vmem>>) semaphore(%run_scoped3A_59 : memref<!tpu.dma_semaphore, #tpu.memory_space<semaphore_mem>>) {add = true}
        %dma_wait3A_66 = arith.constant 0 : i32
        %dma_wait3A_67 = tpu.memref_slice %arg7[%run_scoped3A_44, %dma_wait3A_66] : memref<8x128xi32, #tpu.memory_space<vmem>> -> memref<1x128xi32, #tpu.memory_space<vmem>>
        %dma_wait3A_68 = tpu.memref_squeeze %dma_wait3A_67 : memref<1x128xi32, #tpu.memory_space<vmem>> -> memref<128xi32, #tpu.memory_space<vmem>>
        %dma_wait3A_69 = arith.constant 0 : i32
        %dma_wait3A_70 = arith.constant 0 : i32
        %dma_wait3A_71 = tpu.memref_slice %arg9[%dma_wait3A_69, %dma_wait3A_70] : memref<40976x16xf32, #tpu.memory_space<vmem_shared>> -> memref<40976x16xf32, #tpu.memory_space<vmem_shared>>
        tpu.wait_indirect_dma semaphore(%run_scoped3A_59 : memref<!tpu.dma_semaphore, #tpu.memory_space<semaphore_mem>>) src(%arg8 : memref<128x16xf32, #tpu.memory_space<vmem>>) dst(%dma_wait3A_71 : memref<40976x16xf32, #tpu.memory_space<vmem_shared>>)
        tpu.yield
      }) : () -> ()
      %run_scoped3A_45 = arith.constant 4 : i32
      "tpu.region"() ({
        %run_scoped3A_59 = tpu.sem_alloc : memref<!tpu.dma_semaphore, #tpu.memory_space<semaphore_mem>>
        %dma_start3A_60 = arith.constant 0 : i32
        %dma_start3A_61 = tpu.memref_slice %arg7[%run_scoped3A_45, %dma_start3A_60] : memref<8x128xi32, #tpu.memory_space<vmem>> -> memref<1x128xi32, #tpu.memory_space<vmem>>
        %dma_start3A_62 = tpu.memref_squeeze %dma_start3A_61 : memref<1x128xi32, #tpu.memory_space<vmem>> -> memref<128xi32, #tpu.memory_space<vmem>>
        %dma_start3A_63 = arith.constant 0 : i32
        %dma_start3A_64 = arith.constant 0 : i32
        %dma_start3A_65 = tpu.memref_slice %arg9[%dma_start3A_63, %dma_start3A_64] : memref<40976x16xf32, #tpu.memory_space<vmem_shared>> -> memref<40976x16xf32, #tpu.memory_space<vmem_shared>>
        tpu.enqueue_indirect_dma source(%arg8 : memref<128x16xf32, #tpu.memory_space<vmem>>) target(%dma_start3A_65 : memref<40976x16xf32, #tpu.memory_space<vmem_shared>>) offsets(%dma_start3A_62 : memref<128xi32, #tpu.memory_space<vmem>>) semaphore(%run_scoped3A_59 : memref<!tpu.dma_semaphore, #tpu.memory_space<semaphore_mem>>) {add = true}
        %dma_wait3A_66 = arith.constant 0 : i32
        %dma_wait3A_67 = tpu.memref_slice %arg7[%run_scoped3A_45, %dma_wait3A_66] : memref<8x128xi32, #tpu.memory_space<vmem>> -> memref<1x128xi32, #tpu.memory_space<vmem>>
        %dma_wait3A_68 = tpu.memref_squeeze %dma_wait3A_67 : memref<1x128xi32, #tpu.memory_space<vmem>> -> memref<128xi32, #tpu.memory_space<vmem>>
        %dma_wait3A_69 = arith.constant 0 : i32
        %dma_wait3A_70 = arith.constant 0 : i32
        %dma_wait3A_71 = tpu.memref_slice %arg9[%dma_wait3A_69, %dma_wait3A_70] : memref<40976x16xf32, #tpu.memory_space<vmem_shared>> -> memref<40976x16xf32, #tpu.memory_space<vmem_shared>>
        tpu.wait_indirect_dma semaphore(%run_scoped3A_59 : memref<!tpu.dma_semaphore, #tpu.memory_space<semaphore_mem>>) src(%arg8 : memref<128x16xf32, #tpu.memory_space<vmem>>) dst(%dma_wait3A_71 : memref<40976x16xf32, #tpu.memory_space<vmem_shared>>)
        tpu.yield
      }) : () -> ()
      %run_scoped3A_46 = arith.constant 5 : i32
      "tpu.region"() ({
        %run_scoped3A_59 = tpu.sem_alloc : memref<!tpu.dma_semaphore, #tpu.memory_space<semaphore_mem>>
        %dma_start3A_60 = arith.constant 0 : i32
        %dma_start3A_61 = tpu.memref_slice %arg7[%run_scoped3A_46, %dma_start3A_60] : memref<8x128xi32, #tpu.memory_space<vmem>> -> memref<1x128xi32, #tpu.memory_space<vmem>>
        %dma_start3A_62 = tpu.memref_squeeze %dma_start3A_61 : memref<1x128xi32, #tpu.memory_space<vmem>> -> memref<128xi32, #tpu.memory_space<vmem>>
        %dma_start3A_63 = arith.constant 0 : i32
        %dma_start3A_64 = arith.constant 0 : i32
        %dma_start3A_65 = tpu.memref_slice %arg9[%dma_start3A_63, %dma_start3A_64] : memref<40976x16xf32, #tpu.memory_space<vmem_shared>> -> memref<40976x16xf32, #tpu.memory_space<vmem_shared>>
        tpu.enqueue_indirect_dma source(%arg8 : memref<128x16xf32, #tpu.memory_space<vmem>>) target(%dma_start3A_65 : memref<40976x16xf32, #tpu.memory_space<vmem_shared>>) offsets(%dma_start3A_62 : memref<128xi32, #tpu.memory_space<vmem>>) semaphore(%run_scoped3A_59 : memref<!tpu.dma_semaphore, #tpu.memory_space<semaphore_mem>>) {add = true}
        %dma_wait3A_66 = arith.constant 0 : i32
        %dma_wait3A_67 = tpu.memref_slice %arg7[%run_scoped3A_46, %dma_wait3A_66] : memref<8x128xi32, #tpu.memory_space<vmem>> -> memref<1x128xi32, #tpu.memory_space<vmem>>
        %dma_wait3A_68 = tpu.memref_squeeze %dma_wait3A_67 : memref<1x128xi32, #tpu.memory_space<vmem>> -> memref<128xi32, #tpu.memory_space<vmem>>
        %dma_wait3A_69 = arith.constant 0 : i32
        %dma_wait3A_70 = arith.constant 0 : i32
        %dma_wait3A_71 = tpu.memref_slice %arg9[%dma_wait3A_69, %dma_wait3A_70] : memref<40976x16xf32, #tpu.memory_space<vmem_shared>> -> memref<40976x16xf32, #tpu.memory_space<vmem_shared>>
        tpu.wait_indirect_dma semaphore(%run_scoped3A_59 : memref<!tpu.dma_semaphore, #tpu.memory_space<semaphore_mem>>) src(%arg8 : memref<128x16xf32, #tpu.memory_space<vmem>>) dst(%dma_wait3A_71 : memref<40976x16xf32, #tpu.memory_space<vmem_shared>>)
        tpu.yield
      }) : () -> ()
      %run_scoped3A_47 = arith.constant 6 : i32
      "tpu.region"() ({
        %run_scoped3A_59 = tpu.sem_alloc : memref<!tpu.dma_semaphore, #tpu.memory_space<semaphore_mem>>
        %dma_start3A_60 = arith.constant 0 : i32
        %dma_start3A_61 = tpu.memref_slice %arg7[%run_scoped3A_47, %dma_start3A_60] : memref<8x128xi32, #tpu.memory_space<vmem>> -> memref<1x128xi32, #tpu.memory_space<vmem>>
        %dma_start3A_62 = tpu.memref_squeeze %dma_start3A_61 : memref<1x128xi32, #tpu.memory_space<vmem>> -> memref<128xi32, #tpu.memory_space<vmem>>
        %dma_start3A_63 = arith.constant 0 : i32
        %dma_start3A_64 = arith.constant 0 : i32
        %dma_start3A_65 = tpu.memref_slice %arg9[%dma_start3A_63, %dma_start3A_64] : memref<40976x16xf32, #tpu.memory_space<vmem_shared>> -> memref<40976x16xf32, #tpu.memory_space<vmem_shared>>
        tpu.enqueue_indirect_dma source(%arg8 : memref<128x16xf32, #tpu.memory_space<vmem>>) target(%dma_start3A_65 : memref<40976x16xf32, #tpu.memory_space<vmem_shared>>) offsets(%dma_start3A_62 : memref<128xi32, #tpu.memory_space<vmem>>) semaphore(%run_scoped3A_59 : memref<!tpu.dma_semaphore, #tpu.memory_space<semaphore_mem>>) {add = true}
        %dma_wait3A_66 = arith.constant 0 : i32
        %dma_wait3A_67 = tpu.memref_slice %arg7[%run_scoped3A_47, %dma_wait3A_66] : memref<8x128xi32, #tpu.memory_space<vmem>> -> memref<1x128xi32, #tpu.memory_space<vmem>>
        %dma_wait3A_68 = tpu.memref_squeeze %dma_wait3A_67 : memref<1x128xi32, #tpu.memory_space<vmem>> -> memref<128xi32, #tpu.memory_space<vmem>>
        %dma_wait3A_69 = arith.constant 0 : i32
        %dma_wait3A_70 = arith.constant 0 : i32
        %dma_wait3A_71 = tpu.memref_slice %arg9[%dma_wait3A_69, %dma_wait3A_70] : memref<40976x16xf32, #tpu.memory_space<vmem_shared>> -> memref<40976x16xf32, #tpu.memory_space<vmem_shared>>
        tpu.wait_indirect_dma semaphore(%run_scoped3A_59 : memref<!tpu.dma_semaphore, #tpu.memory_space<semaphore_mem>>) src(%arg8 : memref<128x16xf32, #tpu.memory_space<vmem>>) dst(%dma_wait3A_71 : memref<40976x16xf32, #tpu.memory_space<vmem_shared>>)
        tpu.yield
      }) : () -> ()
      %run_scoped3A_48 = arith.constant 7 : i32
      "tpu.region"() ({
        %run_scoped3A_59 = tpu.sem_alloc : memref<!tpu.dma_semaphore, #tpu.memory_space<semaphore_mem>>
        %dma_start3A_60 = arith.constant 0 : i32
        %dma_start3A_61 = tpu.memref_slice %arg7[%run_scoped3A_48, %dma_start3A_60] : memref<8x128xi32, #tpu.memory_space<vmem>> -> memref<1x128xi32, #tpu.memory_space<vmem>>
        %dma_start3A_62 = tpu.memref_squeeze %dma_start3A_61 : memref<1x128xi32, #tpu.memory_space<vmem>> -> memref<128xi32, #tpu.memory_space<vmem>>
        %dma_start3A_63 = arith.constant 0 : i32
        %dma_start3A_64 = arith.constant 0 : i32
        %dma_start3A_65 = tpu.memref_slice %arg9[%dma_start3A_63, %dma_start3A_64] : memref<40976x16xf32, #tpu.memory_space<vmem_shared>> -> memref<40976x16xf32, #tpu.memory_space<vmem_shared>>
        tpu.enqueue_indirect_dma source(%arg8 : memref<128x16xf32, #tpu.memory_space<vmem>>) target(%dma_start3A_65 : memref<40976x16xf32, #tpu.memory_space<vmem_shared>>) offsets(%dma_start3A_62 : memref<128xi32, #tpu.memory_space<vmem>>) semaphore(%run_scoped3A_59 : memref<!tpu.dma_semaphore, #tpu.memory_space<semaphore_mem>>) {add = true}
        %dma_wait3A_66 = arith.constant 0 : i32
        %dma_wait3A_67 = tpu.memref_slice %arg7[%run_scoped3A_48, %dma_wait3A_66] : memref<8x128xi32, #tpu.memory_space<vmem>> -> memref<1x128xi32, #tpu.memory_space<vmem>>
        %dma_wait3A_68 = tpu.memref_squeeze %dma_wait3A_67 : memref<1x128xi32, #tpu.memory_space<vmem>> -> memref<128xi32, #tpu.memory_space<vmem>>
        %dma_wait3A_69 = arith.constant 0 : i32
        %dma_wait3A_70 = arith.constant 0 : i32
        %dma_wait3A_71 = tpu.memref_slice %arg9[%dma_wait3A_69, %dma_wait3A_70] : memref<40976x16xf32, #tpu.memory_space<vmem_shared>> -> memref<40976x16xf32, #tpu.memory_space<vmem_shared>>
        tpu.wait_indirect_dma semaphore(%run_scoped3A_59 : memref<!tpu.dma_semaphore, #tpu.memory_space<semaphore_mem>>) src(%arg8 : memref<128x16xf32, #tpu.memory_space<vmem>>) dst(%dma_wait3A_71 : memref<40976x16xf32, #tpu.memory_space<vmem_shared>>)
        tpu.yield
      }) : () -> ()
      %not3A_49 = arith.constant true
      %not3A_50 = arith.xori %ge3A_22, %not3A_49 : i1
      %convert_element_type3A_51 = arith.extui %not3A_50 : i1 to i32
      %cond3A_52 = arith.constant 0 : i32
      %cond3A_53 = arith.cmpi ne, %convert_element_type3A_51, %cond3A_52 : i32
      scf.if %cond3A_53 {
        %mul3A_59 = arith.constant 2 : i32
        %mul3A_60 = arith.muli %mul3A_59, %scan3A_21 : i32
        %add3A_61 = arith.constant 3 : i32
        %add3A_62 = arith.addi %mul3A_60, %add3A_61 : i32
        %dma_start3A_63 = arith.constant 0 : i32
        %dma_start3A_64 = arith.constant 0 : i32
        %dma_start3A_65 = tpu.memref_slice %arg2[%add3A, %add3A_62, %dma_start3A_63, %dma_start3A_64] : memref<32x10x8x128xi32, #tpu.memory_space<hbm>> -> memref<1x1x8x128xi32, #tpu.memory_space<hbm>>
        %dma_start3A_66 = tpu.memref_squeeze %dma_start3A_65 : memref<1x1x8x128xi32, #tpu.memory_space<hbm>> -> memref<8x128xi32, #tpu.memory_space<hbm>>
        %dma_start3A_67 = arith.constant 0 : i32
        %dma_start3A_68 = arith.constant 0 : i32
        %dma_start3A_69 = tpu.memref_slice %arg2[%add3A, %add3A_62, %dma_start3A_67, %dma_start3A_68] : memref<32x10x8x128xi32, #tpu.memory_space<hbm>> -> memref<1x1x8x128xi32, #tpu.memory_space<hbm>>
        %dma_start3A_70 = tpu.memref_squeeze %dma_start3A_69 : memref<1x1x8x128xi32, #tpu.memory_space<hbm>> -> memref<8x128xi32, #tpu.memory_space<hbm>>
        tpu.enqueue_dma source(%dma_start3A_70 : memref<8x128xi32, #tpu.memory_space<hbm>>) target(%arg7 : memref<8x128xi32, #tpu.memory_space<vmem>>) target_semaphore(%arg11 : memref<!tpu.dma_semaphore, #tpu.memory_space<semaphore_mem>>)
      } else {
      }
      %not3A_54 = arith.constant true
      %not3A_55 = arith.xori %ge3A_22, %not3A_54 : i1
      %convert_element_type3A_56 = arith.extui %not3A_55 : i1 to i32
      %cond3A_57 = arith.constant 0 : i32
      %cond3A_58 = arith.cmpi ne, %convert_element_type3A_56, %cond3A_57 : i32
      scf.if %cond3A_58 {
        %dma_wait3A_59 = arith.constant 0 : i32
        %dma_wait3A_60 = arith.constant 0 : i32
        %dma_wait3A_61 = arith.constant 0 : i32
        %dma_wait3A_62 = tpu.memref_slice %arg2[%add3A, %dma_wait3A_59, %dma_wait3A_60, %dma_wait3A_61] : memref<32x10x8x128xi32, #tpu.memory_space<hbm>> -> memref<1x1x8x128xi32, #tpu.memory_space<hbm>>
        %dma_wait3A_63 = tpu.memref_squeeze %dma_wait3A_62 : memref<1x1x8x128xi32, #tpu.memory_space<hbm>> -> memref<8x128xi32, #tpu.memory_space<hbm>>
        %dma_wait3A_64 = arith.constant 0 : i32
        %dma_wait3A_65 = arith.constant 0 : i32
        %dma_wait3A_66 = tpu.memref_slice %arg2[%add3A, %dma_wait3A_59, %dma_wait3A_64, %dma_wait3A_65] : memref<32x10x8x128xi32, #tpu.memory_space<hbm>> -> memref<1x1x8x128xi32, #tpu.memory_space<hbm>>
        %dma_wait3A_67 = tpu.memref_squeeze %dma_wait3A_66 : memref<1x1x8x128xi32, #tpu.memory_space<hbm>> -> memref<8x128xi32, #tpu.memory_space<hbm>>
        tpu.wait_dma2 semaphore(%arg10 : memref<!tpu.dma_semaphore, #tpu.memory_space<semaphore_mem>>) src(%dma_wait3A_67 : memref<8x128xi32, #tpu.memory_space<hbm>>) dst(%arg6 : memref<8x128xi32, #tpu.memory_space<vmem>>)
      } else {
      }
    }
    %scan3A_15 = arith.constant 5 : i32
    %barrier3A_16 = arith.constant 0 : index
    tpu.barrier barrier_id(%barrier3A_16)
    %mul3A_17 = arith.constant 2561 : i32
    %mul3A_18 = arith.muli %arg1, %mul3A_17 : i32
    %mul3A_19 = arith.constant 2561 : i32
    %mul3A_20 = arith.muli %arg1, %mul3A_19 : i32
    "tpu.region"() ({
      %run_scoped3A_21 = tpu.sem_alloc : memref<!tpu.dma_semaphore, #tpu.memory_space<semaphore_mem>>
      %dma_start3A_22 = arith.constant 0 : i32
      %dma_start3A_23 = tpu.memref_slice %arg5[%arg0, %mul3A_20, %dma_start3A_22] : memref<2x40976x16xf32, #tpu.memory_space<hbm>> -> memref<1x2561x16xf32, #tpu.memory_space<hbm>>
      %dma_start3A_24 = tpu.memref_squeeze %dma_start3A_23 : memref<1x2561x16xf32, #tpu.memory_space<hbm>> -> memref<2561x16xf32, #tpu.memory_space<hbm>>
      %dma_start3A_25 = arith.constant 0 : i32
      %dma_start3A_26 = tpu.memref_slice %arg9[%mul3A_18, %dma_start3A_25] : memref<40976x16xf32, #tpu.memory_space<vmem_shared>> -> memref<2561x16xf32, #tpu.memory_space<vmem_shared>>
      tpu.enqueue_dma source(%dma_start3A_26 : memref<2561x16xf32, #tpu.memory_space<vmem_shared>>) target(%dma_start3A_24 : memref<2561x16xf32, #tpu.memory_space<hbm>>) target_semaphore(%run_scoped3A_21 : memref<!tpu.dma_semaphore, #tpu.memory_space<semaphore_mem>>)
      %dma_wait3A = arith.constant 0 : i32
      %dma_wait3A_27 = tpu.memref_slice %arg5[%arg0, %mul3A_20, %dma_wait3A] : memref<2x40976x16xf32, #tpu.memory_space<hbm>> -> memref<1x2561x16xf32, #tpu.memory_space<hbm>>
      %dma_wait3A_28 = tpu.memref_squeeze %dma_wait3A_27 : memref<1x2561x16xf32, #tpu.memory_space<hbm>> -> memref<2561x16xf32, #tpu.memory_space<hbm>>
      %dma_wait3A_29 = arith.constant 0 : i32
      %dma_wait3A_30 = tpu.memref_slice %arg9[%mul3A_18, %dma_wait3A_29] : memref<40976x16xf32, #tpu.memory_space<vmem_shared>> -> memref<2561x16xf32, #tpu.memory_space<vmem_shared>>
      tpu.wait_dma2 semaphore(%run_scoped3A_21 : memref<!tpu.dma_semaphore, #tpu.memory_space<semaphore_mem>>) src(%dma_wait3A_30 : memref<2561x16xf32, #tpu.memory_space<vmem_shared>>) dst(%dma_wait3A_28 : memref<2561x16xf32, #tpu.memory_space<hbm>>)
      tpu.yield
    }) : () -> ()
    return
  }
}

module attributes {stable_mosaic.version = 14 : i64} {
  func.func @body(%arg0: i32, %arg1: memref<512x128xf32, #tpu.memory_space<vmem>>, %arg2: memref<4x512x128xf32, #tpu.memory_space<vmem>>, %arg3: memref<4x512xf32, #tpu.memory_space<vmem>>, %arg4: memref<640x128xf32, #tpu.memory_space<vmem>>, %arg5: memref<1x128xf32, #tpu.memory_space<vmem>>, %arg6: memref<1x128xf32, #tpu.memory_space<vmem>>, %arg7: memref<512x128xf32, #tpu.memory_space<vmem>>) attributes {dimension_semantics = [#tpu.dimension_semantics<arbitrary>], iteration_bounds = array<i64: 20>, scalar_prefetch = 0 : i64, scratch_operands = 0 : i64, tpu.core_type = #tpu.core_type<tc>, window_params = [{transform_indices = @transform_0, window_bounds = array<i64: 512, 128>}, {transform_indices = @transform_1, window_bounds = array<i64: 4, 512, 128>}, {transform_indices = @transform_2, window_bounds = array<i64: 4, 512>}, {pipeline_mode = #tpu.pipeline_mode<synchronous>, transform_indices = @transform_3, window_bounds = array<i64: 640, 128>}, {pipeline_mode = #tpu.pipeline_mode<synchronous>, transform_indices = @transform_4, window_bounds = array<i64: 1, 128>}, {pipeline_mode = #tpu.pipeline_mode<synchronous>, transform_indices = @transform_5, window_bounds = array<i64: 1, 128>}, {transform_indices = @transform_6, window_bounds = array<i64: 512, 128>}]} {
    %get3A = arith.constant 0 : index
    %get3A_0 = arith.constant 0 : index
    %get3A_1 = vector.load %arg3[%get3A, %get3A_0] : memref<4x512xf32, #tpu.memory_space<vmem>>, vector<4x512xf32>
    %max3A = arith.constant 1.000000e+00 : f32
    %max3A_2 = vector.broadcast %max3A : f32 to vector<4x512xf32>
    %max3A_3 = arith.maximumf %get3A_1, %max3A_2 : vector<4x512xf32>
    %div3A = arith.constant 1.000000e+00 : f32
    %div3A_4 = vector.broadcast %div3A : f32 to vector<4x512xf32>
    %div3A_5 = arith.divf %div3A_4, %max3A_3 : vector<4x512xf32>
    %broadcast_in_dim3A = vector.shape_cast %div3A_5 : vector<4x512xf32> to vector<4x512x1xf32>
    %broadcast_in_dim3A_6 = vector.broadcast %broadcast_in_dim3A : vector<4x512x1xf32> to vector<4x512x128xf32>
    %get3A_7 = arith.constant 0 : index
    %get3A_8 = arith.constant 0 : index
    %get3A_9 = arith.constant 0 : index
    %get3A_10 = vector.load %arg2[%get3A_7, %get3A_8, %get3A_9] : memref<4x512x128xf32, #tpu.memory_space<vmem>>, vector<4x512x128xf32>
    %mul3A = arith.mulf %get3A_10, %broadcast_in_dim3A_6 : vector<4x512x128xf32>
    %get3A_11 = arith.constant 0 : index
    %get3A_12 = arith.constant 0 : index
    %get3A_13 = vector.load %arg1[%get3A_11, %get3A_12] : memref<512x128xf32, #tpu.memory_space<vmem>>, vector<512x128xf32>
    %slice3A = vector.extract_strided_slice %mul3A {offsets = [0, 0, 0], sizes = [1, 512, 128], strides = [1, 1, 1]} : vector<4x512x128xf32> to vector<1x512x128xf32>
    %squeeze3A = vector.shape_cast %slice3A : vector<1x512x128xf32> to vector<512x128xf32>
    %slice3A_14 = vector.extract_strided_slice %mul3A {offsets = [1, 0, 0], sizes = [1, 512, 128], strides = [1, 1, 1]} : vector<4x512x128xf32> to vector<1x512x128xf32>
    %squeeze3A_15 = vector.shape_cast %slice3A_14 : vector<1x512x128xf32> to vector<512x128xf32>
    %slice3A_16 = vector.extract_strided_slice %mul3A {offsets = [2, 0, 0], sizes = [1, 512, 128], strides = [1, 1, 1]} : vector<4x512x128xf32> to vector<1x512x128xf32>
    %squeeze3A_17 = vector.shape_cast %slice3A_16 : vector<1x512x128xf32> to vector<512x128xf32>
    %slice3A_18 = vector.extract_strided_slice %mul3A {offsets = [3, 0, 0], sizes = [1, 512, 128], strides = [1, 1, 1]} : vector<4x512x128xf32> to vector<1x512x128xf32>
    %squeeze3A_19 = vector.shape_cast %slice3A_18 : vector<1x512x128xf32> to vector<512x128xf32>
    %concatenate3A = tpu.concatenate %get3A_13, %squeeze3A, %squeeze3A_15, %squeeze3A_17, %squeeze3A_19 in 1 : vector<512x128xf32>, vector<512x128xf32>, vector<512x128xf32>, vector<512x128xf32>, vector<512x128xf32> -> vector<512x640xf32>
    %get3A_20 = arith.constant 0 : index
    %get3A_21 = arith.constant 0 : index
    %get3A_22 = vector.load %arg4[%get3A_20, %get3A_21] : memref<640x128xf32, #tpu.memory_space<vmem>>, vector<640x128xf32>
    %dot_general3A = arith.constant dense<0.000000e+00> : vector<512x128xf32>
    %dot_general3A_23 = tpu.matmul %concatenate3A, %get3A_22, %dot_general3A {dimension_numbers = #tpu.dot_dimension_numbers<[1], [0], [0], [1], [0, 0, 1, 1], [], []>, transpose_lhs_hint = false} : vector<512x640xf32>, vector<640x128xf32>, vector<512x128xf32> -> vector<512x128xf32>
    %get3A_24 = arith.constant 0 : index
    %get3A_25 = arith.constant 0 : index
    %get3A_26 = vector.load %arg5[%get3A_24, %get3A_25] : memref<1x128xf32, #tpu.memory_space<vmem>>, vector<1x128xf32>
    %mul3A_27 = vector.broadcast %get3A_26 : vector<1x128xf32> to vector<512x128xf32>
    %mul3A_28 = arith.mulf %dot_general3A_23, %mul3A_27 : vector<512x128xf32>
    %get3A_29 = arith.constant 0 : index
    %get3A_30 = arith.constant 0 : index
    %get3A_31 = vector.load %arg6[%get3A_29, %get3A_30] : memref<1x128xf32, #tpu.memory_space<vmem>>, vector<1x128xf32>
    %add3A = vector.broadcast %get3A_31 : vector<1x128xf32> to vector<512x128xf32>
    %add3A_32 = arith.addf %mul3A_28, %add3A : vector<512x128xf32>
    %max3A_33 = arith.constant 0.000000e+00 : f32
    %max3A_34 = vector.broadcast %max3A_33 : f32 to vector<512x128xf32>
    %max3A_35 = arith.maximumf %add3A_32, %max3A_34 : vector<512x128xf32>
    %swap3A = arith.constant 0 : index
    %swap3A_36 = arith.constant 0 : index
    %swap3A_37 = vector.load %arg7[%swap3A, %swap3A_36] : memref<512x128xf32, #tpu.memory_space<vmem>>, vector<512x128xf32>
    tpu.vector_store %arg7[%swap3A, %swap3A_36], %max3A_35 {strides = array<i32>} : memref<512x128xf32, #tpu.memory_space<vmem>>, vector<512x128xf32>,
    return
  }
  func.func @transform_0(%arg0: i32) -> (i32, i32) {
    %c0_i32 = arith.constant 0 : i32
    %c0_i32_0 = arith.constant 0 : i32
    return %arg0, %c0_i32 : i32, i32
  }
  func.func @transform_1(%arg0: i32) -> (i32, i32, i32) {
    %c0_i32 = arith.constant 0 : i32
    %c0_i32_0 = arith.constant 0 : i32
    %c0_i32_1 = arith.constant 0 : i32
    return %c0_i32, %arg0, %c0_i32_0 : i32, i32, i32
  }
  func.func @transform_2(%arg0: i32) -> (i32, i32) {
    %c0_i32 = arith.constant 0 : i32
    %c0_i32_0 = arith.constant 0 : i32
    return %c0_i32, %arg0 : i32, i32
  }
  func.func @transform_3(%arg0: i32) -> (i32, i32) {
    %c0_i32 = arith.constant 0 : i32
    %c0_i32_0 = arith.constant 0 : i32
    %c0_i32_1 = arith.constant 0 : i32
    return %c0_i32, %c0_i32_0 : i32, i32
  }
  func.func @transform_4(%arg0: i32) -> (i32, i32) {
    %c0_i32 = arith.constant 0 : i32
    %c0_i32_0 = arith.constant 0 : i32
    %c0_i32_1 = arith.constant 0 : i32
    return %c0_i32, %c0_i32_0 : i32, i32
  }
  func.func @transform_5(%arg0: i32) -> (i32, i32) {
    %c0_i32 = arith.constant 0 : i32
    %c0_i32_0 = arith.constant 0 : i32
    %c0_i32_1 = arith.constant 0 : i32
    return %c0_i32, %c0_i32_0 : i32, i32
  }
  func.func @transform_6(%arg0: i32) -> (i32, i32) {
    %c0_i32 = arith.constant 0 : i32
    %c0_i32_0 = arith.constant 0 : i32
    return %arg0, %c0_i32 : i32, i32
  }
}

module attributes {stable_mosaic.version = 14 : i64} {
  func.func @body(%arg0: i32, %arg1: memref<512x128xf32, #tpu.memory_space<vmem>>, %arg2: memref<4x512x128xf32, #tpu.memory_space<vmem>>, %arg3: memref<4x512xf32, #tpu.memory_space<vmem>>, %arg4: memref<640x128xf32, #tpu.memory_space<vmem>>, %arg5: memref<1x128xf32, #tpu.memory_space<vmem>>, %arg6: memref<1x128xf32, #tpu.memory_space<vmem>>, %arg7: memref<512x128xf32, #tpu.memory_space<vmem>>) attributes {dimension_semantics = [#tpu.dimension_semantics<arbitrary>], iteration_bounds = array<i64: 20>, scalar_prefetch = 0 : i64, scratch_operands = 0 : i64, tpu.core_type = #tpu.core_type<tc>, window_params = [{transform_indices = @transform_0, window_bounds = array<i64: 512, 128>}, {transform_indices = @transform_1, window_bounds = array<i64: 4, 512, 128>}, {transform_indices = @transform_2, window_bounds = array<i64: 4, 512>}, {pipeline_mode = #tpu.pipeline_mode<synchronous>, transform_indices = @transform_3, window_bounds = array<i64: 640, 128>}, {pipeline_mode = #tpu.pipeline_mode<synchronous>, transform_indices = @transform_4, window_bounds = array<i64: 1, 128>}, {pipeline_mode = #tpu.pipeline_mode<synchronous>, transform_indices = @transform_5, window_bounds = array<i64: 1, 128>}, {transform_indices = @transform_6, window_bounds = array<i64: 512, 128>}]} {
    %get3A = arith.constant 0 : index
    %get3A_0 = arith.constant 0 : index
    %get3A_1 = vector.load %arg3[%get3A, %get3A_0] : memref<4x512xf32, #tpu.memory_space<vmem>>, vector<4x512xf32>
    %max3A = arith.constant 1.000000e+00 : f32
    %max3A_2 = vector.broadcast %max3A : f32 to vector<4x512xf32>
    %max3A_3 = arith.maximumf %get3A_1, %max3A_2 : vector<4x512xf32>
    %div3A = arith.constant 1.000000e+00 : f32
    %div3A_4 = vector.broadcast %div3A : f32 to vector<4x512xf32>
    %div3A_5 = arith.divf %div3A_4, %max3A_3 : vector<4x512xf32>
    %broadcast_in_dim3A = vector.shape_cast %div3A_5 : vector<4x512xf32> to vector<4x512x1xf32>
    %broadcast_in_dim3A_6 = vector.broadcast %broadcast_in_dim3A : vector<4x512x1xf32> to vector<4x512x128xf32>
    %get3A_7 = arith.constant 0 : index
    %get3A_8 = arith.constant 0 : index
    %get3A_9 = arith.constant 0 : index
    %get3A_10 = vector.load %arg2[%get3A_7, %get3A_8, %get3A_9] : memref<4x512x128xf32, #tpu.memory_space<vmem>>, vector<4x512x128xf32>
    %mul3A = arith.mulf %get3A_10, %broadcast_in_dim3A_6 : vector<4x512x128xf32>
    %get3A_11 = arith.constant 0 : index
    %get3A_12 = arith.constant 0 : index
    %get3A_13 = vector.load %arg1[%get3A_11, %get3A_12] : memref<512x128xf32, #tpu.memory_space<vmem>>, vector<512x128xf32>
    %slice3A = vector.extract_strided_slice %mul3A {offsets = [0, 0, 0], sizes = [1, 512, 128], strides = [1, 1, 1]} : vector<4x512x128xf32> to vector<1x512x128xf32>
    %squeeze3A = vector.shape_cast %slice3A : vector<1x512x128xf32> to vector<512x128xf32>
    %slice3A_14 = vector.extract_strided_slice %mul3A {offsets = [1, 0, 0], sizes = [1, 512, 128], strides = [1, 1, 1]} : vector<4x512x128xf32> to vector<1x512x128xf32>
    %squeeze3A_15 = vector.shape_cast %slice3A_14 : vector<1x512x128xf32> to vector<512x128xf32>
    %slice3A_16 = vector.extract_strided_slice %mul3A {offsets = [2, 0, 0], sizes = [1, 512, 128], strides = [1, 1, 1]} : vector<4x512x128xf32> to vector<1x512x128xf32>
    %squeeze3A_17 = vector.shape_cast %slice3A_16 : vector<1x512x128xf32> to vector<512x128xf32>
    %slice3A_18 = vector.extract_strided_slice %mul3A {offsets = [3, 0, 0], sizes = [1, 512, 128], strides = [1, 1, 1]} : vector<4x512x128xf32> to vector<1x512x128xf32>
    %squeeze3A_19 = vector.shape_cast %slice3A_18 : vector<1x512x128xf32> to vector<512x128xf32>
    %concatenate3A = tpu.concatenate %get3A_13, %squeeze3A, %squeeze3A_15, %squeeze3A_17, %squeeze3A_19 in 1 : vector<512x128xf32>, vector<512x128xf32>, vector<512x128xf32>, vector<512x128xf32>, vector<512x128xf32> -> vector<512x640xf32>
    %get3A_20 = arith.constant 0 : index
    %get3A_21 = arith.constant 0 : index
    %get3A_22 = vector.load %arg4[%get3A_20, %get3A_21] : memref<640x128xf32, #tpu.memory_space<vmem>>, vector<640x128xf32>
    %dot_general3A = arith.constant dense<0.000000e+00> : vector<512x128xf32>
    %dot_general3A_23 = tpu.matmul %concatenate3A, %get3A_22, %dot_general3A {dimension_numbers = #tpu.dot_dimension_numbers<[1], [0], [0], [1], [0, 0, 1, 1], [], []>, transpose_lhs_hint = false} : vector<512x640xf32>, vector<640x128xf32>, vector<512x128xf32> -> vector<512x128xf32>
    %get3A_24 = arith.constant 0 : index
    %get3A_25 = arith.constant 0 : index
    %get3A_26 = vector.load %arg5[%get3A_24, %get3A_25] : memref<1x128xf32, #tpu.memory_space<vmem>>, vector<1x128xf32>
    %mul3A_27 = vector.broadcast %get3A_26 : vector<1x128xf32> to vector<512x128xf32>
    %mul3A_28 = arith.mulf %dot_general3A_23, %mul3A_27 : vector<512x128xf32>
    %get3A_29 = arith.constant 0 : index
    %get3A_30 = arith.constant 0 : index
    %get3A_31 = vector.load %arg6[%get3A_29, %get3A_30] : memref<1x128xf32, #tpu.memory_space<vmem>>, vector<1x128xf32>
    %add3A = vector.broadcast %get3A_31 : vector<1x128xf32> to vector<512x128xf32>
    %add3A_32 = arith.addf %mul3A_28, %add3A : vector<512x128xf32>
    %swap3A = arith.constant 0 : index
    %swap3A_33 = arith.constant 0 : index
    %swap3A_34 = vector.load %arg7[%swap3A, %swap3A_33] : memref<512x128xf32, #tpu.memory_space<vmem>>, vector<512x128xf32>
    tpu.vector_store %arg7[%swap3A, %swap3A_33], %add3A_32 {strides = array<i32>} : memref<512x128xf32, #tpu.memory_space<vmem>>, vector<512x128xf32>,
    return
  }
  func.func @transform_0(%arg0: i32) -> (i32, i32) {
    %c0_i32 = arith.constant 0 : i32
    %c0_i32_0 = arith.constant 0 : i32
    return %arg0, %c0_i32 : i32, i32
  }
  func.func @transform_1(%arg0: i32) -> (i32, i32, i32) {
    %c0_i32 = arith.constant 0 : i32
    %c0_i32_0 = arith.constant 0 : i32
    %c0_i32_1 = arith.constant 0 : i32
    return %c0_i32, %arg0, %c0_i32_0 : i32, i32, i32
  }
  func.func @transform_2(%arg0: i32) -> (i32, i32) {
    %c0_i32 = arith.constant 0 : i32
    %c0_i32_0 = arith.constant 0 : i32
    return %c0_i32, %arg0 : i32, i32
  }
  func.func @transform_3(%arg0: i32) -> (i32, i32) {
    %c0_i32 = arith.constant 0 : i32
    %c0_i32_0 = arith.constant 0 : i32
    %c0_i32_1 = arith.constant 0 : i32
    return %c0_i32, %c0_i32_0 : i32, i32
  }
  func.func @transform_4(%arg0: i32) -> (i32, i32) {
    %c0_i32 = arith.constant 0 : i32
    %c0_i32_0 = arith.constant 0 : i32
    %c0_i32_1 = arith.constant 0 : i32
    return %c0_i32, %c0_i32_0 : i32, i32
  }
  func.func @transform_5(%arg0: i32) -> (i32, i32) {
    %c0_i32 = arith.constant 0 : i32
    %c0_i32_0 = arith.constant 0 : i32
    %c0_i32_1 = arith.constant 0 : i32
    return %c0_i32, %c0_i32_0 : i32, i32
  }
  func.func @transform_6(%arg0: i32) -> (i32, i32) {
    %c0_i32 = arith.constant 0 : i32
    %c0_i32_0 = arith.constant 0 : i32
    return %arg0, %c0_i32 : i32, i32
  }
}

</mosaic_0001>

<sc_bundles>
// kernel: kernel.10.cloned.1.call-start
scs
__scs_entry_jumppad:
0x0: {  	(pc) =	sbr.rel $0x88, $3  }
0x1: {  	(tag) =	ssettag $0x0;
	lr =	simm.s32 $0x1  }
0x2: {  	[smem:$0x3F94] =	sst lr;
	_ =	strace $0xD0000000  }
0x3: {  	_ = 	snop  }
0x4: {  	_ = 	snop  }
0x5: {  	_ = 	snop  }
0x6: {  	_ = 	snop  }
0x7: {  	_ = 	snop  }
__scs_overlays_trampoline_lowered:
0x8: {  	[smem:$0x3FA3] =	sst s0  }
0x9: {  	[smem:$0x3FA4] =	sst s1  }
0xa: {  	[smem:$0x3FA5] =	sst s2  }
0xb: {  	[smem:$0x3FA6] =	sst s3  }
0xc: {  	[smem:$0x3FA7] =	sst s4  }
0xd: {  	[smem:$0x3FA8] =	sst s5  }
0xe: {  	[smem:$0x3FA9] =	sst s6  }
0xf: {  	[smem:$0x3FAA] =	sst s7  }
0x10: {  	[smem:$0x3FAB] =	sst s8  }
0x11: {  	[smem:$0x3FAC] =	sst s9;
	s0 =	simm.s32 @!p0 $0x0  }
0x12: {  	s1 =	sld [smem:$0x3F92];
	s0 =	simm.s32 @p0 $0x1  }
0x13: {  	[smem:$0x3FAD] =	sst s0;
	s0 =	simm.s32 @!p1 $0x0  }
0x14: {  	s2 =	sld [smem:$0x3F91];
	s0 =	simm.s32 @p1 $0x1  }
0x15: {  	[smem:$0x3FAE] =	sst s0;
	s0 =	simm.s32 @!p2 $0x0  }
0x16: {  	s3 =	sld [smem:$0x3FDB];
	s0 =	simm.s32 @p2 $0x1  }
0x17: {  	s4 =	simm.s32 $0x1BF5;
	[smem:$0x3FB0] =	sst s0  }
0x18: {  	s0 =	sld [smem:$0x3F93];
	_ =	swait.ge [sflag:s4], $0x0  }
0x19: {  	s7 =	sld [smem:$0x3F94]  }
0x1a: {  	s8 =	sadd.s32 $0xFFFFE003, lr  }
0x1b: {  	s9 =	sadd.s32 $0xFFFFFEF7, lr;
	s5 =	simm.s32 $0xFFFFFFFF;
	p2 =	slt.u32 s8, $0xFFFFF086  }
0x1c: {  	p1 =	slt.u32 s9, $0xF7A;
	s5 =	simm.s32 @!p2 $0x0  }
0x1d: {  	s5 =	simm.s32 @p1 $0x1;
	p0 =	seq.s32 s7, s2  }
0x1e: {  	s7 =	smul.u32 @!p0 $0xF7A, s2;
	p2 =	seq.s32 @!p0 s5, $0x0  }
0x1f: {  	s9 =	smul.u32 $0xF7A, s1;
	s8 =	simm.s32 @!p0 $0x1BF5;
	p2 =	por !p2, p0  }
0x20: {  	[sflag:s8] =	ssyncset.s32 @!p0 $0xFFFFF086;
	s6 =	sadd.s32 @!p0 s3, s7;
	s7 =	simm.s32 @!p0 $0x108  }
0x21: {  	s3 =	sadd.s32 s3, s9;
	s6 =	sadd.s32 @!p0 $0x88, s6;
	s7 =	simm.s32 @p2 $0x1082  }
0x22: {  	[simem:s7], [sflag:s8] =	dma.local @!p0 [hbm:s6], $0xF7A  }
0x23: {  	s9 =	sor.u32 $0xD0000000, s2;
	s6 =	simm.s32 $0x108;
	_ =	swait.ge @!p0 [sflag:s8], $0x0  }
0x24: {  	s3 =	sadd.s32 $0x88, s3;
	s6 =	simm.s32 @!p1 $0x1082;
	[sflag:s4] =	ssyncset.s32 $0xFFFFF086  }
0x25: {  	[simem:s6], [sflag:s4] =	dma.local [hbm:s3], $0xF7A  }
0x26: {  	[smem:$0x3F94] =	sst s1;
	(tag) =	ssettag s2;
	_ =	strace s9  }
0x27: {  	s1 =	sld [smem:$0x3FA4]  }
0x28: {  	s2 =	sld [smem:$0x3FA5]  }
0x29: {  	s4 =	sld [smem:$0x3FA7]  }
0x2a: {  	p0 =	seq.s32 s5, $0x0;
	s5 =	sld [smem:$0x3FA8]  }
0x2b: {  	s6 =	sld [smem:$0x3FA9]  }
0x2c: {  	s7 =	sld [smem:$0x3FAA]  }
0x2d: {  	s3 =	simm.s32 $0x108;
	s8 =	sld [smem:$0x3FAB]  }
0x2e: {  	s3 =	simm.s32 @!p0 $0x1082;
	s9 =	sld [smem:$0x3FAC]  }
0x2f: {  	lr =	sadd.s32 s0, s3;
	s0 =	sld [smem:$0x3FA3]  }
0x30: {  	s3 =	sld [smem:$0x3FA6]  }
0x31: {  	[smem:$0x3FAF] =	sst s10  }
0x32: {  	s10 =	sld [smem:$0x3FAD];
	_ =	sdelay $0x3  }
0x33: {  	p0 =	seq.s32 s10, $0x1;
	s10 =	sld [smem:$0x3FAF];
	_ =	sdelay $0x3  }
0x34: {  	[smem:$0x3FAF] =	sst s10  }
0x35: {  	s10 =	sld [smem:$0x3FAE];
	_ =	sdelay $0x3  }
0x36: {  	p1 =	seq.s32 s10, $0x1;
	s10 =	sld [smem:$0x3FAF];
	_ =	sdelay $0x3  }
0x37: {  	[smem:$0x3FAF] =	sst s10  }
0x38: {  	s10 =	sld [smem:$0x3FB0]  }
0x39: {  	_ = 	snop;
	(pc) =	sbr.ind lr, $3  }
0x3a: {  	_ = 	snop  }
0x3b: {  	_ = 	snop  }
0x3c: {  	p2 =	seq.s32 s10, $0x1;
	s10 =	sld [smem:$0x3FAF]  }
0x3d: {  	_ =	shalt  }
0x3e: {  	_ =	shalt  }
0x3f: {  	_ =	shalt  }
0x40: {  	_ =	shalt  }
0x41: {  	_ =	shalt  }
0x42: {  	_ =	shalt  }
0x43: {  	_ =	shalt  }
0x44: {  	_ =	shalt  }
0x45: {  	_ =	shalt  }
0x46: {  	_ =	shalt  }
0x47: {  	_ =	shalt  }
0x48: {  	_ =	shalt  }
0x49: {  	_ =	shalt  }
0x4a: {  	_ =	shalt  }
0x4b: {  	_ =	shalt  }
0x4c: {  	_ =	shalt  }
0x4d: {  	_ =	shalt  }
0x4e: {  	_ =	shalt  }
0x4f: {  	_ =	shalt  }
0x50: {  	_ =	shalt  }
0x51: {  	_ =	shalt  }
0x52: {  	_ =	shalt  }
0x53: {  	_ =	shalt  }
0x54: {  	_ =	shalt  }
0x55: {  	_ =	shalt  }
0x56: {  	_ =	shalt  }
0x57: {  	_ =	shalt  }
0x58: {  	_ =	shalt  }
0x59: {  	_ =	shalt  }
0x5a: {  	_ =	shalt  }
0x5b: {  	_ =	shalt  }
0x5c: {  	_ =	shalt  }
0x5d: {  	_ =	shalt  }
0x5e: {  	_ =	shalt  }
0x5f: {  	_ =	shalt  }
0x60: {  	_ =	shalt  }
0x61: {  	_ =	shalt  }
0x62: {  	_ =	shalt  }
0x63: {  	_ =	shalt  }
0x64: {  	_ =	shalt  }
0x65: {  	_ =	shalt  }
0x66: {  	_ =	shalt  }
0x67: {  	_ =	shalt  }
0x68: {  	_ =	shalt  }
0x69: {  	_ =	shalt  }
0x6a: {  	_ =	shalt  }
0x6b: {  	_ =	shalt  }
0x6c: {  	_ =	shalt  }
0x6d: {  	_ =	shalt  }
0x6e: {  	_ =	shalt  }
0x6f: {  	_ =	shalt  }
0x70: {  	_ =	shalt  }
0x71: {  	_ =	shalt  }
0x72: {  	_ =	shalt  }
0x73: {  	_ =	shalt  }
0x74: {  	_ =	shalt  }
0x75: {  	_ =	shalt  }
0x76: {  	_ =	shalt  }
0x77: {  	_ =	shalt  }
0x78: {  	_ =	shalt  }
0x79: {  	_ =	shalt  }
0x7a: {  	_ =	shalt  }
0x7b: {  	_ =	shalt  }
0x7c: {  	_ =	shalt  }
0x7d: {  	_ =	shalt  }
0x7e: {  	_ =	shalt  }
0x7f: {  	_ =	shalt  }
0x80: {  	_ =	shalt  }
0x81: {  	_ =	shalt  }
0x82: {  	_ =	shalt  }
0x83: {  	_ =	shalt  }
0x84: {  	_ =	shalt  }
0x85: {  	_ =	shalt  }
0x86: {  	_ =	shalt  }
0x87: {  	_ =	shalt  }
.Lfunc_end0:
.L_simem_size_0:
called_computation.1_lowered:
.L_overlay_start_0:
0x88: {  	s2 =	sld [smem:$0x3FD9]  }
0x89: {  	s3 =	sld [smem:$0x3FFE];
	_ =	sdelay $0x1  }
0x8a: {  	s1 =	srdreg.scid  }
0x8b: {  	s0 =	sand.u32 $0x1, s1  }
0x8c: {  	s17 =	sshll.u32 s0, $0xA;
	s2 =	sadd.s32 s3, s2  }
0x8d: {  	s2 =	sadd.s32 s2, s17  }
0x8e: {  	[smem:$0x3FBB] =	sst s2  }
0x8f: {  	_ = 	snop  }
0x90: {  	s2 =	sld [smem:$0x3FD0];
	(tm) =	ssettm $0x1  }
0x91: {  	s18 =	sld [smem:$0x3FFB];
	_ =	sdelay $0x3  }
0x92: {  	_ =	strace s18  }
0x93: {  	s3 =	sld [smem:$0x3FFC];
	_ =	sdelay $0x3  }
0x94: {  	_ =	strace s3  }
0x95: {  	s3 =	sld [smem:$0x3FFD];
	_ =	sdelay $0x3  }
0x96: {  	_ =	strace s3  }
0x97: {  	_ =	strace $0x8FFFFFFF  }
0x98: {  	s19 =	sld [smem:$0x3FDB];
	_ =	sdelay $0x1  }
0x99: {  	s4 =	simm.s32 $_scs_section_size  }
0x9a: {  	s5 =	simm.s32 $_size__tile_overlayer_lowered;
	s6 =	simm.s32 $_tile_overlayer_lowered  }
0x9b: {  	s22 =	simm.s32 $0x1BFF;
	s21 =	sshll.u32 s6, $0x1;
	s3 =	sadd.s32 s4, s19  }
0x9c: {  	s7 =	simm.s32 $0x0;
	s20 =	sshll.u32 s5, $0x1;
	s5 =	sadd.s32 s21, s3  }
0x9d: {  	[timem:s7], [sflag:s22] =	dma.local [hbm:s5], s20  }
0x9e: {  	_ =	swait.ge [sflag:s22], s20  }
0x9f: {  	s4 =	ssub.s32 $0x0, s20;
	[sflag:s22] =	ssyncset.done $0x0  }
0xa0: {  	[sflag:s22] =	ssyncadd.s32 s4;
	_ =	sdelay $0x1  }
0xa1: {  	s23 =	simm.s32 $0x1B8B  }
0xa2: {  	_ =	swait.ge [sflag:s23], $0x1  }
0xa3: {  	[sflag:s23] =	ssyncset.done $0x0  }
0xa4: {  	s25 =	simm.s32 $0x1B8E;
	s24 =	sld [smem:$0x3FFE];
	[sflag:s23] =	ssyncadd.s32 $0xFFFFFFFF  }
0xa5: {  	s26 =	simm.s32 $execute0_lowered;
	[smem:$0x3FD2] =	sst s25  }
0xa6: {  	s5 =	sshll.u32 s26, $0x1;
	_ =	strace $0x80000046;
	[dreg:$0x1] =	wrdreg $0xFFFFFFFF  }
0xa7: {  	s28 =	simm.s32 $_size_execute0_lowered;
	s3 =	sadd.s32 s3, s5;
	[dreg:$0x0] =	wrdreg $0x0  }
0xa8: {  	s5 =	sshll.u32 s28, $0x1;
	[dreg:$0x2] =	wrdreg s3  }
0xa9: {  	[dreg:$0x3] =	wrdreg s5  }
0xaa: {  	[dreg:$0x4] =	wrdreg $0xC0  }
0xab: {  	_ =	task [dreg:s7], $0x5FFFF  }
0xac: {  	[dreg:$0x1] =	wrdreg $0xFFFFFFFF  }
0xad: {  	[dreg:$0x0] =	wrdreg $0x60  }
0xae: {  	[dreg:$0x2] =	wrdreg s24  }
0xaf: {  	[dreg:$0x3] =	wrdreg s2  }
0xb0: {  	[dreg:$0x4] =	wrdreg $0x44000  }
0xb1: {  	[dreg:$0x5] =	wrdreg $0x184200  }
0xb2: {  	[dreg:$0x6] =	wrdreg $0xA  }
0xb3: {  	_ =	task.clear_ibuf [dreg:s7], $0x7FFFF;
	_ =	strace $0x90000046  }
0xb4: {  	s29 =	simm.s32 $0xA;
	_ =	strace $0x80000048  }
0xb5: {  	_ =	swait.ge [sflag:s29], $0x1  }
0xb6: {  	[sflag:s29] =	ssyncadd.s32 $0xFFFFFFFF  }
0xb7: {  	_ =	strace $0x90000048  }
0xb8: {  	_ =	sfence  }
0xb9: {  	s30 =	sld [smem:$0x0];
	_ =	sdelay $0x2  }
0xba: {  	s31 =	sshll.u32 s1, $0xD;
	s1 =	sshrl.u32 s1, $0x2  }
0xbb: {  	s3 =	sand.u32 $0x4000, s31;
	s1 =	sadd.s32 s1, s30  }
0xbc: {  	s0 =	sor.u32 s3, s0;
	s1 =	sshll.u32 s1, $0x11  }
0xbd: {  	s0 =	sor.u32 s1, s0  }
0xbe: {  	s0 =	sadd.s32 $0x8F2B, s0  }
0xbf: {  	[sflag:s0] =	ssyncadd.remote.s32 $0x1  }
0xc0: {  	_ =	sfence.sel $0xFFFF  }
0xc1: {  	[dreg:$0x0] =	wrdreg $0xFFFFFFFF;
	(pc) =	sbr.abs _section_cstart, $3  }
0xc2: {  	[dreg:$0x1] =	wrdreg $0xFFFFFFFF  }
0xc3: {  	_ =	task.clear_ibuf [dreg:s7], $0x2FFFF;
	_ =	strace $0x9FFFFFFF  }
0xc4: {  	(tm) =	ssettm $0x7FFFFFFF  }
0xc5: {  	_ =	shalt  }
tec
execute0_lowered:
.L_overlay_start_1:
0x0: {  	(tag) =	ssettag $0x1  }
0x1: {  	s0 =	rddreg [dreg:$0x0]  }
0x2: {  	s3 =	rddreg [dreg:$0x1]  }
0x3: {  	s1 =	rddreg [dreg:$0x2]  }
0x4: {  	s2 =	rddreg [dreg:$0x3];
	s4 =	simm.s32 $0x0  }
0x5: {  	s5 =	srdreg.scid;
	s13 =	stileid.u32;
	s28 =	simm.s32 $0x2400  }
0x6: {  	s29 =	simm.s32 $0x280;
	s30 =	simm.s32 $0x3400;
	s31 =	simm.s32 $0x100  }
0x7: {  	[smem:$0x7FF] =	sst s4;
	s5 =	sand.u32 $0x1, s5;
	s6 =	smul.u32 $0x50080, s13  }
0x8: {  	s7 =	sadd.s32 $0xD200, s0;
	s8 =	sadd.s32 $0x35200, s0;
	s12 =	smul.u32 $0x14000, s13  }
0x9: {  	s0 =	sadd.s32 $0x37C00, s0;
	s16 =	sshll.u32 s13, $0x6;
	s15 =	smul.u32 $0x1400, s13  }
0xa: {  	s13 =	simm.s32 $0x6;
	_ =	strace $0x80000047;
	[dreg:$0x5] =	wrdreg s8  }
0xb: {  	s14 =	ssub.s32 $0x2, s5;
	s5 =	sshll.u32 s5, $0x6;
	s17 =	sor.u32 $0x1C03, s16  }
0xc: {  	[dreg:$0x6] =	wrdreg s16;
	s16 =	sor.u32 $0x1C04, s16;
	s9 =	sshrl.u32 s14, $0x1  }
0xd: {  	s10 =	sshrl.u32 s6, $0x2;
	[dreg:$0x7] =	wrdreg s17;
	s18 =	sshrl.u32 s12, $0x2  }
0xe: {  	s19 =	sor.u32 s5, s12;
	s8 =	sadd.s32 s3, s15;
	s22 =	sor.u32 $0x20, s5  }
0xf: {  	s5 =	sor.u32 s5, s6;
	s9 =	ssub.s32 s14, s9;
	s11 =	sadd.s32 s10, s1  }
0x10: {  	s14 =	sadd.s32 s18, s2;
	s20 =	sshrl.u32 s19, $0x3;
	s10 =	sadd.s32 $0x40, s8  }
0x11: {  	s12 =	sor.u32 s12, s22;
	s3 =	sor.u32 s6, s22;
	s5 =	sshrl.u32 s5, $0x3  }
0x12: {  	s18 =	simm.s32 $0x1;
	s19 =	simm.s32 $0x4;
	s22 =	simm.s32 $0x7  }
0x13: {  	s6 =	simm.s32 $0x0;
	s21 =	sadd.s32 s7, s20;
	s23 =	sshrl.u32 s12, $0x3  }
0x14: {  	s3 =	sshrl.u32 s3, $0x3;
	s5 =	sadd.s32 s0, s5;
	s25 =	smax.u32 s9, $0x1  }
0x15: {  	s15 =	sshrl.u32 s11, $0x3;
	s26 =	sshrl.u32 s14, $0x3;
	[dreg:$0x8] =	wrdreg s21  }
0x16: {  	s20 =	simm.s32 $0x10;
	s9 =	simm.s32 $0x2;
	[dreg:$0x9] =	wrdreg s5  }
0x17: {  	s11 =	simm.s32 $0x300;
	s12 =	simm.s32 $0x380;
	[dreg:$0xc] =	wrdreg s25  }
0x18: {  	s24 =	sadd.s32 s7, s23;
	s0 =	sadd.s32 s0, s3;
	[dreg:$0xd] =	wrdreg s26  }
0x19: {  	s21 =	simm.s32 $0x3;
	s23 =	simm.s32 $0x80;
	s25 =	simm.s32 $0x1400  }
0x1a: {  	s26 =	simm.s32 $0x200;
	s3 =	simm.s32 $0x5;
	[dreg:$0xa] =	wrdreg s24  }
0x1b: {  	[dreg:$0xb] =	wrdreg s0;
	s24 =	simm.s32 $0x400;
	s0 =	simm.s32 $0x180  }
.LBB2_1:
0x1c: {  	s5 =	rddreg [dreg:$0x5]  }
0x1d: {  	s7 =	rddreg [dreg:$0x7]  }
0x1e: {  	[spmem:s15], [sflag:s7] =	dma.local [hbm:s5], $0x2804  }
0x1f: {  	s5 =	rddreg [dreg:$0x8]  }
0x20: {  	s7 =	rddreg [dreg:$0xd]  }
0x21: {  	[spmem:s7@s19], [sflag:s16] =	dma.strided [hbm:s5@s20], $0xA00, s18, $0x4   }
0x22: {  	_ =	swait.ge [sflag:s21], $0x2804  }
0x23: {  	[sflag:s21] =	ssyncset.done $0x0  }
0x24: {  	[sflag:s21] =	ssyncadd.s32 $0xFFFFD7FC  }
0x25: {  	_ =	swait.ge [sflag:s19], $0xA00  }
0x26: {  	[sflag:s19] =	ssyncset.done $0x0  }
0x27: {  	[sflag:s19] =	ssyncadd.s32 $0xFFFFF600  }
0x28: {  	[bflag:$0x0] =	sbarrier.arrive $0xFFFF  }
0x29: {  	[tilespmem:s4], [sflag:$0x7] =	stream.linear.gather [hbm4b:s8+s4], $0x200, $0x38;
	[tilespmem:$0x1D420] =	vst v63  }
0x2a: {  	_ =	swait.ge [sflag:s22], $0x200  }
0x2b: {  	[sflag:s22] =	ssyncset.done $0x0  }
0x2c: {  	[sflag:s22] =	ssyncadd.s32 $0xFFFFFE00  }
0x2d: {  	[tilespmem:s24], [sflag:$0x1] =	stream.indirect.gather [spmem:s2], $0x20, s4, s23, $0xb8;
	[tilespmem:$0x1D420] =	vst v63  }
0x2e: {  	_ = 	snop  }
0x2f: {  	[tilespmem:s25], [sflag:$0x1] =	stream.indirect.gather [spmem:s2], $0x20, s23, s23, $0xb8;
	[tilespmem:$0x1D420] =	vst v63  }
0x30: {  	_ = 	snop  }
0x31: {  	[tilespmem:s26], [sflag:$0x4] =	stream.linear.gather [hbm4b:s10+s4], $0x200, $0x38;
	[tilespmem:$0x1D420] =	vst v63  }
0x32: {  	_ =	swait.ge [sflag:s19], $0x200  }
0x33: {  	[sflag:s19] =	ssyncset.done $0x0  }
0x34: {  	[sflag:s19] =	ssyncadd.s32 $0xFFFFFE00  }
0x35: {  	[tilespmem:s28], [sflag:$0x2] =	stream.indirect.gather [spmem:s2], $0x20, s26, s23, $0xb8;
	[tilespmem:$0x1D420] =	vst v63  }
0x36: {  	_ = 	snop  }
0x37: {  	[tilespmem:s30], [sflag:$0x2] =	stream.indirect.gather [spmem:s2], $0x20, s29, s23, $0xb8;
	[tilespmem:$0x1D420] =	vst v63  }
0x38: {  	_ =	swait.ge [sflag:s18], $0x2000  }
0x39: {  	[sflag:s18] =	ssyncset.done $0x0  }
0x3a: {  	[sflag:s18] =	ssyncadd.s32 $0xFFFFE000  }
0x3b: {  	[spmem:s1] =	stream.indirect.scatter.add.f32 [tilespmem:s24], [sflag:$0x5], $0x20, s31, s23, $0xb8;
	[tilespmem:$0x1D420] =	vst v63  }
0x3c: {  	_ = 	snop  }
0x3d: {  	[spmem:s1] =	stream.indirect.scatter.add.f32 [tilespmem:s25], [sflag:$0x5], $0x20, s0, s23, $0xb8;
	[tilespmem:$0x1D420] =	vst v63  }
0x3e: {  	_ =	swait.ge [sflag:s3], $0x2000  }
0x3f: {  	s5 =	sadd.s32 $0xFFFFEC80, s8;
	[sflag:s3] =	ssyncset.done $0x0  }
0x40: {  	s17 =	sadd.s32 $0x1400, s5;
	[sflag:s3] =	ssyncadd.s32 $0xFFFFE000  }
0x41: {  	[tilespmem:s4], [sflag:$0x3] =	stream.linear.gather [hbm4b:s17+s4], $0x200, $0x38;
	[tilespmem:$0x1D420] =	vst v63  }
0x42: {  	_ =	swait.ge [sflag:s9], $0x2000  }
0x43: {  	[sflag:s9] =	ssyncset.done $0x0  }
0x44: {  	[sflag:s9] =	ssyncadd.s32 $0xFFFFE000  }
0x45: {  	[spmem:s1] =	stream.indirect.scatter.add.f32 [tilespmem:s28], [sflag:$0x6], $0x20, s11, s23, $0xb8;
	[tilespmem:$0x1D420] =	vst v63  }
0x46: {  	_ = 	snop  }
0x47: {  	[spmem:s1] =	stream.indirect.scatter.add.f32 [tilespmem:s30], [sflag:$0x6], $0x20, s12, s23, $0xb8;
	[tilespmem:$0x1D420] =	vst v63  }
0x48: {  	_ =	swait.ge [sflag:s21], $0x200  }
0x49: {  	[sflag:s21] =	ssyncset.done $0x0  }
0x4a: {  	[sflag:s21] =	ssyncadd.s32 $0xFFFFFE00  }
0x4b: {  	[tilespmem:s24], [sflag:$0x1] =	stream.indirect.gather [spmem:s2], $0x20, s4, s23, $0xb8;
	[tilespmem:$0x1D420] =	vst v63  }
0x4c: {  	_ = 	snop  }
0x4d: {  	[tilespmem:s25], [sflag:$0x1] =	stream.indirect.gather [spmem:s2], $0x20, s23, s23, $0xb8;
	[tilespmem:$0x1D420] =	vst v63  }
0x4e: {  	_ =	swait.ge [sflag:s13], $0x2000  }
0x4f: {  	[sflag:s13] =	ssyncset.done $0x0  }
0x50: {  	s14 =	simm.s32 $0xFFFFED00;
	s5 =	sadd.s32 $0x1440, s5;
	[sflag:s13] =	ssyncadd.s32 $0xFFFFE000  }
.LBB2_2:
0x51: {  	[tilespmem:s26], [sflag:$0x4] =	stream.linear.gather [hbm4b:s5+s4], $0x200, $0x38;
	[tilespmem:$0x1D420] =	vst v63  }
0x52: {  	s5 =	smov.u32 s14  }
0x53: {  	p0 =	sne.s32 s14, $0xFFFFFF80;
	s14 =	sadd.s32 $0x80, s14;
	_ =	swait.ge [sflag:s19], $0x200  }
0x54: {  	[sflag:s19] =	ssyncset.done $0x0  }
0x55: {  	[sflag:s19] =	ssyncadd.s32 $0xFFFFFE00  }
0x56: {  	[tilespmem:s28], [sflag:$0x2] =	stream.indirect.gather [spmem:s2], $0x20, s26, s23, $0xb8;
	[tilespmem:$0x1D420] =	vst v63  }
0x57: {  	_ = 	snop  }
0x58: {  	[tilespmem:s30], [sflag:$0x2] =	stream.indirect.gather [spmem:s2], $0x20, s29, s23, $0xb8;
	[tilespmem:$0x1D420] =	vst v63  }
0x59: {  	_ =	swait.ge [sflag:s18], $0x2000  }
0x5a: {  	[sflag:s18] =	ssyncset.done $0x0  }
0x5b: {  	[sflag:s18] =	ssyncadd.s32 $0xFFFFE000  }
0x5c: {  	[spmem:s1] =	stream.indirect.scatter.add.f32 [tilespmem:s24], [sflag:$0x5], $0x20, s31, s23, $0xb8;
	[tilespmem:$0x1D420] =	vst v63  }
0x5d: {  	_ = 	snop  }
0x5e: {  	[spmem:s1] =	stream.indirect.scatter.add.f32 [tilespmem:s25], [sflag:$0x5], $0x20, s0, s23, $0xb8;
	[tilespmem:$0x1D420] =	vst v63  }
0x5f: {  	_ =	swait.ge [sflag:s3], $0x2000  }
0x60: {  	s5 =	sadd.s32 s5, s8;
	[sflag:s3] =	ssyncset.done $0x0  }
0x61: {  	s7 =	sadd.s32 $0x1400, s5;
	[sflag:s3] =	ssyncadd.s32 $0xFFFFE000  }
0x62: {  	[tilespmem:s4], [sflag:$0x3] =	stream.linear.gather [hbm4b:s7+s4], $0x200, $0x38;
	[tilespmem:$0x1D420] =	vst v63  }
0x63: {  	_ =	swait.ge [sflag:s9], $0x2000  }
0x64: {  	[sflag:s9] =	ssyncset.done $0x0  }
0x65: {  	[sflag:s9] =	ssyncadd.s32 $0xFFFFE000  }
0x66: {  	[spmem:s1] =	stream.indirect.scatter.add.f32 [tilespmem:s28], [sflag:$0x6], $0x20, s11, s23, $0xb8;
	[tilespmem:$0x1D420] =	vst v63  }
0x67: {  	_ = 	snop  }
0x68: {  	[spmem:s1] =	stream.indirect.scatter.add.f32 [tilespmem:s30], [sflag:$0x6], $0x20, s12, s23, $0xb8;
	[tilespmem:$0x1D420] =	vst v63  }
0x69: {  	_ =	swait.ge [sflag:s21], $0x200  }
0x6a: {  	[sflag:s21] =	ssyncset.done $0x0  }
0x6b: {  	[sflag:s21] =	ssyncadd.s32 $0xFFFFFE00  }
0x6c: {  	[tilespmem:s24], [sflag:$0x1] =	stream.indirect.gather [spmem:s2], $0x20, s4, s23, $0xb8;
	[tilespmem:$0x1D420] =	vst v63  }
.Ltmp0:
0x6d: {  	(pc) =	sbr.rel @p0 .LBB2_2-.Ltmp0, $4  }
0x6e: {  	[tilespmem:s25], [sflag:$0x1] =	stream.indirect.gather [spmem:s2], $0x20, s23, s23, $0xb8;
	[tilespmem:$0x1D420] =	vst v63  }
0x6f: {  	_ =	swait.ge [sflag:s13], $0x2000  }
0x70: {  	[sflag:s13] =	ssyncset.done $0x0  }
0x71: {  	s5 =	sadd.s32 $0x1440, s5;
	[sflag:s13] =	ssyncadd.s32 $0xFFFFE000  }
0x72: {  	[tilespmem:s26], [sflag:$0x4] =	stream.linear.gather [hbm4b:s5+s4], $0x200, $0x38;
	[tilespmem:$0x1D420] =	vst v63  }
0x73: {  	_ =	swait.ge [sflag:s19], $0x200  }
0x74: {  	[sflag:s19] =	ssyncset.done $0x0  }
0x75: {  	[sflag:s19] =	ssyncadd.s32 $0xFFFFFE00  }
0x76: {  	[tilespmem:s28], [sflag:$0x2] =	stream.indirect.gather [spmem:s2], $0x20, s26, s23, $0xb8;
	[tilespmem:$0x1D420] =	vst v63  }
0x77: {  	_ = 	snop  }
0x78: {  	[tilespmem:s30], [sflag:$0x2] =	stream.indirect.gather [spmem:s2], $0x20, s29, s23, $0xb8;
	[tilespmem:$0x1D420] =	vst v63  }
0x79: {  	_ =	swait.ge [sflag:s18], $0x2000  }
0x7a: {  	[sflag:s18] =	ssyncset.done $0x0  }
0x7b: {  	[sflag:s18] =	ssyncadd.s32 $0xFFFFE000  }
0x7c: {  	[spmem:s1] =	stream.indirect.scatter.add.f32 [tilespmem:s24], [sflag:$0x5], $0x20, s31, s23, $0xb8;
	[tilespmem:$0x1D420] =	vst v63  }
0x7d: {  	_ = 	snop  }
0x7e: {  	[spmem:s1] =	stream.indirect.scatter.add.f32 [tilespmem:s25], [sflag:$0x5], $0x20, s0, s23, $0xb8;
	[tilespmem:$0x1D420] =	vst v63  }
0x7f: {  	_ =	swait.ge [sflag:s3], $0x2000  }
0x80: {  	[sflag:s3] =	ssyncset.done $0x0  }
0x81: {  	[sflag:s3] =	ssyncadd.s32 $0xFFFFE000  }
0x82: {  	_ =	swait.ge [sflag:s9], $0x2000  }
0x83: {  	[sflag:s9] =	ssyncset.done $0x0  }
0x84: {  	[sflag:s9] =	ssyncadd.s32 $0xFFFFE000  }
0x85: {  	[spmem:s1] =	stream.indirect.scatter.add.f32 [tilespmem:s28], [sflag:$0x6], $0x20, s11, s23, $0xb8;
	[tilespmem:$0x1D420] =	vst v63  }
0x86: {  	_ = 	snop  }
0x87: {  	[spmem:s1] =	stream.indirect.scatter.add.f32 [tilespmem:s30], [sflag:$0x6], $0x20, s12, s23, $0xb8;
	[tilespmem:$0x1D420] =	vst v63  }
0x88: {  	_ =	swait.ge [sflag:s13], $0x2000  }
0x89: {  	[sflag:s13] =	ssyncset.done $0x0  }
0x8a: {  	[sflag:s13] =	ssyncadd.s32 $0xFFFFE000  }
0x8b: {  	[bflag:$0x0] =	sbarrier.arrive $0xFFFF  }
0x8c: {  	s17 =	rddreg [dreg:$0x6]  }
0x8d: {  	s7 =	rddreg [dreg:$0x9];
	s14 =	sor.u32 $0x1C07, s17  }
0x8e: {  	[hbm:s7@s20], [sflag:s14] =	dma.strided [spmem:s15@s19], $0x2804, s18, $0x4   }
0x8f: {  	_ =	swait.ge [sflag:s22], $0x2804  }
0x90: {  	[sflag:s22] =	ssyncset.done $0x0;
	s17 =	rddreg [dreg:$0x5]  }
0x91: {  	s7 =	rddreg [dreg:$0x7];
	[sflag:s22] =	ssyncadd.s32 $0xFFFFD7FC  }
0x92: {  	[spmem:s15], [sflag:s7] =	dma.local [hbm:s17], $0x2804  }
0x93: {  	s5 =	rddreg [dreg:$0xa]  }
0x94: {  	s7 =	rddreg [dreg:$0xd]  }
0x95: {  	[spmem:s7@s19], [sflag:s16] =	dma.strided [hbm:s5@s20], $0xA00, s18, $0x4   }
0x96: {  	_ =	swait.ge [sflag:s21], $0x2804  }
0x97: {  	[sflag:s21] =	ssyncset.done $0x0  }
0x98: {  	[sflag:s21] =	ssyncadd.s32 $0xFFFFD7FC  }
0x99: {  	_ =	swait.ge [sflag:s19], $0xA00  }
0x9a: {  	[sflag:s19] =	ssyncset.done $0x0  }
0x9b: {  	[sflag:s19] =	ssyncadd.s32 $0xFFFFF600  }
0x9c: {  	[bflag:$0x0] =	sbarrier.arrive $0xFFFF  }
0x9d: {  	[tilespmem:s4], [sflag:$0x7] =	stream.linear.gather [hbm4b:s8+s4], $0x200, $0x38;
	[tilespmem:$0x1D420] =	vst v63  }
0x9e: {  	_ =	swait.ge [sflag:s22], $0x200  }
0x9f: {  	[sflag:s22] =	ssyncset.done $0x0  }
0xa0: {  	[sflag:s22] =	ssyncadd.s32 $0xFFFFFE00  }
0xa1: {  	[tilespmem:s24], [sflag:$0x1] =	stream.indirect.gather [spmem:s2], $0x20, s4, s23, $0xb8;
	[tilespmem:$0x1D420] =	vst v63  }
0xa2: {  	_ = 	snop  }
0xa3: {  	[tilespmem:s25], [sflag:$0x1] =	stream.indirect.gather [spmem:s2], $0x20, s23, s23, $0xb8;
	[tilespmem:$0x1D420] =	vst v63  }
0xa4: {  	_ = 	snop  }
0xa5: {  	[tilespmem:s26], [sflag:$0x4] =	stream.linear.gather [hbm4b:s10+s4], $0x200, $0x38;
	[tilespmem:$0x1D420] =	vst v63  }
0xa6: {  	_ =	swait.ge [sflag:s19], $0x200  }
0xa7: {  	[sflag:s19] =	ssyncset.done $0x0  }
0xa8: {  	[sflag:s19] =	ssyncadd.s32 $0xFFFFFE00  }
0xa9: {  	[tilespmem:s28], [sflag:$0x2] =	stream.indirect.gather [spmem:s2], $0x20, s26, s23, $0xb8;
	[tilespmem:$0x1D420] =	vst v63  }
0xaa: {  	_ = 	snop  }
0xab: {  	[tilespmem:s30], [sflag:$0x2] =	stream.indirect.gather [spmem:s2], $0x20, s29, s23, $0xb8;
	[tilespmem:$0x1D420] =	vst v63  }
0xac: {  	_ =	swait.ge [sflag:s18], $0x2000  }
0xad: {  	[sflag:s18] =	ssyncset.done $0x0  }
0xae: {  	[sflag:s18] =	ssyncadd.s32 $0xFFFFE000  }
0xaf: {  	[spmem:s1] =	stream.indirect.scatter.add.f32 [tilespmem:s24], [sflag:$0x5], $0x20, s31, s23, $0xb8;
	[tilespmem:$0x1D420] =	vst v63  }
0xb0: {  	_ = 	snop  }
0xb1: {  	[spmem:s1] =	stream.indirect.scatter.add.f32 [tilespmem:s25], [sflag:$0x5], $0x20, s0, s23, $0xb8;
	[tilespmem:$0x1D420] =	vst v63  }
0xb2: {  	_ =	swait.ge [sflag:s3], $0x2000  }
0xb3: {  	s17 =	smov.u32 s16;
	s7 =	sadd.s32 $0xFFFFEC80, s8;
	[sflag:s3] =	ssyncset.done $0x0  }
0xb4: {  	s16 =	smov.u32 s10;
	s10 =	sadd.s32 $0x1400, s7;
	[sflag:s3] =	ssyncadd.s32 $0xFFFFE000  }
0xb5: {  	[tilespmem:s4], [sflag:$0x3] =	stream.linear.gather [hbm4b:s10+s4], $0x200, $0x38;
	[tilespmem:$0x1D420] =	vst v63  }
0xb6: {  	_ =	swait.ge [sflag:s9], $0x2000  }
0xb7: {  	[sflag:s9] =	ssyncset.done $0x0  }
0xb8: {  	[sflag:s9] =	ssyncadd.s32 $0xFFFFE000  }
0xb9: {  	[spmem:s1] =	stream.indirect.scatter.add.f32 [tilespmem:s28], [sflag:$0x6], $0x20, s11, s23, $0xb8;
	[tilespmem:$0x1D420] =	vst v63  }
0xba: {  	_ = 	snop  }
0xbb: {  	[spmem:s1] =	stream.indirect.scatter.add.f32 [tilespmem:s30], [sflag:$0x6], $0x20, s12, s23, $0xb8;
	[tilespmem:$0x1D420] =	vst v63  }
0xbc: {  	_ =	swait.ge [sflag:s21], $0x200  }
0xbd: {  	[sflag:s21] =	ssyncset.done $0x0  }
0xbe: {  	[sflag:s21] =	ssyncadd.s32 $0xFFFFFE00  }
0xbf: {  	[tilespmem:s24], [sflag:$0x1] =	stream.indirect.gather [spmem:s2], $0x20, s4, s23, $0xb8;
	[tilespmem:$0x1D420] =	vst v63  }
0xc0: {  	_ = 	snop  }
0xc1: {  	[tilespmem:s25], [sflag:$0x1] =	stream.indirect.gather [spmem:s2], $0x20, s23, s23, $0xb8;
	[tilespmem:$0x1D420] =	vst v63  }
0xc2: {  	_ =	swait.ge [sflag:s13], $0x2000  }
0xc3: {  	[sflag:s13] =	ssyncset.done $0x0  }
0xc4: {  	s5 =	simm.s32 $0xFFFFED00;
	s7 =	sadd.s32 $0x1440, s7;
	[sflag:s13] =	ssyncadd.s32 $0xFFFFE000  }
.LBB2_4:
0xc5: {  	[tilespmem:s26], [sflag:$0x4] =	stream.linear.gather [hbm4b:s7+s4], $0x200, $0x38;
	[tilespmem:$0x1D420] =	vst v63  }
0xc6: {  	s7 =	smov.u32 s5  }
0xc7: {  	p0 =	sne.s32 s5, $0xFFFFFF80;
	s5 =	sadd.s32 $0x80, s5;
	_ =	swait.ge [sflag:s19], $0x200  }
0xc8: {  	[sflag:s19] =	ssyncset.done $0x0  }
0xc9: {  	[sflag:s19] =	ssyncadd.s32 $0xFFFFFE00  }
0xca: {  	[tilespmem:s28], [sflag:$0x2] =	stream.indirect.gather [spmem:s2], $0x20, s26, s23, $0xb8;
	[tilespmem:$0x1D420] =	vst v63  }
0xcb: {  	_ = 	snop  }
0xcc: {  	[tilespmem:s30], [sflag:$0x2] =	stream.indirect.gather [spmem:s2], $0x20, s29, s23, $0xb8;
	[tilespmem:$0x1D420] =	vst v63  }
0xcd: {  	_ =	swait.ge [sflag:s18], $0x2000  }
0xce: {  	[sflag:s18] =	ssyncset.done $0x0  }
0xcf: {  	[sflag:s18] =	ssyncadd.s32 $0xFFFFE000  }
0xd0: {  	[spmem:s1] =	stream.indirect.scatter.add.f32 [tilespmem:s24], [sflag:$0x5], $0x20, s31, s23, $0xb8;
	[tilespmem:$0x1D420] =	vst v63  }
0xd1: {  	_ = 	snop  }
0xd2: {  	[spmem:s1] =	stream.indirect.scatter.add.f32 [tilespmem:s25], [sflag:$0x5], $0x20, s0, s23, $0xb8;
	[tilespmem:$0x1D420] =	vst v63  }
0xd3: {  	_ =	swait.ge [sflag:s3], $0x2000  }
0xd4: {  	s7 =	sadd.s32 s7, s8;
	[sflag:s3] =	ssyncset.done $0x0  }
0xd5: {  	s10 =	sadd.s32 $0x1400, s7;
	[sflag:s3] =	ssyncadd.s32 $0xFFFFE000  }
0xd6: {  	[tilespmem:s4], [sflag:$0x3] =	stream.linear.gather [hbm4b:s10+s4], $0x200, $0x38;
	[tilespmem:$0x1D420] =	vst v63  }
0xd7: {  	_ =	swait.ge [sflag:s9], $0x2000  }
0xd8: {  	[sflag:s9] =	ssyncset.done $0x0  }
0xd9: {  	[sflag:s9] =	ssyncadd.s32 $0xFFFFE000  }
0xda: {  	[spmem:s1] =	stream.indirect.scatter.add.f32 [tilespmem:s28], [sflag:$0x6], $0x20, s11, s23, $0xb8;
	[tilespmem:$0x1D420] =	vst v63  }
0xdb: {  	_ = 	snop  }
0xdc: {  	[spmem:s1] =	stream.indirect.scatter.add.f32 [tilespmem:s30], [sflag:$0x6], $0x20, s12, s23, $0xb8;
	[tilespmem:$0x1D420] =	vst v63  }
0xdd: {  	_ =	swait.ge [sflag:s21], $0x200  }
0xde: {  	[sflag:s21] =	ssyncset.done $0x0  }
0xdf: {  	[sflag:s21] =	ssyncadd.s32 $0xFFFFFE00  }
0xe0: {  	[tilespmem:s24], [sflag:$0x1] =	stream.indirect.gather [spmem:s2], $0x20, s4, s23, $0xb8;
	[tilespmem:$0x1D420] =	vst v63  }
.Ltmp1:
0xe1: {  	(pc) =	sbr.rel @p0 .LBB2_4-.Ltmp1, $4  }
0xe2: {  	[tilespmem:s25], [sflag:$0x1] =	stream.indirect.gather [spmem:s2], $0x20, s23, s23, $0xb8;
	[tilespmem:$0x1D420] =	vst v63  }
0xe3: {  	_ =	swait.ge [sflag:s13], $0x2000  }
0xe4: {  	[sflag:s13] =	ssyncset.done $0x0  }
0xe5: {  	s7 =	sadd.s32 $0x1440, s7;
	[sflag:s13] =	ssyncadd.s32 $0xFFFFE000  }
0xe6: {  	[tilespmem:s26], [sflag:$0x4] =	stream.linear.gather [hbm4b:s7+s4], $0x200, $0x38;
	[tilespmem:$0x1D420] =	vst v63  }
0xe7: {  	_ =	swait.ge [sflag:s19], $0x200  }
0xe8: {  	[sflag:s19] =	ssyncset.done $0x0  }
0xe9: {  	[sflag:s19] =	ssyncadd.s32 $0xFFFFFE00  }
0xea: {  	[tilespmem:s28], [sflag:$0x2] =	stream.indirect.gather [spmem:s2], $0x20, s26, s23, $0xb8;
	[tilespmem:$0x1D420] =	vst v63  }
0xeb: {  	_ = 	snop  }
0xec: {  	[tilespmem:s30], [sflag:$0x2] =	stream.indirect.gather [spmem:s2], $0x20, s29, s23, $0xb8;
	[tilespmem:$0x1D420] =	vst v63  }
0xed: {  	_ =	swait.ge [sflag:s18], $0x2000  }
0xee: {  	[sflag:s18] =	ssyncset.done $0x0  }
0xef: {  	[sflag:s18] =	ssyncadd.s32 $0xFFFFE000  }
0xf0: {  	[spmem:s1] =	stream.indirect.scatter.add.f32 [tilespmem:s24], [sflag:$0x5], $0x20, s31, s23, $0xb8;
	[tilespmem:$0x1D420] =	vst v63  }
0xf1: {  	_ = 	snop  }
0xf2: {  	[spmem:s1] =	stream.indirect.scatter.add.f32 [tilespmem:s25], [sflag:$0x5], $0x20, s0, s23, $0xb8;
	[tilespmem:$0x1D420] =	vst v63  }
0xf3: {  	_ =	swait.ge [sflag:s3], $0x2000  }
0xf4: {  	[sflag:s3] =	ssyncset.done $0x0  }
0xf5: {  	[sflag:s3] =	ssyncadd.s32 $0xFFFFE000  }
0xf6: {  	_ =	swait.ge [sflag:s9], $0x2000  }
0xf7: {  	[sflag:s9] =	ssyncset.done $0x0  }
0xf8: {  	[sflag:s9] =	ssyncadd.s32 $0xFFFFE000  }
0xf9: {  	[spmem:s1] =	stream.indirect.scatter.add.f32 [tilespmem:s28], [sflag:$0x6], $0x20, s11, s23, $0xb8;
	[tilespmem:$0x1D420] =	vst v63  }
0xfa: {  	_ = 	snop  }
0xfb: {  	[spmem:s1] =	stream.indirect.scatter.add.f32 [tilespmem:s30], [sflag:$0x6], $0x20, s12, s23, $0xb8;
	[tilespmem:$0x1D420] =	vst v63  }
0xfc: {  	_ =	swait.ge [sflag:s13], $0x2000  }
0xfd: {  	[sflag:s13] =	ssyncset.done $0x0  }
0xfe: {  	[sflag:s13] =	ssyncadd.s32 $0xFFFFE000  }
0xff: {  	[bflag:$0x0] =	sbarrier.arrive $0xFFFF  }
0x100: {  	s5 =	rddreg [dreg:$0xb]  }
0x101: {  	[hbm:s5@s20], [sflag:s14] =	dma.strided [spmem:s15@s19], $0x2804, s18, $0x4   }
0x102: {  	_ =	swait.ge [sflag:s22], $0x2804  }
0x103: {  	s6 =	sadd.s32 $0x1, s6;
	s14 =	rddreg [dreg:$0xc]  }
0x104: {  	p0 =	sne.s32 s6, s14  }
.Ltmp2:
0x105: {  	_ = 	snop;
	(pc) =	sbr.rel @p0 .LBB2_1-.Ltmp2, $3  }
0x106: {  	_ =	sdelay $0x1  }
0x107: {  	[sflag:s22] =	ssyncset.done $0x0  }
0x108: {  	s10 =	smov.u32 s16;
	s16 =	smov.u32 s17;
	[sflag:s22] =	ssyncadd.s32 $0xFFFFD7FC  }
0x109: {  	_ =	sfence.sel $0x180000  }
0x10a: {  	[bflag:$0x0] =	sbarrier.arrive $0xFFFF  }
0x10b: {  	_ =	strace $0x90000047  }
0x10c: {  	s0 =	stileid.u32;
	[bflag:$0x2] =	sbarrier.arrive $0xFFFF  }
0x10d: {  	p0 =	sne.s32 s0, $0x0;
	s0 =	rddreg [dreg:$0x4]  }
0x10e: {  	s0 =	sadd.s32 @!p0 $0x100000, s0  }
0x10f: {  	[sflag:s0] =	ssyncadd.tile.s32 @!p0 $0x1;
	_ =	shalt  }
.Lfunc_end2:
_tile_overlayer_lowered:
.L_overlay_start_2:
0x110: {  	(tag) =	ssettag $0x2  }
0x111: {  	s0 =	rddreg [dreg:$0x0];
	s2 =	stileid.u32  }
0x112: {  	s1 =	rddreg [dreg:$0x1];
	p0 =	sne.s32 s2, $0x0  }
0x113: {  	s3 =	rddreg [dreg:$0x2];
	[bflag:$0x3] =	sbarrier.arrive $0xFFFF;
	s2 =	simm.s32 @!p0 $0x1C07  }
0x114: {  	[timem:s3], [sflag:s2] =	dma.local @!p0 [hbm:s0], s1  }
0x115: {  	s0 =	simm.s32 @!p0 $0x7  }
0x116: {  	_ =	swait.ge @!p0 [sflag:s0], s1  }
0x117: {  	s1 =	ssub.s32 @!p0 $0x0, s1;
	[sflag:s0] =	ssyncset.done @!p0 $0x0  }
0x118: {  	[sflag:s0] =	ssyncadd.s32 @!p0 s1  }
0x119: {  	[bflag:$0x3] =	sbarrier.arrive $0xFFFF  }
0x11a: {  	_ =	shalt  }

// kernel: kernel.13.cloned.1.call-start
scs
__scs_entry_jumppad:
0x0: {  	(pc) =	sbr.rel $0x88, $3  }
0x1: {  	(tag) =	ssettag $0x0;
	lr =	simm.s32 $0x1  }
0x2: {  	[smem:$0x3F94] =	sst lr;
	_ =	strace $0xD0000000  }
0x3: {  	_ = 	snop  }
0x4: {  	_ = 	snop  }
0x5: {  	_ = 	snop  }
0x6: {  	_ = 	snop  }
0x7: {  	_ = 	snop  }
__scs_overlays_trampoline_lowered:
0x8: {  	[smem:$0x3FA3] =	sst s0  }
0x9: {  	[smem:$0x3FA4] =	sst s1  }
0xa: {  	[smem:$0x3FA5] =	sst s2  }
0xb: {  	[smem:$0x3FA6] =	sst s3  }
0xc: {  	[smem:$0x3FA7] =	sst s4  }
0xd: {  	[smem:$0x3FA8] =	sst s5  }
0xe: {  	[smem:$0x3FA9] =	sst s6  }
0xf: {  	[smem:$0x3FAA] =	sst s7  }
0x10: {  	[smem:$0x3FAB] =	sst s8  }
0x11: {  	[smem:$0x3FAC] =	sst s9;
	s0 =	simm.s32 @!p0 $0x0  }
0x12: {  	s1 =	sld [smem:$0x3F92];
	s0 =	simm.s32 @p0 $0x1  }
0x13: {  	[smem:$0x3FAD] =	sst s0;
	s0 =	simm.s32 @!p1 $0x0  }
0x14: {  	s2 =	sld [smem:$0x3F91];
	s0 =	simm.s32 @p1 $0x1  }
0x15: {  	[smem:$0x3FAE] =	sst s0;
	s0 =	simm.s32 @!p2 $0x0  }
0x16: {  	s3 =	sld [smem:$0x3FDB];
	s0 =	simm.s32 @p2 $0x1  }
0x17: {  	s4 =	simm.s32 $0x1BF5;
	[smem:$0x3FB0] =	sst s0  }
0x18: {  	s0 =	sld [smem:$0x3F93];
	_ =	swait.ge [sflag:s4], $0x0  }
0x19: {  	s7 =	sld [smem:$0x3F94]  }
0x1a: {  	s8 =	sadd.s32 $0xFFFFE003, lr  }
0x1b: {  	s9 =	sadd.s32 $0xFFFFFEF7, lr;
	s5 =	simm.s32 $0xFFFFFFFF;
	p2 =	slt.u32 s8, $0xFFFFF086  }
0x1c: {  	p1 =	slt.u32 s9, $0xF7A;
	s5 =	simm.s32 @!p2 $0x0  }
0x1d: {  	s5 =	simm.s32 @p1 $0x1;
	p0 =	seq.s32 s7, s2  }
0x1e: {  	s7 =	smul.u32 @!p0 $0xF7A, s2;
	p2 =	seq.s32 @!p0 s5, $0x0  }
0x1f: {  	s9 =	smul.u32 $0xF7A, s1;
	s8 =	simm.s32 @!p0 $0x1BF5;
	p2 =	por !p2, p0  }
0x20: {  	[sflag:s8] =	ssyncset.s32 @!p0 $0xFFFFF086;
	s6 =	sadd.s32 @!p0 s3, s7;
	s7 =	simm.s32 @!p0 $0x108  }
0x21: {  	s3 =	sadd.s32 s3, s9;
	s6 =	sadd.s32 @!p0 $0x88, s6;
	s7 =	simm.s32 @p2 $0x1082  }
0x22: {  	[simem:s7], [sflag:s8] =	dma.local @!p0 [hbm:s6], $0xF7A  }
0x23: {  	s9 =	sor.u32 $0xD0000000, s2;
	s6 =	simm.s32 $0x108;
	_ =	swait.ge @!p0 [sflag:s8], $0x0  }
0x24: {  	s3 =	sadd.s32 $0x88, s3;
	s6 =	simm.s32 @!p1 $0x1082;
	[sflag:s4] =	ssyncset.s32 $0xFFFFF086  }
0x25: {  	[simem:s6], [sflag:s4] =	dma.local [hbm:s3], $0xF7A  }
0x26: {  	[smem:$0x3F94] =	sst s1;
	(tag) =	ssettag s2;
	_ =	strace s9  }
0x27: {  	s1 =	sld [smem:$0x3FA4]  }
0x28: {  	s2 =	sld [smem:$0x3FA5]  }
0x29: {  	s4 =	sld [smem:$0x3FA7]  }
0x2a: {  	p0 =	seq.s32 s5, $0x0;
	s5 =	sld [smem:$0x3FA8]  }
0x2b: {  	s6 =	sld [smem:$0x3FA9]  }
0x2c: {  	s7 =	sld [smem:$0x3FAA]  }
0x2d: {  	s3 =	simm.s32 $0x108;
	s8 =	sld [smem:$0x3FAB]  }
0x2e: {  	s3 =	simm.s32 @!p0 $0x1082;
	s9 =	sld [smem:$0x3FAC]  }
0x2f: {  	lr =	sadd.s32 s0, s3;
	s0 =	sld [smem:$0x3FA3]  }
0x30: {  	s3 =	sld [smem:$0x3FA6]  }
0x31: {  	[smem:$0x3FAF] =	sst s10  }
0x32: {  	s10 =	sld [smem:$0x3FAD];
	_ =	sdelay $0x3  }
0x33: {  	p0 =	seq.s32 s10, $0x1;
	s10 =	sld [smem:$0x3FAF];
	_ =	sdelay $0x3  }
0x34: {  	[smem:$0x3FAF] =	sst s10  }
0x35: {  	s10 =	sld [smem:$0x3FAE];
	_ =	sdelay $0x3  }
0x36: {  	p1 =	seq.s32 s10, $0x1;
	s10 =	sld [smem:$0x3FAF];
	_ =	sdelay $0x3  }
0x37: {  	[smem:$0x3FAF] =	sst s10  }
0x38: {  	s10 =	sld [smem:$0x3FB0]  }
0x39: {  	_ = 	snop;
	(pc) =	sbr.ind lr, $3  }
0x3a: {  	_ = 	snop  }
0x3b: {  	_ = 	snop  }
0x3c: {  	p2 =	seq.s32 s10, $0x1;
	s10 =	sld [smem:$0x3FAF]  }
0x3d: {  	_ =	shalt  }
0x3e: {  	_ =	shalt  }
0x3f: {  	_ =	shalt  }
0x40: {  	_ =	shalt  }
0x41: {  	_ =	shalt  }
0x42: {  	_ =	shalt  }
0x43: {  	_ =	shalt  }
0x44: {  	_ =	shalt  }
0x45: {  	_ =	shalt  }
0x46: {  	_ =	shalt  }
0x47: {  	_ =	shalt  }
0x48: {  	_ =	shalt  }
0x49: {  	_ =	shalt  }
0x4a: {  	_ =	shalt  }
0x4b: {  	_ =	shalt  }
0x4c: {  	_ =	shalt  }
0x4d: {  	_ =	shalt  }
0x4e: {  	_ =	shalt  }
0x4f: {  	_ =	shalt  }
0x50: {  	_ =	shalt  }
0x51: {  	_ =	shalt  }
0x52: {  	_ =	shalt  }
0x53: {  	_ =	shalt  }
0x54: {  	_ =	shalt  }
0x55: {  	_ =	shalt  }
0x56: {  	_ =	shalt  }
0x57: {  	_ =	shalt  }
0x58: {  	_ =	shalt  }
0x59: {  	_ =	shalt  }
0x5a: {  	_ =	shalt  }
0x5b: {  	_ =	shalt  }
0x5c: {  	_ =	shalt  }
0x5d: {  	_ =	shalt  }
0x5e: {  	_ =	shalt  }
0x5f: {  	_ =	shalt  }
0x60: {  	_ =	shalt  }
0x61: {  	_ =	shalt  }
0x62: {  	_ =	shalt  }
0x63: {  	_ =	shalt  }
0x64: {  	_ =	shalt  }
0x65: {  	_ =	shalt  }
0x66: {  	_ =	shalt  }
0x67: {  	_ =	shalt  }
0x68: {  	_ =	shalt  }
0x69: {  	_ =	shalt  }
0x6a: {  	_ =	shalt  }
0x6b: {  	_ =	shalt  }
0x6c: {  	_ =	shalt  }
0x6d: {  	_ =	shalt  }
0x6e: {  	_ =	shalt  }
0x6f: {  	_ =	shalt  }
0x70: {  	_ =	shalt  }
0x71: {  	_ =	shalt  }
0x72: {  	_ =	shalt  }
0x73: {  	_ =	shalt  }
0x74: {  	_ =	shalt  }
0x75: {  	_ =	shalt  }
0x76: {  	_ =	shalt  }
0x77: {  	_ =	shalt  }
0x78: {  	_ =	shalt  }
0x79: {  	_ =	shalt  }
0x7a: {  	_ =	shalt  }
0x7b: {  	_ =	shalt  }
0x7c: {  	_ =	shalt  }
0x7d: {  	_ =	shalt  }
0x7e: {  	_ =	shalt  }
0x7f: {  	_ =	shalt  }
0x80: {  	_ =	shalt  }
0x81: {  	_ =	shalt  }
0x82: {  	_ =	shalt  }
0x83: {  	_ =	shalt  }
0x84: {  	_ =	shalt  }
0x85: {  	_ =	shalt  }
0x86: {  	_ =	shalt  }
0x87: {  	_ =	shalt  }
.Lfunc_end0:
.L_simem_size_0:
called_computation.2_lowered:
.L_overlay_start_0:
0x88: {  	s2 =	sld [smem:$0x3FD9]  }
0x89: {  	s3 =	sld [smem:$0x3FFE];
	_ =	sdelay $0x1  }
0x8a: {  	s1 =	srdreg.scid  }
0x8b: {  	s0 =	sand.u32 $0x1, s1  }
0x8c: {  	s17 =	sshll.u32 s0, $0xA;
	s2 =	sadd.s32 s3, s2  }
0x8d: {  	s2 =	sadd.s32 s2, s17  }
0x8e: {  	[smem:$0x3FBB] =	sst s2  }
0x8f: {  	_ = 	snop  }
0x90: {  	s2 =	sld [smem:$0x3FD0];
	(tm) =	ssettm $0x1  }
0x91: {  	s18 =	sld [smem:$0x3FFB];
	_ =	sdelay $0x3  }
0x92: {  	_ =	strace s18  }
0x93: {  	s3 =	sld [smem:$0x3FFC];
	_ =	sdelay $0x3  }
0x94: {  	_ =	strace s3  }
0x95: {  	s3 =	sld [smem:$0x3FFD];
	_ =	sdelay $0x3  }
0x96: {  	_ =	strace s3  }
0x97: {  	_ =	strace $0x8FFFFFFF  }
0x98: {  	s19 =	sld [smem:$0x3FDB];
	_ =	sdelay $0x1  }
0x99: {  	s4 =	simm.s32 $_scs_section_size  }
0x9a: {  	s5 =	simm.s32 $_size__tile_overlayer_lowered;
	s6 =	simm.s32 $_tile_overlayer_lowered  }
0x9b: {  	s22 =	simm.s32 $0x1BFF;
	s21 =	sshll.u32 s6, $0x1;
	s3 =	sadd.s32 s4, s19  }
0x9c: {  	s7 =	simm.s32 $0x0;
	s20 =	sshll.u32 s5, $0x1;
	s5 =	sadd.s32 s21, s3  }
0x9d: {  	[timem:s7], [sflag:s22] =	dma.local [hbm:s5], s20  }
0x9e: {  	_ =	swait.ge [sflag:s22], s20  }
0x9f: {  	s4 =	ssub.s32 $0x0, s20;
	[sflag:s22] =	ssyncset.done $0x0  }
0xa0: {  	[sflag:s22] =	ssyncadd.s32 s4;
	_ =	sdelay $0x1  }
0xa1: {  	s23 =	simm.s32 $0x1B8B  }
0xa2: {  	_ =	swait.ge [sflag:s23], $0x1  }
0xa3: {  	[sflag:s23] =	ssyncset.done $0x0  }
0xa4: {  	s25 =	simm.s32 $0x1B8E;
	s24 =	sld [smem:$0x3FFE];
	[sflag:s23] =	ssyncadd.s32 $0xFFFFFFFF  }
0xa5: {  	s26 =	simm.s32 $execute0_lowered;
	[smem:$0x3FD2] =	sst s25  }
0xa6: {  	s5 =	sshll.u32 s26, $0x1;
	_ =	strace $0x8000004C;
	[dreg:$0x1] =	wrdreg $0xFFFFFFFF  }
0xa7: {  	s28 =	simm.s32 $_size_execute0_lowered;
	s3 =	sadd.s32 s3, s5;
	[dreg:$0x0] =	wrdreg $0x0  }
0xa8: {  	s5 =	sshll.u32 s28, $0x1;
	[dreg:$0x2] =	wrdreg s3  }
0xa9: {  	[dreg:$0x3] =	wrdreg s5  }
0xaa: {  	[dreg:$0x4] =	wrdreg $0xC0  }
0xab: {  	_ =	task [dreg:s7], $0x5FFFF  }
0xac: {  	[dreg:$0x1] =	wrdreg $0xFFFFFFFF  }
0xad: {  	[dreg:$0x0] =	wrdreg $0x60  }
0xae: {  	[dreg:$0x2] =	wrdreg s24  }
0xaf: {  	[dreg:$0x3] =	wrdreg s2  }
0xb0: {  	[dreg:$0x4] =	wrdreg $0x44000  }
0xb1: {  	[dreg:$0x5] =	wrdreg $0x184200  }
0xb2: {  	[dreg:$0x6] =	wrdreg $0x9  }
0xb3: {  	_ =	task.clear_ibuf [dreg:s7], $0x7FFFF;
	_ =	strace $0x9000004C  }
0xb4: {  	s29 =	simm.s32 $0x9;
	_ =	strace $0x8000004E  }
0xb5: {  	_ =	swait.ge [sflag:s29], $0x1  }
0xb6: {  	[sflag:s29] =	ssyncadd.s32 $0xFFFFFFFF  }
0xb7: {  	_ =	strace $0x9000004E  }
0xb8: {  	_ =	sfence  }
0xb9: {  	s30 =	sld [smem:$0x0];
	_ =	sdelay $0x2  }
0xba: {  	s31 =	sshll.u32 s1, $0xD;
	s1 =	sshrl.u32 s1, $0x2  }
0xbb: {  	s3 =	sand.u32 $0x4000, s31;
	s1 =	sadd.s32 s1, s30  }
0xbc: {  	s0 =	sor.u32 s3, s0;
	s1 =	sshll.u32 s1, $0x11  }
0xbd: {  	s0 =	sor.u32 s1, s0  }
0xbe: {  	s0 =	sadd.s32 $0x8F2B, s0  }
0xbf: {  	[sflag:s0] =	ssyncadd.remote.s32 $0x1  }
0xc0: {  	_ =	sfence.sel $0xFFFF  }
0xc1: {  	[dreg:$0x0] =	wrdreg $0xFFFFFFFF;
	(pc) =	sbr.abs _section_cstart, $3  }
0xc2: {  	[dreg:$0x1] =	wrdreg $0xFFFFFFFF  }
0xc3: {  	_ =	task.clear_ibuf [dreg:s7], $0x2FFFF;
	_ =	strace $0x9FFFFFFF  }
0xc4: {  	(tm) =	ssettm $0x7FFFFFFF  }
0xc5: {  	_ =	shalt  }
tec
execute0_lowered:
.L_overlay_start_1:
0x0: {  	(tag) =	ssettag $0x1  }
0x1: {  	s0 =	rddreg [dreg:$0x0]  }
0x2: {  	s3 =	rddreg [dreg:$0x1]  }
0x3: {  	s1 =	rddreg [dreg:$0x2]  }
0x4: {  	s2 =	rddreg [dreg:$0x3];
	s4 =	simm.s32 $0x0  }
0x5: {  	s5 =	srdreg.scid;
	s13 =	stileid.u32;
	s28 =	simm.s32 $0x2400  }
0x6: {  	s29 =	simm.s32 $0x280;
	s30 =	simm.s32 $0x3400;
	s31 =	simm.s32 $0x100  }
0x7: {  	[smem:$0x7FF] =	sst s4;
	s5 =	sand.u32 $0x1, s5;
	s6 =	smul.u32 $0x50080, s13  }
0x8: {  	s7 =	sadd.s32 $0x3200, s0;
	s8 =	sadd.s32 $0x35200, s0;
	s12 =	smul.u32 $0x14000, s13  }
0x9: {  	s0 =	sadd.s32 $0x37C00, s0;
	s16 =	sshll.u32 s13, $0x6;
	s15 =	smul.u32 $0x1400, s13  }
0xa: {  	s13 =	simm.s32 $0x6;
	_ =	strace $0x8000004D;
	[dreg:$0x5] =	wrdreg s8  }
0xb: {  	s14 =	ssub.s32 $0x2, s5;
	s5 =	sshll.u32 s5, $0x6;
	s17 =	sor.u32 $0x1C03, s16  }
0xc: {  	[dreg:$0x6] =	wrdreg s16;
	s16 =	sor.u32 $0x1C04, s16;
	s9 =	sshrl.u32 s14, $0x1  }
0xd: {  	s10 =	sshrl.u32 s6, $0x2;
	[dreg:$0x7] =	wrdreg s17;
	s18 =	sshrl.u32 s12, $0x2  }
0xe: {  	s19 =	sor.u32 s5, s12;
	s8 =	sadd.s32 s3, s15;
	s22 =	sor.u32 $0x20, s5  }
0xf: {  	s5 =	sor.u32 s5, s6;
	s9 =	ssub.s32 s14, s9;
	s11 =	sadd.s32 s10, s1  }
0x10: {  	s14 =	sadd.s32 s18, s2;
	s20 =	sshrl.u32 s19, $0x3;
	s10 =	sadd.s32 $0x40, s8  }
0x11: {  	s12 =	sor.u32 s12, s22;
	s3 =	sor.u32 s6, s22;
	s5 =	sshrl.u32 s5, $0x3  }
0x12: {  	s18 =	simm.s32 $0x1;
	s19 =	simm.s32 $0x4;
	s22 =	simm.s32 $0x7  }
0x13: {  	s6 =	simm.s32 $0x0;
	s21 =	sadd.s32 s7, s20;
	s23 =	sshrl.u32 s12, $0x3  }
0x14: {  	s3 =	sshrl.u32 s3, $0x3;
	s5 =	sadd.s32 s0, s5;
	s25 =	smax.u32 s9, $0x1  }
0x15: {  	s15 =	sshrl.u32 s11, $0x3;
	s26 =	sshrl.u32 s14, $0x3;
	[dreg:$0x8] =	wrdreg s21  }
0x16: {  	s20 =	simm.s32 $0x10;
	s9 =	simm.s32 $0x2;
	[dreg:$0x9] =	wrdreg s5  }
0x17: {  	s11 =	simm.s32 $0x300;
	s12 =	simm.s32 $0x380;
	[dreg:$0xc] =	wrdreg s25  }
0x18: {  	s24 =	sadd.s32 s7, s23;
	s0 =	sadd.s32 s0, s3;
	[dreg:$0xd] =	wrdreg s26  }
0x19: {  	s21 =	simm.s32 $0x3;
	s23 =	simm.s32 $0x80;
	s25 =	simm.s32 $0x1400  }
0x1a: {  	s26 =	simm.s32 $0x200;
	s3 =	simm.s32 $0x5;
	[dreg:$0xa] =	wrdreg s24  }
0x1b: {  	[dreg:$0xb] =	wrdreg s0;
	s24 =	simm.s32 $0x400;
	s0 =	simm.s32 $0x180  }
.LBB2_1:
0x1c: {  	s5 =	rddreg [dreg:$0x5]  }
0x1d: {  	s7 =	rddreg [dreg:$0x7]  }
0x1e: {  	[spmem:s15], [sflag:s7] =	dma.local [hbm:s5], $0x2804  }
0x1f: {  	s5 =	rddreg [dreg:$0x8]  }
0x20: {  	s7 =	rddreg [dreg:$0xd]  }
0x21: {  	[spmem:s7@s19], [sflag:s16] =	dma.strided [hbm:s5@s20], $0xA00, s18, $0x4   }
0x22: {  	_ =	swait.ge [sflag:s21], $0x2804  }
0x23: {  	[sflag:s21] =	ssyncset.done $0x0  }
0x24: {  	[sflag:s21] =	ssyncadd.s32 $0xFFFFD7FC  }
0x25: {  	_ =	swait.ge [sflag:s19], $0xA00  }
0x26: {  	[sflag:s19] =	ssyncset.done $0x0  }
0x27: {  	[sflag:s19] =	ssyncadd.s32 $0xFFFFF600  }
0x28: {  	[bflag:$0x0] =	sbarrier.arrive $0xFFFF  }
0x29: {  	[tilespmem:s4], [sflag:$0x7] =	stream.linear.gather [hbm4b:s8+s4], $0x200, $0x38;
	[tilespmem:$0x1D420] =	vst v63  }
0x2a: {  	_ =	swait.ge [sflag:s22], $0x200  }
0x2b: {  	[sflag:s22] =	ssyncset.done $0x0  }
0x2c: {  	[sflag:s22] =	ssyncadd.s32 $0xFFFFFE00  }
0x2d: {  	[tilespmem:s24], [sflag:$0x1] =	stream.indirect.gather [spmem:s2], $0x20, s4, s23, $0xb8;
	[tilespmem:$0x1D420] =	vst v63  }
0x2e: {  	_ = 	snop  }
0x2f: {  	[tilespmem:s25], [sflag:$0x1] =	stream.indirect.gather [spmem:s2], $0x20, s23, s23, $0xb8;
	[tilespmem:$0x1D420] =	vst v63  }
0x30: {  	_ = 	snop  }
0x31: {  	[tilespmem:s26], [sflag:$0x4] =	stream.linear.gather [hbm4b:s10+s4], $0x200, $0x38;
	[tilespmem:$0x1D420] =	vst v63  }
0x32: {  	_ =	swait.ge [sflag:s19], $0x200  }
0x33: {  	[sflag:s19] =	ssyncset.done $0x0  }
0x34: {  	[sflag:s19] =	ssyncadd.s32 $0xFFFFFE00  }
0x35: {  	[tilespmem:s28], [sflag:$0x2] =	stream.indirect.gather [spmem:s2], $0x20, s26, s23, $0xb8;
	[tilespmem:$0x1D420] =	vst v63  }
0x36: {  	_ = 	snop  }
0x37: {  	[tilespmem:s30], [sflag:$0x2] =	stream.indirect.gather [spmem:s2], $0x20, s29, s23, $0xb8;
	[tilespmem:$0x1D420] =	vst v63  }
0x38: {  	_ =	swait.ge [sflag:s18], $0x2000  }
0x39: {  	[sflag:s18] =	ssyncset.done $0x0  }
0x3a: {  	[sflag:s18] =	ssyncadd.s32 $0xFFFFE000  }
0x3b: {  	[spmem:s1] =	stream.indirect.scatter.add.f32 [tilespmem:s24], [sflag:$0x5], $0x20, s31, s23, $0xb8;
	[tilespmem:$0x1D420] =	vst v63  }
0x3c: {  	_ = 	snop  }
0x3d: {  	[spmem:s1] =	stream.indirect.scatter.add.f32 [tilespmem:s25], [sflag:$0x5], $0x20, s0, s23, $0xb8;
	[tilespmem:$0x1D420] =	vst v63  }
0x3e: {  	_ =	swait.ge [sflag:s3], $0x2000  }
0x3f: {  	s5 =	sadd.s32 $0xFFFFEC80, s8;
	[sflag:s3] =	ssyncset.done $0x0  }
0x40: {  	s17 =	sadd.s32 $0x1400, s5;
	[sflag:s3] =	ssyncadd.s32 $0xFFFFE000  }
0x41: {  	[tilespmem:s4], [sflag:$0x3] =	stream.linear.gather [hbm4b:s17+s4], $0x200, $0x38;
	[tilespmem:$0x1D420] =	vst v63  }
0x42: {  	_ =	swait.ge [sflag:s9], $0x2000  }
0x43: {  	[sflag:s9] =	ssyncset.done $0x0  }
0x44: {  	[sflag:s9] =	ssyncadd.s32 $0xFFFFE000  }
0x45: {  	[spmem:s1] =	stream.indirect.scatter.add.f32 [tilespmem:s28], [sflag:$0x6], $0x20, s11, s23, $0xb8;
	[tilespmem:$0x1D420] =	vst v63  }
0x46: {  	_ = 	snop  }
0x47: {  	[spmem:s1] =	stream.indirect.scatter.add.f32 [tilespmem:s30], [sflag:$0x6], $0x20, s12, s23, $0xb8;
	[tilespmem:$0x1D420] =	vst v63  }
0x48: {  	_ =	swait.ge [sflag:s21], $0x200  }
0x49: {  	[sflag:s21] =	ssyncset.done $0x0  }
0x4a: {  	[sflag:s21] =	ssyncadd.s32 $0xFFFFFE00  }
0x4b: {  	[tilespmem:s24], [sflag:$0x1] =	stream.indirect.gather [spmem:s2], $0x20, s4, s23, $0xb8;
	[tilespmem:$0x1D420] =	vst v63  }
0x4c: {  	_ = 	snop  }
0x4d: {  	[tilespmem:s25], [sflag:$0x1] =	stream.indirect.gather [spmem:s2], $0x20, s23, s23, $0xb8;
	[tilespmem:$0x1D420] =	vst v63  }
0x4e: {  	_ =	swait.ge [sflag:s13], $0x2000  }
0x4f: {  	[sflag:s13] =	ssyncset.done $0x0  }
0x50: {  	s14 =	simm.s32 $0xFFFFED00;
	s5 =	sadd.s32 $0x1440, s5;
	[sflag:s13] =	ssyncadd.s32 $0xFFFFE000  }
.LBB2_2:
0x51: {  	[tilespmem:s26], [sflag:$0x4] =	stream.linear.gather [hbm4b:s5+s4], $0x200, $0x38;
	[tilespmem:$0x1D420] =	vst v63  }
0x52: {  	s5 =	smov.u32 s14  }
0x53: {  	p0 =	sne.s32 s14, $0xFFFFFF80;
	s14 =	sadd.s32 $0x80, s14;
	_ =	swait.ge [sflag:s19], $0x200  }
0x54: {  	[sflag:s19] =	ssyncset.done $0x0  }
0x55: {  	[sflag:s19] =	ssyncadd.s32 $0xFFFFFE00  }
0x56: {  	[tilespmem:s28], [sflag:$0x2] =	stream.indirect.gather [spmem:s2], $0x20, s26, s23, $0xb8;
	[tilespmem:$0x1D420] =	vst v63  }
0x57: {  	_ = 	snop  }
0x58: {  	[tilespmem:s30], [sflag:$0x2] =	stream.indirect.gather [spmem:s2], $0x20, s29, s23, $0xb8;
	[tilespmem:$0x1D420] =	vst v63  }
0x59: {  	_ =	swait.ge [sflag:s18], $0x2000  }
0x5a: {  	[sflag:s18] =	ssyncset.done $0x0  }
0x5b: {  	[sflag:s18] =	ssyncadd.s32 $0xFFFFE000  }
0x5c: {  	[spmem:s1] =	stream.indirect.scatter.add.f32 [tilespmem:s24], [sflag:$0x5], $0x20, s31, s23, $0xb8;
	[tilespmem:$0x1D420] =	vst v63  }
0x5d: {  	_ = 	snop  }
0x5e: {  	[spmem:s1] =	stream.indirect.scatter.add.f32 [tilespmem:s25], [sflag:$0x5], $0x20, s0, s23, $0xb8;
	[tilespmem:$0x1D420] =	vst v63  }
0x5f: {  	_ =	swait.ge [sflag:s3], $0x2000  }
0x60: {  	s5 =	sadd.s32 s5, s8;
	[sflag:s3] =	ssyncset.done $0x0  }
0x61: {  	s7 =	sadd.s32 $0x1400, s5;
	[sflag:s3] =	ssyncadd.s32 $0xFFFFE000  }
0x62: {  	[tilespmem:s4], [sflag:$0x3] =	stream.linear.gather [hbm4b:s7+s4], $0x200, $0x38;
	[tilespmem:$0x1D420] =	vst v63  }
0x63: {  	_ =	swait.ge [sflag:s9], $0x2000  }
0x64: {  	[sflag:s9] =	ssyncset.done $0x0  }
0x65: {  	[sflag:s9] =	ssyncadd.s32 $0xFFFFE000  }
0x66: {  	[spmem:s1] =	stream.indirect.scatter.add.f32 [tilespmem:s28], [sflag:$0x6], $0x20, s11, s23, $0xb8;
	[tilespmem:$0x1D420] =	vst v63  }
0x67: {  	_ = 	snop  }
0x68: {  	[spmem:s1] =	stream.indirect.scatter.add.f32 [tilespmem:s30], [sflag:$0x6], $0x20, s12, s23, $0xb8;
	[tilespmem:$0x1D420] =	vst v63  }
0x69: {  	_ =	swait.ge [sflag:s21], $0x200  }
0x6a: {  	[sflag:s21] =	ssyncset.done $0x0  }
0x6b: {  	[sflag:s21] =	ssyncadd.s32 $0xFFFFFE00  }
0x6c: {  	[tilespmem:s24], [sflag:$0x1] =	stream.indirect.gather [spmem:s2], $0x20, s4, s23, $0xb8;
	[tilespmem:$0x1D420] =	vst v63  }
.Ltmp0:
0x6d: {  	(pc) =	sbr.rel @p0 .LBB2_2-.Ltmp0, $4  }
0x6e: {  	[tilespmem:s25], [sflag:$0x1] =	stream.indirect.gather [spmem:s2], $0x20, s23, s23, $0xb8;
	[tilespmem:$0x1D420] =	vst v63  }
0x6f: {  	_ =	swait.ge [sflag:s13], $0x2000  }
0x70: {  	[sflag:s13] =	ssyncset.done $0x0  }
0x71: {  	s5 =	sadd.s32 $0x1440, s5;
	[sflag:s13] =	ssyncadd.s32 $0xFFFFE000  }
0x72: {  	[tilespmem:s26], [sflag:$0x4] =	stream.linear.gather [hbm4b:s5+s4], $0x200, $0x38;
	[tilespmem:$0x1D420] =	vst v63  }
0x73: {  	_ =	swait.ge [sflag:s19], $0x200  }
0x74: {  	[sflag:s19] =	ssyncset.done $0x0  }
0x75: {  	[sflag:s19] =	ssyncadd.s32 $0xFFFFFE00  }
0x76: {  	[tilespmem:s28], [sflag:$0x2] =	stream.indirect.gather [spmem:s2], $0x20, s26, s23, $0xb8;
	[tilespmem:$0x1D420] =	vst v63  }
0x77: {  	_ = 	snop  }
0x78: {  	[tilespmem:s30], [sflag:$0x2] =	stream.indirect.gather [spmem:s2], $0x20, s29, s23, $0xb8;
	[tilespmem:$0x1D420] =	vst v63  }
0x79: {  	_ =	swait.ge [sflag:s18], $0x2000  }
0x7a: {  	[sflag:s18] =	ssyncset.done $0x0  }
0x7b: {  	[sflag:s18] =	ssyncadd.s32 $0xFFFFE000  }
0x7c: {  	[spmem:s1] =	stream.indirect.scatter.add.f32 [tilespmem:s24], [sflag:$0x5], $0x20, s31, s23, $0xb8;
	[tilespmem:$0x1D420] =	vst v63  }
0x7d: {  	_ = 	snop  }
0x7e: {  	[spmem:s1] =	stream.indirect.scatter.add.f32 [tilespmem:s25], [sflag:$0x5], $0x20, s0, s23, $0xb8;
	[tilespmem:$0x1D420] =	vst v63  }
0x7f: {  	_ =	swait.ge [sflag:s3], $0x2000  }
0x80: {  	[sflag:s3] =	ssyncset.done $0x0  }
0x81: {  	[sflag:s3] =	ssyncadd.s32 $0xFFFFE000  }
0x82: {  	_ =	swait.ge [sflag:s9], $0x2000  }
0x83: {  	[sflag:s9] =	ssyncset.done $0x0  }
0x84: {  	[sflag:s9] =	ssyncadd.s32 $0xFFFFE000  }
0x85: {  	[spmem:s1] =	stream.indirect.scatter.add.f32 [tilespmem:s28], [sflag:$0x6], $0x20, s11, s23, $0xb8;
	[tilespmem:$0x1D420] =	vst v63  }
0x86: {  	_ = 	snop  }
0x87: {  	[spmem:s1] =	stream.indirect.scatter.add.f32 [tilespmem:s30], [sflag:$0x6], $0x20, s12, s23, $0xb8;
	[tilespmem:$0x1D420] =	vst v63  }
0x88: {  	_ =	swait.ge [sflag:s13], $0x2000  }
0x89: {  	[sflag:s13] =	ssyncset.done $0x0  }
0x8a: {  	[sflag:s13] =	ssyncadd.s32 $0xFFFFE000  }
0x8b: {  	[bflag:$0x0] =	sbarrier.arrive $0xFFFF  }
0x8c: {  	s17 =	rddreg [dreg:$0x6]  }
0x8d: {  	s7 =	rddreg [dreg:$0x9];
	s14 =	sor.u32 $0x1C07, s17  }
0x8e: {  	[hbm:s7@s20], [sflag:s14] =	dma.strided [spmem:s15@s19], $0x2804, s18, $0x4   }
0x8f: {  	_ =	swait.ge [sflag:s22], $0x2804  }
0x90: {  	[sflag:s22] =	ssyncset.done $0x0;
	s17 =	rddreg [dreg:$0x5]  }
0x91: {  	s7 =	rddreg [dreg:$0x7];
	[sflag:s22] =	ssyncadd.s32 $0xFFFFD7FC  }
0x92: {  	[spmem:s15], [sflag:s7] =	dma.local [hbm:s17], $0x2804  }
0x93: {  	s5 =	rddreg [dreg:$0xa]  }
0x94: {  	s7 =	rddreg [dreg:$0xd]  }
0x95: {  	[spmem:s7@s19], [sflag:s16] =	dma.strided [hbm:s5@s20], $0xA00, s18, $0x4   }
0x96: {  	_ =	swait.ge [sflag:s21], $0x2804  }
0x97: {  	[sflag:s21] =	ssyncset.done $0x0  }
0x98: {  	[sflag:s21] =	ssyncadd.s32 $0xFFFFD7FC  }
0x99: {  	_ =	swait.ge [sflag:s19], $0xA00  }
0x9a: {  	[sflag:s19] =	ssyncset.done $0x0  }
0x9b: {  	[sflag:s19] =	ssyncadd.s32 $0xFFFFF600  }
0x9c: {  	[bflag:$0x0] =	sbarrier.arrive $0xFFFF  }
0x9d: {  	[tilespmem:s4], [sflag:$0x7] =	stream.linear.gather [hbm4b:s8+s4], $0x200, $0x38;
	[tilespmem:$0x1D420] =	vst v63  }
0x9e: {  	_ =	swait.ge [sflag:s22], $0x200  }
0x9f: {  	[sflag:s22] =	ssyncset.done $0x0  }
0xa0: {  	[sflag:s22] =	ssyncadd.s32 $0xFFFFFE00  }
0xa1: {  	[tilespmem:s24], [sflag:$0x1] =	stream.indirect.gather [spmem:s2], $0x20, s4, s23, $0xb8;
	[tilespmem:$0x1D420] =	vst v63  }
0xa2: {  	_ = 	snop  }
0xa3: {  	[tilespmem:s25], [sflag:$0x1] =	stream.indirect.gather [spmem:s2], $0x20, s23, s23, $0xb8;
	[tilespmem:$0x1D420] =	vst v63  }
0xa4: {  	_ = 	snop  }
0xa5: {  	[tilespmem:s26], [sflag:$0x4] =	stream.linear.gather [hbm4b:s10+s4], $0x200, $0x38;
	[tilespmem:$0x1D420] =	vst v63  }
0xa6: {  	_ =	swait.ge [sflag:s19], $0x200  }
0xa7: {  	[sflag:s19] =	ssyncset.done $0x0  }
0xa8: {  	[sflag:s19] =	ssyncadd.s32 $0xFFFFFE00  }
0xa9: {  	[tilespmem:s28], [sflag:$0x2] =	stream.indirect.gather [spmem:s2], $0x20, s26, s23, $0xb8;
	[tilespmem:$0x1D420] =	vst v63  }
0xaa: {  	_ = 	snop  }
0xab: {  	[tilespmem:s30], [sflag:$0x2] =	stream.indirect.gather [spmem:s2], $0x20, s29, s23, $0xb8;
	[tilespmem:$0x1D420] =	vst v63  }
0xac: {  	_ =	swait.ge [sflag:s18], $0x2000  }
0xad: {  	[sflag:s18] =	ssyncset.done $0x0  }
0xae: {  	[sflag:s18] =	ssyncadd.s32 $0xFFFFE000  }
0xaf: {  	[spmem:s1] =	stream.indirect.scatter.add.f32 [tilespmem:s24], [sflag:$0x5], $0x20, s31, s23, $0xb8;
	[tilespmem:$0x1D420] =	vst v63  }
0xb0: {  	_ = 	snop  }
0xb1: {  	[spmem:s1] =	stream.indirect.scatter.add.f32 [tilespmem:s25], [sflag:$0x5], $0x20, s0, s23, $0xb8;
	[tilespmem:$0x1D420] =	vst v63  }
0xb2: {  	_ =	swait.ge [sflag:s3], $0x2000  }
0xb3: {  	s17 =	smov.u32 s16;
	s7 =	sadd.s32 $0xFFFFEC80, s8;
	[sflag:s3] =	ssyncset.done $0x0  }
0xb4: {  	s16 =	smov.u32 s10;
	s10 =	sadd.s32 $0x1400, s7;
	[sflag:s3] =	ssyncadd.s32 $0xFFFFE000  }
0xb5: {  	[tilespmem:s4], [sflag:$0x3] =	stream.linear.gather [hbm4b:s10+s4], $0x200, $0x38;
	[tilespmem:$0x1D420] =	vst v63  }
0xb6: {  	_ =	swait.ge [sflag:s9], $0x2000  }
0xb7: {  	[sflag:s9] =	ssyncset.done $0x0  }
0xb8: {  	[sflag:s9] =	ssyncadd.s32 $0xFFFFE000  }
0xb9: {  	[spmem:s1] =	stream.indirect.scatter.add.f32 [tilespmem:s28], [sflag:$0x6], $0x20, s11, s23, $0xb8;
	[tilespmem:$0x1D420] =	vst v63  }
0xba: {  	_ = 	snop  }
0xbb: {  	[spmem:s1] =	stream.indirect.scatter.add.f32 [tilespmem:s30], [sflag:$0x6], $0x20, s12, s23, $0xb8;
	[tilespmem:$0x1D420] =	vst v63  }
0xbc: {  	_ =	swait.ge [sflag:s21], $0x200  }
0xbd: {  	[sflag:s21] =	ssyncset.done $0x0  }
0xbe: {  	[sflag:s21] =	ssyncadd.s32 $0xFFFFFE00  }
0xbf: {  	[tilespmem:s24], [sflag:$0x1] =	stream.indirect.gather [spmem:s2], $0x20, s4, s23, $0xb8;
	[tilespmem:$0x1D420] =	vst v63  }
0xc0: {  	_ = 	snop  }
0xc1: {  	[tilespmem:s25], [sflag:$0x1] =	stream.indirect.gather [spmem:s2], $0x20, s23, s23, $0xb8;
	[tilespmem:$0x1D420] =	vst v63  }
0xc2: {  	_ =	swait.ge [sflag:s13], $0x2000  }
0xc3: {  	[sflag:s13] =	ssyncset.done $0x0  }
0xc4: {  	s5 =	simm.s32 $0xFFFFED00;
	s7 =	sadd.s32 $0x1440, s7;
	[sflag:s13] =	ssyncadd.s32 $0xFFFFE000  }
.LBB2_4:
0xc5: {  	[tilespmem:s26], [sflag:$0x4] =	stream.linear.gather [hbm4b:s7+s4], $0x200, $0x38;
	[tilespmem:$0x1D420] =	vst v63  }
0xc6: {  	s7 =	smov.u32 s5  }
0xc7: {  	p0 =	sne.s32 s5, $0xFFFFFF80;
	s5 =	sadd.s32 $0x80, s5;
	_ =	swait.ge [sflag:s19], $0x200  }
0xc8: {  	[sflag:s19] =	ssyncset.done $0x0  }
0xc9: {  	[sflag:s19] =	ssyncadd.s32 $0xFFFFFE00  }
0xca: {  	[tilespmem:s28], [sflag:$0x2] =	stream.indirect.gather [spmem:s2], $0x20, s26, s23, $0xb8;
	[tilespmem:$0x1D420] =	vst v63  }
0xcb: {  	_ = 	snop  }
0xcc: {  	[tilespmem:s30], [sflag:$0x2] =	stream.indirect.gather [spmem:s2], $0x20, s29, s23, $0xb8;
	[tilespmem:$0x1D420] =	vst v63  }
0xcd: {  	_ =	swait.ge [sflag:s18], $0x2000  }
0xce: {  	[sflag:s18] =	ssyncset.done $0x0  }
0xcf: {  	[sflag:s18] =	ssyncadd.s32 $0xFFFFE000  }
0xd0: {  	[spmem:s1] =	stream.indirect.scatter.add.f32 [tilespmem:s24], [sflag:$0x5], $0x20, s31, s23, $0xb8;
	[tilespmem:$0x1D420] =	vst v63  }
0xd1: {  	_ = 	snop  }
0xd2: {  	[spmem:s1] =	stream.indirect.scatter.add.f32 [tilespmem:s25], [sflag:$0x5], $0x20, s0, s23, $0xb8;
	[tilespmem:$0x1D420] =	vst v63  }
0xd3: {  	_ =	swait.ge [sflag:s3], $0x2000  }
0xd4: {  	s7 =	sadd.s32 s7, s8;
	[sflag:s3] =	ssyncset.done $0x0  }
0xd5: {  	s10 =	sadd.s32 $0x1400, s7;
	[sflag:s3] =	ssyncadd.s32 $0xFFFFE000  }
0xd6: {  	[tilespmem:s4], [sflag:$0x3] =	stream.linear.gather [hbm4b:s10+s4], $0x200, $0x38;
	[tilespmem:$0x1D420] =	vst v63  }
0xd7: {  	_ =	swait.ge [sflag:s9], $0x2000  }
0xd8: {  	[sflag:s9] =	ssyncset.done $0x0  }
0xd9: {  	[sflag:s9] =	ssyncadd.s32 $0xFFFFE000  }
0xda: {  	[spmem:s1] =	stream.indirect.scatter.add.f32 [tilespmem:s28], [sflag:$0x6], $0x20, s11, s23, $0xb8;
	[tilespmem:$0x1D420] =	vst v63  }
0xdb: {  	_ = 	snop  }
0xdc: {  	[spmem:s1] =	stream.indirect.scatter.add.f32 [tilespmem:s30], [sflag:$0x6], $0x20, s12, s23, $0xb8;
	[tilespmem:$0x1D420] =	vst v63  }
0xdd: {  	_ =	swait.ge [sflag:s21], $0x200  }
0xde: {  	[sflag:s21] =	ssyncset.done $0x0  }
0xdf: {  	[sflag:s21] =	ssyncadd.s32 $0xFFFFFE00  }
0xe0: {  	[tilespmem:s24], [sflag:$0x1] =	stream.indirect.gather [spmem:s2], $0x20, s4, s23, $0xb8;
	[tilespmem:$0x1D420] =	vst v63  }
.Ltmp1:
0xe1: {  	(pc) =	sbr.rel @p0 .LBB2_4-.Ltmp1, $4  }
0xe2: {  	[tilespmem:s25], [sflag:$0x1] =	stream.indirect.gather [spmem:s2], $0x20, s23, s23, $0xb8;
	[tilespmem:$0x1D420] =	vst v63  }
0xe3: {  	_ =	swait.ge [sflag:s13], $0x2000  }
0xe4: {  	[sflag:s13] =	ssyncset.done $0x0  }
0xe5: {  	s7 =	sadd.s32 $0x1440, s7;
	[sflag:s13] =	ssyncadd.s32 $0xFFFFE000  }
0xe6: {  	[tilespmem:s26], [sflag:$0x4] =	stream.linear.gather [hbm4b:s7+s4], $0x200, $0x38;
	[tilespmem:$0x1D420] =	vst v63  }
0xe7: {  	_ =	swait.ge [sflag:s19], $0x200  }
0xe8: {  	[sflag:s19] =	ssyncset.done $0x0  }
0xe9: {  	[sflag:s19] =	ssyncadd.s32 $0xFFFFFE00  }
0xea: {  	[tilespmem:s28], [sflag:$0x2] =	stream.indirect.gather [spmem:s2], $0x20, s26, s23, $0xb8;
	[tilespmem:$0x1D420] =	vst v63  }
0xeb: {  	_ = 	snop  }
0xec: {  	[tilespmem:s30], [sflag:$0x2] =	stream.indirect.gather [spmem:s2], $0x20, s29, s23, $0xb8;
	[tilespmem:$0x1D420] =	vst v63  }
0xed: {  	_ =	swait.ge [sflag:s18], $0x2000  }
0xee: {  	[sflag:s18] =	ssyncset.done $0x0  }
0xef: {  	[sflag:s18] =	ssyncadd.s32 $0xFFFFE000  }
0xf0: {  	[spmem:s1] =	stream.indirect.scatter.add.f32 [tilespmem:s24], [sflag:$0x5], $0x20, s31, s23, $0xb8;
	[tilespmem:$0x1D420] =	vst v63  }
0xf1: {  	_ = 	snop  }
0xf2: {  	[spmem:s1] =	stream.indirect.scatter.add.f32 [tilespmem:s25], [sflag:$0x5], $0x20, s0, s23, $0xb8;
	[tilespmem:$0x1D420] =	vst v63  }
0xf3: {  	_ =	swait.ge [sflag:s3], $0x2000  }
0xf4: {  	[sflag:s3] =	ssyncset.done $0x0  }
0xf5: {  	[sflag:s3] =	ssyncadd.s32 $0xFFFFE000  }
0xf6: {  	_ =	swait.ge [sflag:s9], $0x2000  }
0xf7: {  	[sflag:s9] =	ssyncset.done $0x0  }
0xf8: {  	[sflag:s9] =	ssyncadd.s32 $0xFFFFE000  }
0xf9: {  	[spmem:s1] =	stream.indirect.scatter.add.f32 [tilespmem:s28], [sflag:$0x6], $0x20, s11, s23, $0xb8;
	[tilespmem:$0x1D420] =	vst v63  }
0xfa: {  	_ = 	snop  }
0xfb: {  	[spmem:s1] =	stream.indirect.scatter.add.f32 [tilespmem:s30], [sflag:$0x6], $0x20, s12, s23, $0xb8;
	[tilespmem:$0x1D420] =	vst v63  }
0xfc: {  	_ =	swait.ge [sflag:s13], $0x2000  }
0xfd: {  	[sflag:s13] =	ssyncset.done $0x0  }
0xfe: {  	[sflag:s13] =	ssyncadd.s32 $0xFFFFE000  }
0xff: {  	[bflag:$0x0] =	sbarrier.arrive $0xFFFF  }
0x100: {  	s5 =	rddreg [dreg:$0xb]  }
0x101: {  	[hbm:s5@s20], [sflag:s14] =	dma.strided [spmem:s15@s19], $0x2804, s18, $0x4   }
0x102: {  	_ =	swait.ge [sflag:s22], $0x2804  }
0x103: {  	s6 =	sadd.s32 $0x1, s6;
	s14 =	rddreg [dreg:$0xc]  }
0x104: {  	p0 =	sne.s32 s6, s14  }
.Ltmp2:
0x105: {  	_ = 	snop;
	(pc) =	sbr.rel @p0 .LBB2_1-.Ltmp2, $3  }
0x106: {  	_ =	sdelay $0x1  }
0x107: {  	[sflag:s22] =	ssyncset.done $0x0  }
0x108: {  	s10 =	smov.u32 s16;
	s16 =	smov.u32 s17;
	[sflag:s22] =	ssyncadd.s32 $0xFFFFD7FC  }
0x109: {  	_ =	sfence.sel $0x180000  }
0x10a: {  	[bflag:$0x0] =	sbarrier.arrive $0xFFFF  }
0x10b: {  	_ =	strace $0x9000004D  }
0x10c: {  	s0 =	stileid.u32;
	[bflag:$0x2] =	sbarrier.arrive $0xFFFF  }
0x10d: {  	p0 =	sne.s32 s0, $0x0;
	s0 =	rddreg [dreg:$0x4]  }
0x10e: {  	s0 =	sadd.s32 @!p0 $0x100000, s0  }
0x10f: {  	[sflag:s0] =	ssyncadd.tile.s32 @!p0 $0x1;
	_ =	shalt  }
.Lfunc_end2:
_tile_overlayer_lowered:
.L_overlay_start_2:
0x110: {  	(tag) =	ssettag $0x2  }
0x111: {  	s0 =	rddreg [dreg:$0x0];
	s2 =	stileid.u32  }
0x112: {  	s1 =	rddreg [dreg:$0x1];
	p0 =	sne.s32 s2, $0x0  }
0x113: {  	s3 =	rddreg [dreg:$0x2];
	[bflag:$0x3] =	sbarrier.arrive $0xFFFF;
	s2 =	simm.s32 @!p0 $0x1C07  }
0x114: {  	[timem:s3], [sflag:s2] =	dma.local @!p0 [hbm:s0], s1  }
0x115: {  	s0 =	simm.s32 @!p0 $0x7  }
0x116: {  	_ =	swait.ge @!p0 [sflag:s0], s1  }
0x117: {  	s1 =	ssub.s32 @!p0 $0x0, s1;
	[sflag:s0] =	ssyncset.done @!p0 $0x0  }
0x118: {  	[sflag:s0] =	ssyncadd.s32 @!p0 s1  }
0x119: {  	[bflag:$0x3] =	sbarrier.arrive $0xFFFF  }
0x11a: {  	_ =	shalt  }

// kernel: kernel.7.cloned.1.call-start
scs
__scs_entry_jumppad:
0x0: {  	(pc) =	sbr.rel $0x88, $3  }
0x1: {  	(tag) =	ssettag $0x0;
	lr =	simm.s32 $0x1  }
0x2: {  	[smem:$0x3F94] =	sst lr;
	_ =	strace $0xD0000000  }
0x3: {  	_ = 	snop  }
0x4: {  	_ = 	snop  }
0x5: {  	_ = 	snop  }
0x6: {  	_ = 	snop  }
0x7: {  	_ = 	snop  }
__scs_overlays_trampoline_lowered:
0x8: {  	[smem:$0x3FA3] =	sst s0  }
0x9: {  	[smem:$0x3FA4] =	sst s1  }
0xa: {  	[smem:$0x3FA5] =	sst s2  }
0xb: {  	[smem:$0x3FA6] =	sst s3  }
0xc: {  	[smem:$0x3FA7] =	sst s4  }
0xd: {  	[smem:$0x3FA8] =	sst s5  }
0xe: {  	[smem:$0x3FA9] =	sst s6  }
0xf: {  	[smem:$0x3FAA] =	sst s7  }
0x10: {  	[smem:$0x3FAB] =	sst s8  }
0x11: {  	[smem:$0x3FAC] =	sst s9;
	s0 =	simm.s32 @!p0 $0x0  }
0x12: {  	s1 =	sld [smem:$0x3F92];
	s0 =	simm.s32 @p0 $0x1  }
0x13: {  	[smem:$0x3FAD] =	sst s0;
	s0 =	simm.s32 @!p1 $0x0  }
0x14: {  	s2 =	sld [smem:$0x3F91];
	s0 =	simm.s32 @p1 $0x1  }
0x15: {  	[smem:$0x3FAE] =	sst s0;
	s0 =	simm.s32 @!p2 $0x0  }
0x16: {  	s3 =	sld [smem:$0x3FDB];
	s0 =	simm.s32 @p2 $0x1  }
0x17: {  	s4 =	simm.s32 $0x1BF5;
	[smem:$0x3FB0] =	sst s0  }
0x18: {  	s0 =	sld [smem:$0x3F93];
	_ =	swait.ge [sflag:s4], $0x0  }
0x19: {  	s7 =	sld [smem:$0x3F94]  }
0x1a: {  	s8 =	sadd.s32 $0xFFFFE003, lr  }
0x1b: {  	s9 =	sadd.s32 $0xFFFFFEF7, lr;
	s5 =	simm.s32 $0xFFFFFFFF;
	p2 =	slt.u32 s8, $0xFFFFF086  }
0x1c: {  	p1 =	slt.u32 s9, $0xF7A;
	s5 =	simm.s32 @!p2 $0x0  }
0x1d: {  	s5 =	simm.s32 @p1 $0x1;
	p0 =	seq.s32 s7, s2  }
0x1e: {  	s7 =	smul.u32 @!p0 $0xF7A, s2;
	p2 =	seq.s32 @!p0 s5, $0x0  }
0x1f: {  	s9 =	smul.u32 $0xF7A, s1;
	s8 =	simm.s32 @!p0 $0x1BF5;
	p2 =	por !p2, p0  }
0x20: {  	[sflag:s8] =	ssyncset.s32 @!p0 $0xFFFFF086;
	s6 =	sadd.s32 @!p0 s3, s7;
	s7 =	simm.s32 @!p0 $0x108  }
0x21: {  	s3 =	sadd.s32 s3, s9;
	s6 =	sadd.s32 @!p0 $0x88, s6;
	s7 =	simm.s32 @p2 $0x1082  }
0x22: {  	[simem:s7], [sflag:s8] =	dma.local @!p0 [hbm:s6], $0xF7A  }
0x23: {  	s9 =	sor.u32 $0xD0000000, s2;
	s6 =	simm.s32 $0x108;
	_ =	swait.ge @!p0 [sflag:s8], $0x0  }
0x24: {  	s3 =	sadd.s32 $0x88, s3;
	s6 =	simm.s32 @!p1 $0x1082;
	[sflag:s4] =	ssyncset.s32 $0xFFFFF086  }
0x25: {  	[simem:s6], [sflag:s4] =	dma.local [hbm:s3], $0xF7A  }
0x26: {  	[smem:$0x3F94] =	sst s1;
	(tag) =	ssettag s2;
	_ =	strace s9  }
0x27: {  	s1 =	sld [smem:$0x3FA4]  }
0x28: {  	s2 =	sld [smem:$0x3FA5]  }
0x29: {  	s4 =	sld [smem:$0x3FA7]  }
0x2a: {  	p0 =	seq.s32 s5, $0x0;
	s5 =	sld [smem:$0x3FA8]  }
0x2b: {  	s6 =	sld [smem:$0x3FA9]  }
0x2c: {  	s7 =	sld [smem:$0x3FAA]  }
0x2d: {  	s3 =	simm.s32 $0x108;
	s8 =	sld [smem:$0x3FAB]  }
0x2e: {  	s3 =	simm.s32 @!p0 $0x1082;
	s9 =	sld [smem:$0x3FAC]  }
0x2f: {  	lr =	sadd.s32 s0, s3;
	s0 =	sld [smem:$0x3FA3]  }
0x30: {  	s3 =	sld [smem:$0x3FA6]  }
0x31: {  	[smem:$0x3FAF] =	sst s10  }
0x32: {  	s10 =	sld [smem:$0x3FAD];
	_ =	sdelay $0x3  }
0x33: {  	p0 =	seq.s32 s10, $0x1;
	s10 =	sld [smem:$0x3FAF];
	_ =	sdelay $0x3  }
0x34: {  	[smem:$0x3FAF] =	sst s10  }
0x35: {  	s10 =	sld [smem:$0x3FAE];
	_ =	sdelay $0x3  }
0x36: {  	p1 =	seq.s32 s10, $0x1;
	s10 =	sld [smem:$0x3FAF];
	_ =	sdelay $0x3  }
0x37: {  	[smem:$0x3FAF] =	sst s10  }
0x38: {  	s10 =	sld [smem:$0x3FB0]  }
0x39: {  	_ = 	snop;
	(pc) =	sbr.ind lr, $3  }
0x3a: {  	_ = 	snop  }
0x3b: {  	_ = 	snop  }
0x3c: {  	p2 =	seq.s32 s10, $0x1;
	s10 =	sld [smem:$0x3FAF]  }
0x3d: {  	_ =	shalt  }
0x3e: {  	_ =	shalt  }
0x3f: {  	_ =	shalt  }
0x40: {  	_ =	shalt  }
0x41: {  	_ =	shalt  }
0x42: {  	_ =	shalt  }
0x43: {  	_ =	shalt  }
0x44: {  	_ =	shalt  }
0x45: {  	_ =	shalt  }
0x46: {  	_ =	shalt  }
0x47: {  	_ =	shalt  }
0x48: {  	_ =	shalt  }
0x49: {  	_ =	shalt  }
0x4a: {  	_ =	shalt  }
0x4b: {  	_ =	shalt  }
0x4c: {  	_ =	shalt  }
0x4d: {  	_ =	shalt  }
0x4e: {  	_ =	shalt  }
0x4f: {  	_ =	shalt  }
0x50: {  	_ =	shalt  }
0x51: {  	_ =	shalt  }
0x52: {  	_ =	shalt  }
0x53: {  	_ =	shalt  }
0x54: {  	_ =	shalt  }
0x55: {  	_ =	shalt  }
0x56: {  	_ =	shalt  }
0x57: {  	_ =	shalt  }
0x58: {  	_ =	shalt  }
0x59: {  	_ =	shalt  }
0x5a: {  	_ =	shalt  }
0x5b: {  	_ =	shalt  }
0x5c: {  	_ =	shalt  }
0x5d: {  	_ =	shalt  }
0x5e: {  	_ =	shalt  }
0x5f: {  	_ =	shalt  }
0x60: {  	_ =	shalt  }
0x61: {  	_ =	shalt  }
0x62: {  	_ =	shalt  }
0x63: {  	_ =	shalt  }
0x64: {  	_ =	shalt  }
0x65: {  	_ =	shalt  }
0x66: {  	_ =	shalt  }
0x67: {  	_ =	shalt  }
0x68: {  	_ =	shalt  }
0x69: {  	_ =	shalt  }
0x6a: {  	_ =	shalt  }
0x6b: {  	_ =	shalt  }
0x6c: {  	_ =	shalt  }
0x6d: {  	_ =	shalt  }
0x6e: {  	_ =	shalt  }
0x6f: {  	_ =	shalt  }
0x70: {  	_ =	shalt  }
0x71: {  	_ =	shalt  }
0x72: {  	_ =	shalt  }
0x73: {  	_ =	shalt  }
0x74: {  	_ =	shalt  }
0x75: {  	_ =	shalt  }
0x76: {  	_ =	shalt  }
0x77: {  	_ =	shalt  }
0x78: {  	_ =	shalt  }
0x79: {  	_ =	shalt  }
0x7a: {  	_ =	shalt  }
0x7b: {  	_ =	shalt  }
0x7c: {  	_ =	shalt  }
0x7d: {  	_ =	shalt  }
0x7e: {  	_ =	shalt  }
0x7f: {  	_ =	shalt  }
0x80: {  	_ =	shalt  }
0x81: {  	_ =	shalt  }
0x82: {  	_ =	shalt  }
0x83: {  	_ =	shalt  }
0x84: {  	_ =	shalt  }
0x85: {  	_ =	shalt  }
0x86: {  	_ =	shalt  }
0x87: {  	_ =	shalt  }
.Lfunc_end0:
.L_simem_size_0:
called_computation_lowered:
.L_overlay_start_0:
0x88: {  	s2 =	sld [smem:$0x3FD9]  }
0x89: {  	s3 =	sld [smem:$0x3FFE];
	_ =	sdelay $0x1  }
0x8a: {  	s1 =	srdreg.scid  }
0x8b: {  	s0 =	sand.u32 $0x1, s1  }
0x8c: {  	s17 =	sshll.u32 s0, $0xA;
	s2 =	sadd.s32 s3, s2  }
0x8d: {  	s2 =	sadd.s32 s2, s17  }
0x8e: {  	[smem:$0x3FBB] =	sst s2  }
0x8f: {  	_ = 	snop  }
0x90: {  	(tm) =	ssettm $0x1  }
0x91: {  	s18 =	sld [smem:$0x3FFB];
	_ =	sdelay $0x3  }
0x92: {  	_ =	strace s18  }
0x93: {  	s2 =	sld [smem:$0x3FFC];
	_ =	sdelay $0x3  }
0x94: {  	_ =	strace s2  }
0x95: {  	s2 =	sld [smem:$0x3FFD];
	_ =	sdelay $0x3  }
0x96: {  	_ =	strace s2  }
0x97: {  	_ =	strace $0x8FFFFFFF  }
0x98: {  	s19 =	sld [smem:$0x3FDB];
	_ =	sdelay $0x1  }
0x99: {  	s20 =	simm.s32 $_scs_section_size  }
0x9a: {  	s4 =	simm.s32 $_size__tile_overlayer_lowered;
	s5 =	simm.s32 $_tile_overlayer_lowered  }
0x9b: {  	s6 =	simm.s32 $0x1BFF;
	s21 =	sshll.u32 s5, $0x1;
	s3 =	sadd.s32 s20, s19  }
0x9c: {  	s22 =	simm.s32 $0x0;
	s4 =	sshll.u32 s4, $0x1;
	s5 =	sadd.s32 s21, s3  }
0x9d: {  	[timem:s22], [sflag:s6] =	dma.local [hbm:s5], s4  }
0x9e: {  	_ =	swait.ge [sflag:s6], s4  }
0x9f: {  	s4 =	ssub.s32 $0x0, s4;
	[sflag:s6] =	ssyncset.done $0x0  }
0xa0: {  	[sflag:s6] =	ssyncadd.s32 s4;
	_ =	sdelay $0x1  }
0xa1: {  	s23 =	simm.s32 $0x1B8B  }
0xa2: {  	_ =	swait.ge [sflag:s23], $0x1  }
0xa3: {  	[sflag:s23] =	ssyncset.done $0x0  }
0xa4: {  	[sflag:s23] =	ssyncadd.s32 $0xFFFFFFFF  }
0xa5: {  	s4 =	sld [smem:$0x0]  }
0xa6: {  	s5 =	sand.u32 $0xFFFFFFFE, s1  }
0xa7: {  	p0 =	sne.s32 s1, s5  }
0xa8: {  	s5 =	sshll.u32 @p0 s5, $0xE  }
0xa9: {  	s5 =	sadd.s32 @p0 $0x11B8D, s5;
	s6 =	sshll.u32 @p0 s4, $0x11  }
0xaa: {  	s5 =	sor.u32 @p0 s6, s5  }
0xab: {  	[sflag:s5] =	ssyncadd.remote.s32 @p0 $0x1;
	_ =	sdelay $0x1  }
0xac: {  	s5 =	simm.s32 @p0 $0x1B8D  }
0xad: {  	_ =	swait.eq @p0 [sflag:s5], $0x1  }
0xae: {  	[sflag:s5] =	ssyncadd.s32 @p0 $0xFFFFFFFF  }
0xaf: {  	s6 =	sshll.u32 @!p0 s1, $0xE  }
0xb0: {  	s6 =	sor.u32 @!p0 $0x4000, s6;
	s5 =	simm.s32 @!p0 $0x1B8D  }
0xb1: {  	s4 =	sshll.u32 @!p0 s4, $0x11;
	s6 =	sadd.s32 @!p0 $0x11B8D, s6;
	_ =	swait.eq @!p0 [sflag:s5], $0x1  }
0xb2: {  	s4 =	sor.u32 @!p0 s4, s6;
	[sflag:s5] =	ssyncadd.s32 @!p0 $0xFFFFFFFF  }
0xb3: {  	s25 =	simm.s32 $0x1B8E;
	s24 =	sld [smem:$0x3FFE];
	[sflag:s4] =	ssyncadd.remote.s32 @!p0 $0x1  }
0xb4: {  	s26 =	simm.s32 $execute0_lowered;
	[smem:$0x3FD2] =	sst s25  }
0xb5: {  	s5 =	sshll.u32 s26, $0x1;
	_ =	strace $0x80000049;
	[dreg:$0x1] =	wrdreg $0xFFFFFFFF  }
0xb6: {  	s28 =	simm.s32 $_size_execute0_lowered;
	s3 =	sadd.s32 s3, s5;
	[dreg:$0x0] =	wrdreg $0x0  }
0xb7: {  	s5 =	sshll.u32 s28, $0x1;
	[dreg:$0x2] =	wrdreg s3  }
0xb8: {  	[dreg:$0x3] =	wrdreg s5  }
0xb9: {  	[dreg:$0x4] =	wrdreg $0xC0  }
0xba: {  	_ =	task [dreg:s22], $0x5FFFF  }
0xbb: {  	[dreg:$0x1] =	wrdreg $0xFFFFFFFF  }
0xbc: {  	[dreg:$0x0] =	wrdreg $0x60  }
0xbd: {  	[dreg:$0x2] =	wrdreg s24  }
0xbe: {  	[dreg:$0x3] =	wrdreg $0x10000  }
0xbf: {  	[dreg:$0x4] =	wrdreg $0x9  }
0xc0: {  	_ =	task.clear_ibuf [dreg:s22], $0x5FFFF;
	_ =	strace $0x90000049  }
0xc1: {  	s29 =	simm.s32 $0x9;
	_ =	strace $0x8000004B  }
0xc2: {  	_ =	swait.ge [sflag:s29], $0x1  }
0xc3: {  	[sflag:s29] =	ssyncadd.s32 $0xFFFFFFFF  }
0xc4: {  	_ =	strace $0x9000004B  }
0xc5: {  	_ =	sfence  }
0xc6: {  	s30 =	sld [smem:$0x0];
	_ =	sdelay $0x2  }
0xc7: {  	s31 =	sshll.u32 s1, $0xD;
	s1 =	sshrl.u32 s1, $0x2  }
0xc8: {  	s4 =	sand.u32 $0x4000, s31;
	s1 =	sadd.s32 s1, s30  }
0xc9: {  	s0 =	sor.u32 s4, s0;
	s1 =	sshll.u32 s1, $0x11  }
0xca: {  	s0 =	sor.u32 s1, s0  }
0xcb: {  	s0 =	sadd.s32 $0x8F2B, s0  }
0xcc: {  	[sflag:s0] =	ssyncadd.remote.s32 $0x1  }
0xcd: {  	_ =	sfence.sel $0xFFFF  }
0xce: {  	[dreg:$0x0] =	wrdreg $0xFFFFFFFF;
	(pc) =	sbr.abs _section_cstart, $3  }
0xcf: {  	[dreg:$0x1] =	wrdreg $0xFFFFFFFF  }
0xd0: {  	_ =	task.clear_ibuf [dreg:s22], $0x2FFFF;
	_ =	strace $0x9FFFFFFF  }
0xd1: {  	(tm) =	ssettm $0x7FFFFFFF  }
tec
execute0_lowered:
.L_overlay_start_1:
0x0: {  	(tag) =	ssettag $0x1  }
0x1: {  	s0 =	rddreg [dreg:$0x0]  }
0x2: {  	s2 =	rddreg [dreg:$0x1]  }
0x3: {  	s1 =	srdreg.scid;
	s10 =	stileid.u32;
	s3 =	simm.s32 $0x0  }
0x4: {  	s13 =	simm.s32 $0x800;
	s14 =	simm.s32 $0x3;
	s17 =	simm.s32 $0x400  }
0x5: {  	s18 =	simm.s32 $0x80;
	s19 =	simm.s32 $0x100;
	s20 =	simm.s32 $0x180  }
0x6: {  	s21 =	simm.s32 $0x200;
	s28 =	simm.s32 $0x500;
	s29 =	simm.s32 $0x580  }
0x7: {  	s30 =	simm.s32 $0x600;
	s31 =	simm.s32 $0x680;
	s1 =	sand.u32 $0x1, s1  }
0x8: {  	s5 =	smul.u32 $0xA010, s10;
	[smem:$0x7FF] =	sst s3;
	s9 =	sadd.s32 $0xD7E00, s0  }
0x9: {  	s22 =	smul.u32 $0x2800, s10;
	s11 =	sadd.s32 $0xD9400, s0;
	s26 =	sshll.u32 s10, $0x6  }
0xa: {  	s6 =	smul.u32 $0xA0100, s1;
	_ =	strace $0x8000004A;
	[dreg:$0x3] =	wrdreg s9  }
0xb: {  	s4 =	sshll.u32 s1, $0x4;
	s8 =	smul.u32 $0x28000, s1;
	[dreg:$0x4] =	wrdreg s11  }
0xc: {  	s1 =	ssub.s32 $0x2, s1;
	s15 =	sor.u32 $0x1C03, s26;
	s4 =	sor.u32 s10, s4  }
0xd: {  	s26 =	simm.s32 $0x480;
	s23 =	sshrl.u32 s1, $0x1;
	s7 =	smul.u32 $0x2800, s4  }
0xe: {  	s4 =	sadd.s32 $0x3200, s0;
	s6 =	sadd.s32 s5, s6;
	s8 =	sadd.s32 s22, s8  }
0xf: {  	s1 =	ssub.s32 s1, s23;
	s5 =	sadd.s32 s5, s2;
	s22 =	simm.s32 $0x280  }
0x10: {  	s23 =	simm.s32 $0x300;
	s6 =	sshrl.u32 s6, $0x3;
	s24 =	sadd.s32 $0xC00, s8  }
0x11: {  	s25 =	smax.u32 s1, $0x1;
	s8 =	sadd.s32 $0x800, s8;
	s16 =	sshrl.u32 s5, $0x3  }
0x12: {  	s1 =	simm.s32 $0x780;
	s5 =	simm.s32 $0x1;
	s0 =	sadd.s32 s6, s0  }
.Ltmp0:
0x13: {  	s7 =	sshrl.u32 s7, $0x3;
	s6 =	sshrl.u32 s24, $0x3;
	(pc) =	sbr.rel .LBB2_1-.Ltmp0, $4  }
0x14: {  	[dreg:$0x8] =	wrdreg s25;
	s24 =	simm.s32 $0x380;
	s7 =	sadd.s32 s4, s7  }
0x15: {  	s25 =	simm.s32 $0x2;
	s0 =	sadd.s32 $0xD9600, s0;
	[dreg:$0x5] =	wrdreg s7  }
0x16: {  	s11 =	sadd.s32 s6, s4;
	s7 =	sadd.s32 $0x80, s7;
	[dreg:$0x7] =	wrdreg s0  }
0x17: {  	s6 =	simm.s32 $0x0;
	s0 =	simm.s32 $0x700;
	[dreg:$0x6] =	wrdreg s7  }
.LBB2_4:
0x18: {  	[bflag:$0x0] =	sbarrier.arrive $0xFFFF  }
0x19: {  	s7 =	rddreg [dreg:$0x7]  }
0x1a: {  	[hbm:s7], [sflag:s15] =	dma.local [spmem:s16], $0x1402  }
0x1b: {  	_ =	swait.ge [sflag:s14], $0x1402  }
0x1c: {  	s6 =	sadd.s32 $0x1, s6;
	s12 =	rddreg [dreg:$0x8]  }
0x1d: {  	p0 =	sne.s32 s6, s12  }
.Ltmp1:
0x1e: {  	_ = 	snop;
	(pc) =	sbr.rel @!p0 .LBB2_5-.Ltmp1, $3  }
0x1f: {  	_ =	sdelay $0x1  }
0x20: {  	[sflag:s14] =	ssyncset.done $0x0  }
0x21: {  	[sflag:s14] =	ssyncadd.s32 $0xFFFFEBFE  }
.LBB2_1:
0x22: {  	s7 =	rddreg [dreg:$0x4]  }
0x23: {  	[tilespmem:s13], [sflag:$0x3] =	stream.linear.gather [hbm4b:s7+s3], $0x800, $0x38;
	[tilespmem:$0xB010] =	vst v63  }
0x24: {  	_ =	swait.ge [sflag:s14], $0x800  }
0x25: {  	[sflag:s14] =	ssyncset.done $0x0  }
0x26: {  	s9 =	rddreg [dreg:$0x3];
	[sflag:s14] =	ssyncadd.s32 $0xFFFFF800  }
0x27: {  	[spmem:s16], [sflag:s15] =	dma.local [hbm:s9], $0x1402  }
0x28: {  	_ =	swait.ge [sflag:s14], $0x1402  }
0x29: {  	[sflag:s14] =	ssyncset.done $0x0  }
0x2a: {  	[sflag:s14] =	ssyncadd.s32 $0xFFFFEBFE  }
0x2b: {  	[bflag:$0x0] =	sbarrier.arrive $0xFFFF  }
0x2c: {  	s10 =	rddreg [dreg:$0x5]  }
0x2d: {  	[tilespmem:s3], [sflag:$0x3] =	stream.linear.gather [hbm4b:s10+s3], $0x400, $0x38;
	[tilespmem:$0xB010] =	vst v63  }
0x2e: {  	_ =	swait.ge [sflag:s14], $0x400  }
0x2f: {  	[sflag:s14] =	ssyncset.done $0x0  }
0x30: {  	s12 =	rddreg [dreg:$0x6];
	[sflag:s14] =	ssyncadd.s32 $0xFFFFFC00  }
0x31: {  	[tilespmem:s17], [sflag:$0x2] =	stream.linear.gather [hbm4b:s12+s3], $0x400, $0x38;
	[tilespmem:$0xB010] =	vst v63  }
0x32: {  	s7 =	simm.s32 $0x0;
	s12 =	smov.u32 s8  }
.LBB2_2:
0x33: {  	[spmem:s2] =	stream.indirect.scatter.add.f32 [tilespmem:s13], [sflag:$0x3], $0x10, s3, s18, $0xb8;
	[tilespmem:$0xB010] =	vst v63  }
0x34: {  	_ =	swait.ge [sflag:s14], $0x800  }
0x35: {  	[sflag:s14] =	ssyncset.done $0x0  }
0x36: {  	[sflag:s14] =	ssyncadd.s32 $0xFFFFF800  }
0x37: {  	[spmem:s2] =	stream.indirect.scatter.add.f32 [tilespmem:s13], [sflag:$0x3], $0x10, s18, s18, $0xb8;
	[tilespmem:$0xB010] =	vst v63  }
0x38: {  	_ =	swait.ge [sflag:s14], $0x800  }
0x39: {  	[sflag:s14] =	ssyncset.done $0x0  }
0x3a: {  	[sflag:s14] =	ssyncadd.s32 $0xFFFFF800  }
0x3b: {  	[spmem:s2] =	stream.indirect.scatter.add.f32 [tilespmem:s13], [sflag:$0x3], $0x10, s19, s18, $0xb8;
	[tilespmem:$0xB010] =	vst v63  }
0x3c: {  	_ =	swait.ge [sflag:s14], $0x800  }
0x3d: {  	[sflag:s14] =	ssyncset.done $0x0  }
0x3e: {  	[sflag:s14] =	ssyncadd.s32 $0xFFFFF800  }
0x3f: {  	[spmem:s2] =	stream.indirect.scatter.add.f32 [tilespmem:s13], [sflag:$0x3], $0x10, s20, s18, $0xb8;
	[tilespmem:$0xB010] =	vst v63  }
0x40: {  	_ =	swait.ge [sflag:s14], $0x800  }
0x41: {  	[sflag:s14] =	ssyncset.done $0x0  }
0x42: {  	[sflag:s14] =	ssyncadd.s32 $0xFFFFF800  }
0x43: {  	[spmem:s2] =	stream.indirect.scatter.add.f32 [tilespmem:s13], [sflag:$0x3], $0x10, s21, s18, $0xb8;
	[tilespmem:$0xB010] =	vst v63  }
0x44: {  	_ =	swait.ge [sflag:s14], $0x800  }
0x45: {  	[sflag:s14] =	ssyncset.done $0x0  }
0x46: {  	[sflag:s14] =	ssyncadd.s32 $0xFFFFF800  }
0x47: {  	[spmem:s2] =	stream.indirect.scatter.add.f32 [tilespmem:s13], [sflag:$0x3], $0x10, s22, s18, $0xb8;
	[tilespmem:$0xB010] =	vst v63  }
0x48: {  	_ =	swait.ge [sflag:s14], $0x800  }
0x49: {  	[sflag:s14] =	ssyncset.done $0x0  }
0x4a: {  	[sflag:s14] =	ssyncadd.s32 $0xFFFFF800  }
0x4b: {  	[spmem:s2] =	stream.indirect.scatter.add.f32 [tilespmem:s13], [sflag:$0x3], $0x10, s23, s18, $0xb8;
	[tilespmem:$0xB010] =	vst v63  }
0x4c: {  	_ =	swait.ge [sflag:s14], $0x800  }
0x4d: {  	[sflag:s14] =	ssyncset.done $0x0  }
0x4e: {  	[sflag:s14] =	ssyncadd.s32 $0xFFFFF800  }
0x4f: {  	[spmem:s2] =	stream.indirect.scatter.add.f32 [tilespmem:s13], [sflag:$0x3], $0x10, s24, s18, $0xb8;
	[tilespmem:$0xB010] =	vst v63  }
0x50: {  	p0 =	seq.s32 s7, $0x400;
	_ =	swait.ge [sflag:s14], $0x800  }
0x51: {  	s9 =	sshrl.u32 @!p0 s12, $0x3;
	[sflag:s14] =	ssyncset.done $0x0  }
0x52: {  	s10 =	simm.s32 @!p0 $0x0;
	s9 =	sadd.s32 @!p0 s4, s9;
	[sflag:s14] =	ssyncadd.s32 $0xFFFFF800  }
0x53: {  	[tilespmem:s10], [sflag:$0x1] =	stream.linear.gather @!p0 [hbm4b:s9+s10], $0x400, $0x38;
	[tilespmem:$0xB010] =	vst v63  }
0x54: {  	_ =	swait.ge [sflag:s25], $0x400  }
0x55: {  	[sflag:s25] =	ssyncset.done $0x0  }
0x56: {  	[sflag:s25] =	ssyncadd.s32 $0xFFFFFC00  }
0x57: {  	[spmem:s2] =	stream.indirect.scatter.add.f32 [tilespmem:s13], [sflag:$0x3], $0x10, s17, s18, $0xb8;
	[tilespmem:$0xB010] =	vst v63  }
0x58: {  	_ =	swait.ge [sflag:s14], $0x800  }
0x59: {  	[sflag:s14] =	ssyncset.done $0x0  }
0x5a: {  	[sflag:s14] =	ssyncadd.s32 $0xFFFFF800  }
0x5b: {  	[spmem:s2] =	stream.indirect.scatter.add.f32 [tilespmem:s13], [sflag:$0x3], $0x10, s26, s18, $0xb8;
	[tilespmem:$0xB010] =	vst v63  }
0x5c: {  	_ =	swait.ge [sflag:s14], $0x800  }
0x5d: {  	[sflag:s14] =	ssyncset.done $0x0  }
0x5e: {  	[sflag:s14] =	ssyncadd.s32 $0xFFFFF800  }
0x5f: {  	[spmem:s2] =	stream.indirect.scatter.add.f32 [tilespmem:s13], [sflag:$0x3], $0x10, s28, s18, $0xb8;
	[tilespmem:$0xB010] =	vst v63  }
0x60: {  	_ =	swait.ge [sflag:s14], $0x800  }
0x61: {  	[sflag:s14] =	ssyncset.done $0x0  }
0x62: {  	[sflag:s14] =	ssyncadd.s32 $0xFFFFF800  }
0x63: {  	[spmem:s2] =	stream.indirect.scatter.add.f32 [tilespmem:s13], [sflag:$0x3], $0x10, s29, s18, $0xb8;
	[tilespmem:$0xB010] =	vst v63  }
0x64: {  	_ =	swait.ge [sflag:s14], $0x800  }
0x65: {  	[sflag:s14] =	ssyncset.done $0x0  }
0x66: {  	[sflag:s14] =	ssyncadd.s32 $0xFFFFF800  }
0x67: {  	[spmem:s2] =	stream.indirect.scatter.add.f32 [tilespmem:s13], [sflag:$0x3], $0x10, s30, s18, $0xb8;
	[tilespmem:$0xB010] =	vst v63  }
0x68: {  	_ =	swait.ge [sflag:s14], $0x800  }
0x69: {  	[sflag:s14] =	ssyncset.done $0x0  }
0x6a: {  	[sflag:s14] =	ssyncadd.s32 $0xFFFFF800  }
0x6b: {  	[spmem:s2] =	stream.indirect.scatter.add.f32 [tilespmem:s13], [sflag:$0x3], $0x10, s31, s18, $0xb8;
	[tilespmem:$0xB010] =	vst v63  }
0x6c: {  	_ =	swait.ge [sflag:s14], $0x800  }
0x6d: {  	[sflag:s14] =	ssyncset.done $0x0  }
0x6e: {  	[sflag:s14] =	ssyncadd.s32 $0xFFFFF800  }
0x6f: {  	[spmem:s2] =	stream.indirect.scatter.add.f32 [tilespmem:s13], [sflag:$0x3], $0x10, s0, s18, $0xb8;
	[tilespmem:$0xB010] =	vst v63  }
0x70: {  	_ =	swait.ge [sflag:s14], $0x800  }
0x71: {  	[sflag:s14] =	ssyncset.done $0x0  }
.Ltmp2:
0x72: {  	[sflag:s14] =	ssyncadd.s32 $0xFFFFF800;
	(pc) =	sbr.rel @p0 .LBB2_4-.Ltmp2, $4  }
0x73: {  	[spmem:s2] =	stream.indirect.scatter.add.f32 [tilespmem:s13], [sflag:$0x3], $0x10, s1, s18, $0xb8;
	[tilespmem:$0xB010] =	vst v63  }
0x74: {  	_ =	swait.ge [sflag:s14], $0x800  }
0x75: {  	[sflag:s14] =	ssyncset.done $0x0  }
0x76: {  	[sflag:s14] =	ssyncadd.s32 $0xFFFFF800  }
.Ltmp3:
0x77: {  	s9 =	sadd.s32 s7, s11;
	(pc) =	sbr.rel .LBB2_2-.Ltmp3, $4  }
0x78: {  	[tilespmem:s17], [sflag:$0x2] =	stream.linear.gather [hbm4b:s9+s3], $0x400, $0x38;
	[tilespmem:$0xB010] =	vst v63  }
0x79: {  	_ =	swait.ge [sflag:s5], $0x400  }
0x7a: {  	[sflag:s5] =	ssyncset.done $0x0  }
0x7b: {  	s7 =	sadd.s32 $0x100, s7;
	s12 =	sadd.s32 $0x800, s12;
	[sflag:s5] =	ssyncadd.s32 $0xFFFFFC00  }
.LBB2_5:
0x7c: {  	_ =	sfence.sel $0x180000  }
0x7d: {  	[bflag:$0x0] =	sbarrier.arrive $0xFFFF  }
0x7e: {  	_ =	strace $0x9000004A  }
0x7f: {  	s0 =	stileid.u32;
	[bflag:$0x2] =	sbarrier.arrive $0xFFFF  }
0x80: {  	p0 =	sne.s32 s0, $0x0;
	s0 =	rddreg [dreg:$0x2]  }
0x81: {  	s0 =	sadd.s32 @!p0 $0x100000, s0  }
0x82: {  	[sflag:s0] =	ssyncadd.tile.s32 @!p0 $0x1;
	_ =	shalt  }
.Lfunc_end2:
_tile_overlayer_lowered:
.L_overlay_start_2:
0x83: {  	(tag) =	ssettag $0x2  }
0x84: {  	s0 =	rddreg [dreg:$0x0];
	s2 =	stileid.u32  }
0x85: {  	s1 =	rddreg [dreg:$0x1];
	p0 =	sne.s32 s2, $0x0  }
0x86: {  	s3 =	rddreg [dreg:$0x2];
	[bflag:$0x3] =	sbarrier.arrive $0xFFFF;
	s2 =	simm.s32 @!p0 $0x1C03  }
0x87: {  	[timem:s3], [sflag:s2] =	dma.local @!p0 [hbm:s0], s1  }
0x88: {  	s0 =	simm.s32 @!p0 $0x3  }
0x89: {  	_ =	swait.ge @!p0 [sflag:s0], s1  }
0x8a: {  	s1 =	ssub.s32 @!p0 $0x0, s1;
	[sflag:s0] =	ssyncset.done @!p0 $0x0  }
0x8b: {  	[sflag:s0] =	ssyncadd.s32 @!p0 s1  }
0x8c: {  	[bflag:$0x3] =	sbarrier.arrive $0xFFFF  }
0x8d: {  	_ =	shalt  }

</sc_bundles>
